<compile_context>
chip_gen: v7x
topology: tpu7x:2x2x1
jax: 0.10.2.dev20260603
libtpu: 0.0.44.dev20260713+nightly
codegen_flags: <defaults>
</compile_context>

<pallas_src>
import functools
import math

import jax
import jax.numpy as jnp
from jax import lax
from jax.experimental import pallas as pl
from jax.experimental.pallas import tpu as pltpu
from jax.experimental.pallas import tpu_sc as plsc

_K = 10
_ALPHA = 0.1
_T = 16
_B = 128
_L = 16
_NB = 2


def _round_up(v, m):
    return (v + m - 1) // m * m


def kernel(x, edge_index, W1, b1, W2, b2):
    N, F = x.shape
    H = W1.shape[1]
    C = W2.shape[1]
    E = edge_index.shape[1]
    assert C == _L

    R = _round_up(math.ceil((N + 1) / _T), _L)
    Npad = R * _T
    CH = _round_up(math.ceil(E / (_T * _B)), 2 * _NB)
    Epad = _T * CH * _B
    CHs = CH + _NB

    src = edge_index[0]
    dst = edge_index[1]
    pad_e = Epad - E
    srcp = jnp.concatenate([src, jnp.zeros((pad_e,), src.dtype)]).reshape(_T, CH, _B)
    srcp = jnp.pad(srcp, ((0, 0), (0, _NB), (0, 0)))
    dstp = jnp.concatenate([dst, jnp.full((pad_e,), N, dst.dtype)]).reshape(_T, CH, _B)
    x_pad = jnp.pad(x, ((0, Npad - N), (0, 0)))

    mesh = plsc.VectorSubcoreMesh(core_axis_name="c", subcore_axis_name="s",
                                  num_cores=1)
    sc_params = pltpu.CompilerParams(needs_layout_passes=False,
                                     use_tc_tiling_on_sc=False)

    @functools.partial(
        pl.kernel,
        out_type=jax.ShapeDtypeStruct((Npad,), jnp.float32),
        mesh=mesh,
        compiler_params=sc_params,
        scratch_types=[
            pltpu.VMEM((CH * _B,), jnp.int32),
            pltpu.VMEM((Npad,), jnp.float32),
            pltpu.VMEM((_T, R), jnp.float32),
            pltpu.VMEM((R,), jnp.float32),
            pltpu.VMEM_SHARED((_T, Npad), jnp.float32),
        ],
    )
    def deg_kernel(dst_hbm, deg_hbm, dst_v, hist_v, blk_v, out_v, part_sp):
        sid = lax.axis_index("s")
        pltpu.sync_copy(dst_hbm.at[sid], dst_v)

        def zbody(i, c):
            for u in range(8):
                hist_v[pl.ds((i * 8 + u) * _L, _L)] = jnp.zeros((_L,), jnp.float32)
            return c
        lax.fori_loop(0, Npad // (8 * _L), zbody, 0)

        ones = jnp.ones((_L,), jnp.float32)

        def hbody(j, c):
            for u in range(8):
                idx = dst_v[pl.ds((j * 8 + u) * _L, _L)]
                plsc.addupdate_scatter(hist_v, [idx], ones)
            return c
        lax.fori_loop(0, (CH * _B) // (8 * _L), hbody, 0)

        pltpu.sync_copy(hist_v, part_sp.at[sid])
        plsc.subcore_barrier()
        for r in range(_T):
            pltpu.sync_copy(part_sp.at[r, pl.ds(sid * R, R)], blk_v.at[r])

        def cbody(c, carry):
            acc = blk_v[0, pl.ds(c * _L, _L)]
            for r in range(1, _T):
                acc = acc + blk_v[r, pl.ds(c * _L, _L)]
            out_v[pl.ds(c * _L, _L)] = acc + 1.0
            return carry
        lax.fori_loop(0, R // _L, cbody, 0)
        pltpu.sync_copy(out_v, deg_hbm.at[pl.ds(sid * R, R)])

    deg = deg_kernel(dstp.reshape(_T, CH * _B))

    @functools.partial(
        pl.pallas_call,
        grid=(Npad // R,),
        in_specs=[
            pl.BlockSpec((R, F), lambda i: (i, 0)),
            pl.BlockSpec((F, H), lambda i: (0, 0)),
            pl.BlockSpec((1, H), lambda i: (0, 0)),
            pl.BlockSpec((H, C), lambda i: (0, 0)),
            pl.BlockSpec((1, C), lambda i: (0, 0)),
        ],
        out_specs=pl.BlockSpec((R, C), lambda i: (i, 0)),
        out_shape=jax.ShapeDtypeStruct((Npad, C), jnp.float32),
    )
    def mlp_kernel(x_ref, w1_ref, b1_ref, w2_ref, b2_ref, h_ref):
        h1 = jnp.dot(x_ref[...], w1_ref[...],
                     preferred_element_type=jnp.float32) + b1_ref[...]
        h1 = jnp.maximum(h1, 0.0)
        h_ref[...] = jnp.dot(h1, w2_ref[...],
                             preferred_element_type=jnp.float32) + b2_ref[...]

    h = mlp_kernel(x_pad, W1, b1.reshape(1, H), W2, b2.reshape(1, C))

    @functools.partial(
        pl.kernel,
        out_type=jax.ShapeDtypeStruct((Npad, C), jnp.float32),
        mesh=mesh,
        compiler_params=sc_params,
        scratch_types=[
            pltpu.VMEM((CHs, _B), jnp.int32),
            pltpu.VMEM((CH, _B), jnp.int32),
            pltpu.VMEM((R, C), jnp.float32),
            pltpu.VMEM((R, C), jnp.float32),
            pltpu.VMEM((R, C), jnp.float32),
            pltpu.VMEM((R, C), jnp.float32),
            pltpu.VMEM((2 * _NB * _B, C), jnp.float32),
            pltpu.VMEM((R,), jnp.float32),
            pltpu.VMEM((R,), jnp.float32),
            pltpu.VMEM((R,), jnp.float32),
            pltpu.VMEM_SHARED((Npad, C), jnp.float32),
            pltpu.VMEM_SHARED((Npad, C), jnp.float32),
            pltpu.SemaphoreType.DMA,
        ],
    )
    def prop_kernel(src_hbm, dst_hbm, h_hbm, deg_hbm, zt_hbm,
                    src_v, dst_v, zt_own, zt0_own, a_own, agg_own, rows,
                    deg_v, dinv_v, ab1_v, agg_sp, zt_sp, gsem):
        sid = lax.axis_index("s")
        base = sid * R
        pltpu.sync_copy(src_hbm.at[sid], src_v)
        pltpu.sync_copy(dst_hbm.at[sid], dst_v)
        pltpu.sync_copy(h_hbm.at[pl.ds(base, R)], zt0_own)
        pltpu.sync_copy(deg_hbm.at[pl.ds(base, R)], deg_v)

        def dbody(i, c):
            d = deg_v[pl.ds(i * _L, _L)]
            yi = jnp.int32(0x5F3759DF) - lax.shift_right_logical(
                lax.bitcast_convert_type(d, jnp.int32), 1)
            y = lax.bitcast_convert_type(yi, jnp.float32)
            for _ in range(3):
                y = y * (1.5 - 0.5 * d * y * y)
            dinv_v[pl.ds(i * _L, _L)] = y
            ab1_v[pl.ds(i * _L, _L)] = (1.0 - _ALPHA) / d
            return c
        lax.fori_loop(0, R // _L, dbody, 0)

        def ebody(r8, c):
            for u in range(8):
                r = r8 * 8 + u
                idx = jnp.broadcast_to(r, (_L,))
                dv = plsc.load_gather(dinv_v, [idx])
                av = plsc.load_gather(ab1_v, [idx])
                z0 = zt0_own[r] * dv
                zt0_own[r] = z0
                a_own[r] = av
                zt_own[r] = z0
            return c
        lax.fori_loop(0, R // 8, ebody, 0)

        pltpu.sync_copy(zt_own, zt_sp.at[pl.ds(base, R)])
        pltpu.sync_copy(zt_own, agg_sp.at[pl.ds(base, R)])
        plsc.subcore_barrier()

        def buf(b):
            return rows.at[pl.ds(b * _B, _B)]

        def fire(j, b):
            pltpu.async_copy(zt_sp.at[src_v.at[j]], buf(b), gsem)

        def drain(b):
            pltpu.make_async_copy(zt_hbm.at[pl.ds(0, _B)], buf(b), gsem).wait()

        def scat(j, b):
            pltpu.sync_copy(buf(b), agg_sp.at[dst_v.at[j]], add=True)

        def kbody(k, carry):
            for b in range(_NB):
                fire(b, b)

            def gbody(p, c):
                gb = p * 2 * _NB
                for b in range(_NB):
                    fire(gb + _NB + b, _NB + b)
                for b in range(_NB):
                    drain(b)
                    scat(gb + b, b)
                for b in range(_NB):
                    fire(gb + 2 * _NB + b, b)
                for b in range(_NB):
                    drain(_NB + b)
                    scat(gb + _NB + b, _NB + b)
                return c
            lax.fori_loop(0, CH // (2 * _NB), gbody, 0)
            for b in range(_NB):
                drain(b)
            plsc.subcore_barrier()

            pltpu.sync_copy(agg_sp.at[pl.ds(base, R)], agg_own)

            def rbody(r8, c):
                for u in range(8):
                    r = r8 * 8 + u
                    zt_own[r] = a_own[r] * agg_own[r] + _ALPHA * zt0_own[r]
                return c
            lax.fori_loop(0, R // 8, rbody, 0)
            pltpu.sync_copy(zt_own, zt_sp.at[pl.ds(base, R)])
            pltpu.sync_copy(zt_own, agg_sp.at[pl.ds(base, R)])
            plsc.subcore_barrier()
            return carry
        lax.fori_loop(0, _K, kbody, 0)
        pltpu.sync_copy(zt_own, zt_hbm.at[pl.ds(base, R)])

    ztK = prop_kernel(srcp, dstp, h, deg)

    @functools.partial(
        pl.pallas_call,
        out_shape=jax.ShapeDtypeStruct((Npad, C), jnp.float32),
    )
    def out_kernel(zt_ref, deg_ref, o_ref):
        z = zt_ref[...] * jnp.sqrt(deg_ref[...])
        m = jnp.max(z, axis=1, keepdims=True)
        e = jnp.exp(z - m)
        s = jnp.sum(e, axis=1, keepdims=True)
        o_ref[...] = z - (jnp.log(s) + m)

    out = out_kernel(ztK, deg.reshape(Npad, 1))
    return out[:N]

# --- scband reference (transcript-rebuilt; emitter-appended) ---
"""Pipeline reference for scband-appnp-net-85985245266268 (READ-ONLY COPY).

The authoritative reference and input builder live on the scoring server;
editing this copy changes nothing except your own understanding.
"""

import jax, jax.numpy as jnp
import numpy as np

N = 10000
E = 320000
F = 128
H = 64
C = 16
K = 10
ALPHA = 0.1


def setup_inputs(seed: int = 0) -> dict:
    key = jax.random.key(seed)
    k1, k2, k3, k4, k5, k6 = jax.random.split(key, 6)
    x = jax.random.normal(k1, (N, F), dtype=jnp.float32)
    edge_index = jax.random.randint(k2, (2, E), 0, N, dtype=jnp.int32)
    W1 = jax.random.normal(k3, (F, H), dtype=jnp.float32) * (1.0 / np.sqrt(F))
    b1 = jnp.zeros((H,), dtype=jnp.float32)
    W2 = jax.random.normal(k4, (H, C), dtype=jnp.float32) * (1.0 / np.sqrt(H))
    b2 = jnp.zeros((C,), dtype=jnp.float32)
    return {"x": x, "edge_index": edge_index, "W1": W1, "b1": b1, "W2": W2, "b2": b2}


def reference(x, edge_index, W1, b1, W2, b2):
    # MLP (dropout is identity in eval mode)
    h = jnp.maximum(x @ W1 + b1, 0.0)
    h = h @ W2 + b2
    # APPNP propagation with GCN normalization (add self loops, sym norm)
    src = edge_index[0]
    dst = edge_index[1]
    loop = jnp.arange(N, dtype=edge_index.dtype)
    src = jnp.concatenate([src, loop])
    dst = jnp.concatenate([dst, loop])
    ones = jnp.ones(src.shape[0], dtype=jnp.float32)
    deg = jax.ops.segment_sum(ones, dst, num_segments=N)
    dinv = jax.lax.rsqrt(jnp.maximum(deg, 1e-12))
    norm = dinv[src] * dinv[dst]
    z = h
    for _ in range(K):
        msg = norm[:, None] * z[src]
        agg = jax.ops.segment_sum(msg, dst, num_segments=N)
        z = (1.0 - ALPHA) * agg + ALPHA * h
    return jax.nn.log_softmax(z, axis=1)

if __name__ == "__main__":
    import jax
    _d = setup_inputs()
    print(jax.jit(kernel)(*tuple(_d.values())))

</pallas_src>

<mosaic_0001>
#map = affine_map<(d0, d1) -> (0, 0)>
#map1 = affine_map<(d0, d1) -> (0)>
module attributes {stable_mosaic.version = 14 : i64} {
  func.func @deg_kernel(%arg0: i32, %arg1: i32, %arg2: memref<16x20480xi32, #tpu.memory_space<hbm>>, %arg3: memref<10240xf32, #tpu.memory_space<hbm>>, %arg4: memref<20480xi32, #tpu.memory_space<vmem>>, %arg5: memref<10240xf32, #tpu.memory_space<vmem>>, %arg6: memref<16x640xf32, #tpu.memory_space<vmem>>, %arg7: memref<640xf32, #tpu.memory_space<vmem>>, %arg8: memref<16x10240xf32, #tpu.memory_space<vmem_shared>>) attributes {dimension_semantics = [#tpu.dimension_semantics<core_parallel>, #tpu.dimension_semantics<subcore_parallel>], iteration_bounds = array<i64: 1, 16>, scalar_prefetch = 0 : i64, scratch_operands = 5 : i64, tpu.core_type = #tpu.core_type<sc_vector_subcore>, window_params = [{transform_indices = #map}, {transform_indices = #map1}]} {
    "tpu.region"() ({
      %run_scoped3A_82 = tpu.sem_alloc : memref<!tpu.dma_semaphore, #tpu.memory_space<semaphore_mem>>
      %dma_start3A = arith.constant 0 : i32
      %dma_start3A_83 = tpu.memref_slice %arg2[%arg1, %dma_start3A] : memref<16x20480xi32, #tpu.memory_space<hbm>> -> memref<1x20480xi32, #tpu.memory_space<hbm>>
      %dma_start3A_84 = tpu.memref_squeeze %dma_start3A_83 : memref<1x20480xi32, #tpu.memory_space<hbm>> -> memref<20480xi32, #tpu.memory_space<hbm>>
      %dma_start3A_85 = arith.constant 0 : i32
      %dma_start3A_86 = tpu.memref_slice %arg2[%arg1, %dma_start3A_85] : memref<16x20480xi32, #tpu.memory_space<hbm>> -> memref<1x20480xi32, #tpu.memory_space<hbm>>
      %dma_start3A_87 = tpu.memref_squeeze %dma_start3A_86 : memref<1x20480xi32, #tpu.memory_space<hbm>> -> memref<20480xi32, #tpu.memory_space<hbm>>
      tpu.enqueue_dma source(%dma_start3A_87 : memref<20480xi32, #tpu.memory_space<hbm>>) target(%arg4 : memref<20480xi32, #tpu.memory_space<vmem>>) target_semaphore(%run_scoped3A_82 : memref<!tpu.dma_semaphore, #tpu.memory_space<semaphore_mem>>)
      %dma_wait3A = arith.constant 0 : i32
      %dma_wait3A_88 = tpu.memref_slice %arg2[%arg1, %dma_wait3A] : memref<16x20480xi32, #tpu.memory_space<hbm>> -> memref<1x20480xi32, #tpu.memory_space<hbm>>
      %dma_wait3A_89 = tpu.memref_squeeze %dma_wait3A_88 : memref<1x20480xi32, #tpu.memory_space<hbm>> -> memref<20480xi32, #tpu.memory_space<hbm>>
      %dma_wait3A_90 = arith.constant 0 : i32
      %dma_wait3A_91 = tpu.memref_slice %arg2[%arg1, %dma_wait3A_90] : memref<16x20480xi32, #tpu.memory_space<hbm>> -> memref<1x20480xi32, #tpu.memory_space<hbm>>
      %dma_wait3A_92 = tpu.memref_squeeze %dma_wait3A_91 : memref<1x20480xi32, #tpu.memory_space<hbm>> -> memref<20480xi32, #tpu.memory_space<hbm>>
      tpu.wait_dma2 semaphore(%run_scoped3A_82 : memref<!tpu.dma_semaphore, #tpu.memory_space<semaphore_mem>>) src(%dma_wait3A_92 : memref<20480xi32, #tpu.memory_space<hbm>>) dst(%arg4 : memref<20480xi32, #tpu.memory_space<vmem>>)
      tpu.yield
    }) : () -> ()
    %scan3A = arith.constant 0 : i32
    %scan3A_0 = arith.constant 0 : i32
    %scan3A_1 = arith.constant 80 : i32
    %scan3A_2 = arith.addi %scan3A_0, %scan3A_1 : i32
    %scan3A_3 = arith.constant 1 : i32
    scf.for %scan3A_82 = %scan3A_0 to %scan3A_2 step %scan3A_3  : i32 {
      %broadcast_in_dim3A_83 = arith.constant 0.000000e+00 : f32
      %broadcast_in_dim3A_84 = vector.broadcast %broadcast_in_dim3A_83 : f32 to vector<16xf32>
      %mul3A_85 = arith.constant 8 : i32
      %mul3A_86 = arith.muli %scan3A_82, %mul3A_85 : i32
      %add3A = arith.constant 0 : i32
      %add3A_87 = arith.addi %mul3A_86, %add3A : i32
      %mul3A_88 = arith.constant 16 : i32
      %mul3A_89 = arith.muli %add3A_87, %mul3A_88 : i32
      %swap3A = arith.index_cast %mul3A_89 : i32 to index
      %swap3A_90 = tpu.vector_load %arg5[%swap3A] {strides = array<i32>} : memref<10240xf32, #tpu.memory_space<vmem>>, vector<16xf32>,
      tpu.vector_store %arg5[%swap3A], %broadcast_in_dim3A_84 {strides = array<i32>} : memref<10240xf32, #tpu.memory_space<vmem>>, vector<16xf32>,
      %broadcast_in_dim3A_91 = arith.constant 0.000000e+00 : f32
      %broadcast_in_dim3A_92 = vector.broadcast %broadcast_in_dim3A_91 : f32 to vector<16xf32>
      %mul3A_93 = arith.constant 8 : i32
      %mul3A_94 = arith.muli %scan3A_82, %mul3A_93 : i32
      %add3A_95 = arith.constant 1 : i32
      %add3A_96 = arith.addi %mul3A_94, %add3A_95 : i32
      %mul3A_97 = arith.constant 16 : i32
      %mul3A_98 = arith.muli %add3A_96, %mul3A_97 : i32
      %swap3A_99 = arith.index_cast %mul3A_98 : i32 to index
      %swap3A_100 = tpu.vector_load %arg5[%swap3A_99] {strides = array<i32>} : memref<10240xf32, #tpu.memory_space<vmem>>, vector<16xf32>,
      tpu.vector_store %arg5[%swap3A_99], %broadcast_in_dim3A_92 {strides = array<i32>} : memref<10240xf32, #tpu.memory_space<vmem>>, vector<16xf32>,
      %broadcast_in_dim3A_101 = arith.constant 0.000000e+00 : f32
      %broadcast_in_dim3A_102 = vector.broadcast %broadcast_in_dim3A_101 : f32 to vector<16xf32>
      %mul3A_103 = arith.constant 8 : i32
      %mul3A_104 = arith.muli %scan3A_82, %mul3A_103 : i32
      %add3A_105 = arith.constant 2 : i32
      %add3A_106 = arith.addi %mul3A_104, %add3A_105 : i32
      %mul3A_107 = arith.constant 16 : i32
      %mul3A_108 = arith.muli %add3A_106, %mul3A_107 : i32
      %swap3A_109 = arith.index_cast %mul3A_108 : i32 to index
      %swap3A_110 = tpu.vector_load %arg5[%swap3A_109] {strides = array<i32>} : memref<10240xf32, #tpu.memory_space<vmem>>, vector<16xf32>,
      tpu.vector_store %arg5[%swap3A_109], %broadcast_in_dim3A_102 {strides = array<i32>} : memref<10240xf32, #tpu.memory_space<vmem>>, vector<16xf32>,
      %broadcast_in_dim3A_111 = arith.constant 0.000000e+00 : f32
      %broadcast_in_dim3A_112 = vector.broadcast %broadcast_in_dim3A_111 : f32 to vector<16xf32>
      %mul3A_113 = arith.constant 8 : i32
      %mul3A_114 = arith.muli %scan3A_82, %mul3A_113 : i32
      %add3A_115 = arith.constant 3 : i32
      %add3A_116 = arith.addi %mul3A_114, %add3A_115 : i32
      %mul3A_117 = arith.constant 16 : i32
      %mul3A_118 = arith.muli %add3A_116, %mul3A_117 : i32
      %swap3A_119 = arith.index_cast %mul3A_118 : i32 to index
      %swap3A_120 = tpu.vector_load %arg5[%swap3A_119] {strides = array<i32>} : memref<10240xf32, #tpu.memory_space<vmem>>, vector<16xf32>,
      tpu.vector_store %arg5[%swap3A_119], %broadcast_in_dim3A_112 {strides = array<i32>} : memref<10240xf32, #tpu.memory_space<vmem>>, vector<16xf32>,
      %broadcast_in_dim3A_121 = arith.constant 0.000000e+00 : f32
      %broadcast_in_dim3A_122 = vector.broadcast %broadcast_in_dim3A_121 : f32 to vector<16xf32>
      %mul3A_123 = arith.constant 8 : i32
      %mul3A_124 = arith.muli %scan3A_82, %mul3A_123 : i32
      %add3A_125 = arith.constant 4 : i32
      %add3A_126 = arith.addi %mul3A_124, %add3A_125 : i32
      %mul3A_127 = arith.constant 16 : i32
      %mul3A_128 = arith.muli %add3A_126, %mul3A_127 : i32
      %swap3A_129 = arith.index_cast %mul3A_128 : i32 to index
      %swap3A_130 = tpu.vector_load %arg5[%swap3A_129] {strides = array<i32>} : memref<10240xf32, #tpu.memory_space<vmem>>, vector<16xf32>,
      tpu.vector_store %arg5[%swap3A_129], %broadcast_in_dim3A_122 {strides = array<i32>} : memref<10240xf32, #tpu.memory_space<vmem>>, vector<16xf32>,
      %broadcast_in_dim3A_131 = arith.constant 0.000000e+00 : f32
      %broadcast_in_dim3A_132 = vector.broadcast %broadcast_in_dim3A_131 : f32 to vector<16xf32>
      %mul3A_133 = arith.constant 8 : i32
      %mul3A_134 = arith.muli %scan3A_82, %mul3A_133 : i32
      %add3A_135 = arith.constant 5 : i32
      %add3A_136 = arith.addi %mul3A_134, %add3A_135 : i32
      %mul3A_137 = arith.constant 16 : i32
      %mul3A_138 = arith.muli %add3A_136, %mul3A_137 : i32
      %swap3A_139 = arith.index_cast %mul3A_138 : i32 to index
      %swap3A_140 = tpu.vector_load %arg5[%swap3A_139] {strides = array<i32>} : memref<10240xf32, #tpu.memory_space<vmem>>, vector<16xf32>,
      tpu.vector_store %arg5[%swap3A_139], %broadcast_in_dim3A_132 {strides = array<i32>} : memref<10240xf32, #tpu.memory_space<vmem>>, vector<16xf32>,
      %broadcast_in_dim3A_141 = arith.constant 0.000000e+00 : f32
      %broadcast_in_dim3A_142 = vector.broadcast %broadcast_in_dim3A_141 : f32 to vector<16xf32>
      %mul3A_143 = arith.constant 8 : i32
      %mul3A_144 = arith.muli %scan3A_82, %mul3A_143 : i32
      %add3A_145 = arith.constant 6 : i32
      %add3A_146 = arith.addi %mul3A_144, %add3A_145 : i32
      %mul3A_147 = arith.constant 16 : i32
      %mul3A_148 = arith.muli %add3A_146, %mul3A_147 : i32
      %swap3A_149 = arith.index_cast %mul3A_148 : i32 to index
      %swap3A_150 = tpu.vector_load %arg5[%swap3A_149] {strides = array<i32>} : memref<10240xf32, #tpu.memory_space<vmem>>, vector<16xf32>,
      tpu.vector_store %arg5[%swap3A_149], %broadcast_in_dim3A_142 {strides = array<i32>} : memref<10240xf32, #tpu.memory_space<vmem>>, vector<16xf32>,
      %broadcast_in_dim3A_151 = arith.constant 0.000000e+00 : f32
      %broadcast_in_dim3A_152 = vector.broadcast %broadcast_in_dim3A_151 : f32 to vector<16xf32>
      %mul3A_153 = arith.constant 8 : i32
      %mul3A_154 = arith.muli %scan3A_82, %mul3A_153 : i32
      %add3A_155 = arith.constant 7 : i32
      %add3A_156 = arith.addi %mul3A_154, %add3A_155 : i32
      %mul3A_157 = arith.constant 16 : i32
      %mul3A_158 = arith.muli %add3A_156, %mul3A_157 : i32
      %swap3A_159 = arith.index_cast %mul3A_158 : i32 to index
      %swap3A_160 = tpu.vector_load %arg5[%swap3A_159] {strides = array<i32>} : memref<10240xf32, #tpu.memory_space<vmem>>, vector<16xf32>,
      tpu.vector_store %arg5[%swap3A_159], %broadcast_in_dim3A_152 {strides = array<i32>} : memref<10240xf32, #tpu.memory_space<vmem>>, vector<16xf32>,
    }
    %scan3A_4 = arith.constant 80 : i32
    %broadcast_in_dim3A = arith.constant 1.000000e+00 : f32
    %broadcast_in_dim3A_5 = vector.broadcast %broadcast_in_dim3A : f32 to vector<16xf32>
    %scan3A_6 = arith.constant 0 : i32
    %scan3A_7 = arith.constant 0 : i32
    %scan3A_8 = arith.constant 160 : i32
    %scan3A_9 = arith.addi %scan3A_7, %scan3A_8 : i32
    %scan3A_10 = arith.constant 1 : i32
    scf.for %scan3A_82 = %scan3A_7 to %scan3A_9 step %scan3A_10  : i32 {
      %mul3A_83 = arith.constant 8 : i32
      %mul3A_84 = arith.muli %scan3A_82, %mul3A_83 : i32
      %add3A = arith.constant 0 : i32
      %add3A_85 = arith.addi %mul3A_84, %add3A : i32
      %mul3A_86 = arith.constant 16 : i32
      %mul3A_87 = arith.muli %add3A_85, %mul3A_86 : i32
      %get3A = arith.index_cast %mul3A_87 : i32 to index
      %get3A_88 = tpu.vector_load %arg4[%get3A] {strides = array<i32>} : memref<20480xi32, #tpu.memory_space<vmem>>, vector<16xi32>,
      tpu.vector_store_idx %arg5[%get3A_88], %broadcast_in_dim3A_5 {add = true} : memref<10240xf32, #tpu.memory_space<vmem>>[vector<16xi32>], vector<16xf32>,
      %mul3A_89 = arith.constant 8 : i32
      %mul3A_90 = arith.muli %scan3A_82, %mul3A_89 : i32
      %add3A_91 = arith.constant 1 : i32
      %add3A_92 = arith.addi %mul3A_90, %add3A_91 : i32
      %mul3A_93 = arith.constant 16 : i32
      %mul3A_94 = arith.muli %add3A_92, %mul3A_93 : i32
      %get3A_95 = arith.index_cast %mul3A_94 : i32 to index
      %get3A_96 = tpu.vector_load %arg4[%get3A_95] {strides = array<i32>} : memref<20480xi32, #tpu.memory_space<vmem>>, vector<16xi32>,
      tpu.vector_store_idx %arg5[%get3A_96], %broadcast_in_dim3A_5 {add = true} : memref<10240xf32, #tpu.memory_space<vmem>>[vector<16xi32>], vector<16xf32>,
      %mul3A_97 = arith.constant 8 : i32
      %mul3A_98 = arith.muli %scan3A_82, %mul3A_97 : i32
      %add3A_99 = arith.constant 2 : i32
      %add3A_100 = arith.addi %mul3A_98, %add3A_99 : i32
      %mul3A_101 = arith.constant 16 : i32
      %mul3A_102 = arith.muli %add3A_100, %mul3A_101 : i32
      %get3A_103 = arith.index_cast %mul3A_102 : i32 to index
      %get3A_104 = tpu.vector_load %arg4[%get3A_103] {strides = array<i32>} : memref<20480xi32, #tpu.memory_space<vmem>>, vector<16xi32>,
      tpu.vector_store_idx %arg5[%get3A_104], %broadcast_in_dim3A_5 {add = true} : memref<10240xf32, #tpu.memory_space<vmem>>[vector<16xi32>], vector<16xf32>,
      %mul3A_105 = arith.constant 8 : i32
      %mul3A_106 = arith.muli %scan3A_82, %mul3A_105 : i32
      %add3A_107 = arith.constant 3 : i32
      %add3A_108 = arith.addi %mul3A_106, %add3A_107 : i32
      %mul3A_109 = arith.constant 16 : i32
      %mul3A_110 = arith.muli %add3A_108, %mul3A_109 : i32
      %get3A_111 = arith.index_cast %mul3A_110 : i32 to index
      %get3A_112 = tpu.vector_load %arg4[%get3A_111] {strides = array<i32>} : memref<20480xi32, #tpu.memory_space<vmem>>, vector<16xi32>,
      tpu.vector_store_idx %arg5[%get3A_112], %broadcast_in_dim3A_5 {add = true} : memref<10240xf32, #tpu.memory_space<vmem>>[vector<16xi32>], vector<16xf32>,
      %mul3A_113 = arith.constant 8 : i32
      %mul3A_114 = arith.muli %scan3A_82, %mul3A_113 : i32
      %add3A_115 = arith.constant 4 : i32
      %add3A_116 = arith.addi %mul3A_114, %add3A_115 : i32
      %mul3A_117 = arith.constant 16 : i32
      %mul3A_118 = arith.muli %add3A_116, %mul3A_117 : i32
      %get3A_119 = arith.index_cast %mul3A_118 : i32 to index
      %get3A_120 = tpu.vector_load %arg4[%get3A_119] {strides = array<i32>} : memref<20480xi32, #tpu.memory_space<vmem>>, vector<16xi32>,
      tpu.vector_store_idx %arg5[%get3A_120], %broadcast_in_dim3A_5 {add = true} : memref<10240xf32, #tpu.memory_space<vmem>>[vector<16xi32>], vector<16xf32>,
      %mul3A_121 = arith.constant 8 : i32
      %mul3A_122 = arith.muli %scan3A_82, %mul3A_121 : i32
      %add3A_123 = arith.constant 5 : i32
      %add3A_124 = arith.addi %mul3A_122, %add3A_123 : i32
      %mul3A_125 = arith.constant 16 : i32
      %mul3A_126 = arith.muli %add3A_124, %mul3A_125 : i32
      %get3A_127 = arith.index_cast %mul3A_126 : i32 to index
      %get3A_128 = tpu.vector_load %arg4[%get3A_127] {strides = array<i32>} : memref<20480xi32, #tpu.memory_space<vmem>>, vector<16xi32>,
      tpu.vector_store_idx %arg5[%get3A_128], %broadcast_in_dim3A_5 {add = true} : memref<10240xf32, #tpu.memory_space<vmem>>[vector<16xi32>], vector<16xf32>,
      %mul3A_129 = arith.constant 8 : i32
      %mul3A_130 = arith.muli %scan3A_82, %mul3A_129 : i32
      %add3A_131 = arith.constant 6 : i32
      %add3A_132 = arith.addi %mul3A_130, %add3A_131 : i32
      %mul3A_133 = arith.constant 16 : i32
      %mul3A_134 = arith.muli %add3A_132, %mul3A_133 : i32
      %get3A_135 = arith.index_cast %mul3A_134 : i32 to index
      %get3A_136 = tpu.vector_load %arg4[%get3A_135] {strides = array<i32>} : memref<20480xi32, #tpu.memory_space<vmem>>, vector<16xi32>,
      tpu.vector_store_idx %arg5[%get3A_136], %broadcast_in_dim3A_5 {add = true} : memref<10240xf32, #tpu.memory_space<vmem>>[vector<16xi32>], vector<16xf32>,
      %mul3A_137 = arith.constant 8 : i32
      %mul3A_138 = arith.muli %scan3A_82, %mul3A_137 : i32
      %add3A_139 = arith.constant 7 : i32
      %add3A_140 = arith.addi %mul3A_138, %add3A_139 : i32
      %mul3A_141 = arith.constant 16 : i32
      %mul3A_142 = arith.muli %add3A_140, %mul3A_141 : i32
      %get3A_143 = arith.index_cast %mul3A_142 : i32 to index
      %get3A_144 = tpu.vector_load %arg4[%get3A_143] {strides = array<i32>} : memref<20480xi32, #tpu.memory_space<vmem>>, vector<16xi32>,
      tpu.vector_store_idx %arg5[%get3A_144], %broadcast_in_dim3A_5 {add = true} : memref<10240xf32, #tpu.memory_space<vmem>>[vector<16xi32>], vector<16xf32>,
    }
    %scan3A_11 = arith.constant 160 : i32
    "tpu.region"() ({
      %run_scoped3A_82 = tpu.sem_alloc : memref<!tpu.dma_semaphore, #tpu.memory_space<semaphore_mem>>
      %dma_start3A = arith.constant 0 : i32
      %dma_start3A_83 = tpu.memref_slice %arg8[%arg1, %dma_start3A] : memref<16x10240xf32, #tpu.memory_space<vmem_shared>> -> memref<1x10240xf32, #tpu.memory_space<vmem_shared>>
      %dma_start3A_84 = tpu.memref_squeeze %dma_start3A_83 : memref<1x10240xf32, #tpu.memory_space<vmem_shared>> -> memref<10240xf32, #tpu.memory_space<vmem_shared>>
      %dma_start3A_85 = arith.constant 0 : i32
      %dma_start3A_86 = tpu.memref_slice %arg8[%arg1, %dma_start3A_85] : memref<16x10240xf32, #tpu.memory_space<vmem_shared>> -> memref<1x10240xf32, #tpu.memory_space<vmem_shared>>
      %dma_start3A_87 = tpu.memref_squeeze %dma_start3A_86 : memref<1x10240xf32, #tpu.memory_space<vmem_shared>> -> memref<10240xf32, #tpu.memory_space<vmem_shared>>
      tpu.enqueue_dma source(%arg5 : memref<10240xf32, #tpu.memory_space<vmem>>) target(%dma_start3A_87 : memref<10240xf32, #tpu.memory_space<vmem_shared>>) target_semaphore(%run_scoped3A_82 : memref<!tpu.dma_semaphore, #tpu.memory_space<semaphore_mem>>)
      %dma_wait3A = arith.constant 0 : i32
      %dma_wait3A_88 = tpu.memref_slice %arg8[%arg1, %dma_wait3A] : memref<16x10240xf32, #tpu.memory_space<vmem_shared>> -> memref<1x10240xf32, #tpu.memory_space<vmem_shared>>
      %dma_wait3A_89 = tpu.memref_squeeze %dma_wait3A_88 : memref<1x10240xf32, #tpu.memory_space<vmem_shared>> -> memref<10240xf32, #tpu.memory_space<vmem_shared>>
      %dma_wait3A_90 = arith.constant 0 : i32
      %dma_wait3A_91 = tpu.memref_slice %arg8[%arg1, %dma_wait3A_90] : memref<16x10240xf32, #tpu.memory_space<vmem_shared>> -> memref<1x10240xf32, #tpu.memory_space<vmem_shared>>
      %dma_wait3A_92 = tpu.memref_squeeze %dma_wait3A_91 : memref<1x10240xf32, #tpu.memory_space<vmem_shared>> -> memref<10240xf32, #tpu.memory_space<vmem_shared>>
      tpu.wait_dma2 semaphore(%run_scoped3A_82 : memref<!tpu.dma_semaphore, #tpu.memory_space<semaphore_mem>>) src(%arg5 : memref<10240xf32, #tpu.memory_space<vmem>>) dst(%dma_wait3A_92 : memref<10240xf32, #tpu.memory_space<vmem_shared>>)
      tpu.yield
    }) : () -> ()
    %barrier3A = arith.constant 0 : index
    tpu.barrier barrier_id(%barrier3A)
    %mul3A = arith.constant 640 : i32
    %mul3A_12 = arith.muli %arg1, %mul3A : i32
    %run_scoped3A = arith.constant 0 : i32
    %run_scoped3A_13 = arith.constant 0 : i32
    "tpu.region"() ({
      %run_scoped3A_82 = tpu.sem_alloc : memref<!tpu.dma_semaphore, #tpu.memory_space<semaphore_mem>>
      %dma_start3A = arith.constant 0 : i32
      %dma_start3A_83 = tpu.memref_slice %arg6[%run_scoped3A_13, %dma_start3A] : memref<16x640xf32, #tpu.memory_space<vmem>> -> memref<1x640xf32, #tpu.memory_space<vmem>>
      %dma_start3A_84 = tpu.memref_squeeze %dma_start3A_83 : memref<1x640xf32, #tpu.memory_space<vmem>> -> memref<640xf32, #tpu.memory_space<vmem>>
      %dma_start3A_85 = tpu.memref_slice %arg8[%run_scoped3A, %mul3A_12] : memref<16x10240xf32, #tpu.memory_space<vmem_shared>> -> memref<1x640xf32, #tpu.memory_space<vmem_shared>>
      %dma_start3A_86 = tpu.memref_squeeze %dma_start3A_85 : memref<1x640xf32, #tpu.memory_space<vmem_shared>> -> memref<640xf32, #tpu.memory_space<vmem_shared>>
      %dma_start3A_87 = arith.constant 0 : i32
      %dma_start3A_88 = tpu.memref_slice %arg6[%run_scoped3A_13, %dma_start3A_87] : memref<16x640xf32, #tpu.memory_space<vmem>> -> memref<1x640xf32, #tpu.memory_space<vmem>>
      %dma_start3A_89 = tpu.memref_squeeze %dma_start3A_88 : memref<1x640xf32, #tpu.memory_space<vmem>> -> memref<640xf32, #tpu.memory_space<vmem>>
      %dma_start3A_90 = tpu.memref_slice %arg8[%run_scoped3A, %mul3A_12] : memref<16x10240xf32, #tpu.memory_space<vmem_shared>> -> memref<1x640xf32, #tpu.memory_space<vmem_shared>>
      %dma_start3A_91 = tpu.memref_squeeze %dma_start3A_90 : memref<1x640xf32, #tpu.memory_space<vmem_shared>> -> memref<640xf32, #tpu.memory_space<vmem_shared>>
      tpu.enqueue_dma source(%dma_start3A_91 : memref<640xf32, #tpu.memory_space<vmem_shared>>) target(%dma_start3A_89 : memref<640xf32, #tpu.memory_space<vmem>>) target_semaphore(%run_scoped3A_82 : memref<!tpu.dma_semaphore, #tpu.memory_space<semaphore_mem>>)
      %dma_wait3A = arith.constant 0 : i32
      %dma_wait3A_92 = tpu.memref_slice %arg6[%run_scoped3A_13, %dma_wait3A] : memref<16x640xf32, #tpu.memory_space<vmem>> -> memref<1x640xf32, #tpu.memory_space<vmem>>
      %dma_wait3A_93 = tpu.memref_squeeze %dma_wait3A_92 : memref<1x640xf32, #tpu.memory_space<vmem>> -> memref<640xf32, #tpu.memory_space<vmem>>
      %dma_wait3A_94 = tpu.memref_slice %arg8[%run_scoped3A, %mul3A_12] : memref<16x10240xf32, #tpu.memory_space<vmem_shared>> -> memref<1x640xf32, #tpu.memory_space<vmem_shared>>
      %dma_wait3A_95 = tpu.memref_squeeze %dma_wait3A_94 : memref<1x640xf32, #tpu.memory_space<vmem_shared>> -> memref<640xf32, #tpu.memory_space<vmem_shared>>
      %dma_wait3A_96 = arith.constant 0 : i32
      %dma_wait3A_97 = tpu.memref_slice %arg6[%run_scoped3A_13, %dma_wait3A_96] : memref<16x640xf32, #tpu.memory_space<vmem>> -> memref<1x640xf32, #tpu.memory_space<vmem>>
      %dma_wait3A_98 = tpu.memref_squeeze %dma_wait3A_97 : memref<1x640xf32, #tpu.memory_space<vmem>> -> memref<640xf32, #tpu.memory_space<vmem>>
      %dma_wait3A_99 = tpu.memref_slice %arg8[%run_scoped3A, %mul3A_12] : memref<16x10240xf32, #tpu.memory_space<vmem_shared>> -> memref<1x640xf32, #tpu.memory_space<vmem_shared>>
      %dma_wait3A_100 = tpu.memref_squeeze %dma_wait3A_99 : memref<1x640xf32, #tpu.memory_space<vmem_shared>> -> memref<640xf32, #tpu.memory_space<vmem_shared>>
      tpu.wait_dma2 semaphore(%run_scoped3A_82 : memref<!tpu.dma_semaphore, #tpu.memory_space<semaphore_mem>>) src(%dma_wait3A_100 : memref<640xf32, #tpu.memory_space<vmem_shared>>) dst(%dma_wait3A_98 : memref<640xf32, #tpu.memory_space<vmem>>)
      tpu.yield
    }) : () -> ()
    %mul3A_14 = arith.constant 640 : i32
    %mul3A_15 = arith.muli %arg1, %mul3A_14 : i32
    %run_scoped3A_16 = arith.constant 1 : i32
    %run_scoped3A_17 = arith.constant 1 : i32
    "tpu.region"() ({
      %run_scoped3A_82 = tpu.sem_alloc : memref<!tpu.dma_semaphore, #tpu.memory_space<semaphore_mem>>
      %dma_start3A = arith.constant 0 : i32
      %dma_start3A_83 = tpu.memref_slice %arg6[%run_scoped3A_17, %dma_start3A] : memref<16x640xf32, #tpu.memory_space<vmem>> -> memref<1x640xf32, #tpu.memory_space<vmem>>
      %dma_start3A_84 = tpu.memref_squeeze %dma_start3A_83 : memref<1x640xf32, #tpu.memory_space<vmem>> -> memref<640xf32, #tpu.memory_space<vmem>>
      %dma_start3A_85 = tpu.memref_slice %arg8[%run_scoped3A_16, %mul3A_15] : memref<16x10240xf32, #tpu.memory_space<vmem_shared>> -> memref<1x640xf32, #tpu.memory_space<vmem_shared>>
      %dma_start3A_86 = tpu.memref_squeeze %dma_start3A_85 : memref<1x640xf32, #tpu.memory_space<vmem_shared>> -> memref<640xf32, #tpu.memory_space<vmem_shared>>
      %dma_start3A_87 = arith.constant 0 : i32
      %dma_start3A_88 = tpu.memref_slice %arg6[%run_scoped3A_17, %dma_start3A_87] : memref<16x640xf32, #tpu.memory_space<vmem>> -> memref<1x640xf32, #tpu.memory_space<vmem>>
      %dma_start3A_89 = tpu.memref_squeeze %dma_start3A_88 : memref<1x640xf32, #tpu.memory_space<vmem>> -> memref<640xf32, #tpu.memory_space<vmem>>
      %dma_start3A_90 = tpu.memref_slice %arg8[%run_scoped3A_16, %mul3A_15] : memref<16x10240xf32, #tpu.memory_space<vmem_shared>> -> memref<1x640xf32, #tpu.memory_space<vmem_shared>>
      %dma_start3A_91 = tpu.memref_squeeze %dma_start3A_90 : memref<1x640xf32, #tpu.memory_space<vmem_shared>> -> memref<640xf32, #tpu.memory_space<vmem_shared>>
      tpu.enqueue_dma source(%dma_start3A_91 : memref<640xf32, #tpu.memory_space<vmem_shared>>) target(%dma_start3A_89 : memref<640xf32, #tpu.memory_space<vmem>>) target_semaphore(%run_scoped3A_82 : memref<!tpu.dma_semaphore, #tpu.memory_space<semaphore_mem>>)
      %dma_wait3A = arith.constant 0 : i32
      %dma_wait3A_92 = tpu.memref_slice %arg6[%run_scoped3A_17, %dma_wait3A] : memref<16x640xf32, #tpu.memory_space<vmem>> -> memref<1x640xf32, #tpu.memory_space<vmem>>
      %dma_wait3A_93 = tpu.memref_squeeze %dma_wait3A_92 : memref<1x640xf32, #tpu.memory_space<vmem>> -> memref<640xf32, #tpu.memory_space<vmem>>
      %dma_wait3A_94 = tpu.memref_slice %arg8[%run_scoped3A_16, %mul3A_15] : memref<16x10240xf32, #tpu.memory_space<vmem_shared>> -> memref<1x640xf32, #tpu.memory_space<vmem_shared>>
      %dma_wait3A_95 = tpu.memref_squeeze %dma_wait3A_94 : memref<1x640xf32, #tpu.memory_space<vmem_shared>> -> memref<640xf32, #tpu.memory_space<vmem_shared>>
      %dma_wait3A_96 = arith.constant 0 : i32
      %dma_wait3A_97 = tpu.memref_slice %arg6[%run_scoped3A_17, %dma_wait3A_96] : memref<16x640xf32, #tpu.memory_space<vmem>> -> memref<1x640xf32, #tpu.memory_space<vmem>>
      %dma_wait3A_98 = tpu.memref_squeeze %dma_wait3A_97 : memref<1x640xf32, #tpu.memory_space<vmem>> -> memref<640xf32, #tpu.memory_space<vmem>>
      %dma_wait3A_99 = tpu.memref_slice %arg8[%run_scoped3A_16, %mul3A_15] : memref<16x10240xf32, #tpu.memory_space<vmem_shared>> -> memref<1x640xf32, #tpu.memory_space<vmem_shared>>
      %dma_wait3A_100 = tpu.memref_squeeze %dma_wait3A_99 : memref<1x640xf32, #tpu.memory_space<vmem_shared>> -> memref<640xf32, #tpu.memory_space<vmem_shared>>
      tpu.wait_dma2 semaphore(%run_scoped3A_82 : memref<!tpu.dma_semaphore, #tpu.memory_space<semaphore_mem>>) src(%dma_wait3A_100 : memref<640xf32, #tpu.memory_space<vmem_shared>>) dst(%dma_wait3A_98 : memref<640xf32, #tpu.memory_space<vmem>>)
      tpu.yield
    }) : () -> ()
    %mul3A_18 = arith.constant 640 : i32
    %mul3A_19 = arith.muli %arg1, %mul3A_18 : i32
    %run_scoped3A_20 = arith.constant 2 : i32
    %run_scoped3A_21 = arith.constant 2 : i32
    "tpu.region"() ({
      %run_scoped3A_82 = tpu.sem_alloc : memref<!tpu.dma_semaphore, #tpu.memory_space<semaphore_mem>>
      %dma_start3A = arith.constant 0 : i32
      %dma_start3A_83 = tpu.memref_slice %arg6[%run_scoped3A_21, %dma_start3A] : memref<16x640xf32, #tpu.memory_space<vmem>> -> memref<1x640xf32, #tpu.memory_space<vmem>>
      %dma_start3A_84 = tpu.memref_squeeze %dma_start3A_83 : memref<1x640xf32, #tpu.memory_space<vmem>> -> memref<640xf32, #tpu.memory_space<vmem>>
      %dma_start3A_85 = tpu.memref_slice %arg8[%run_scoped3A_20, %mul3A_19] : memref<16x10240xf32, #tpu.memory_space<vmem_shared>> -> memref<1x640xf32, #tpu.memory_space<vmem_shared>>
      %dma_start3A_86 = tpu.memref_squeeze %dma_start3A_85 : memref<1x640xf32, #tpu.memory_space<vmem_shared>> -> memref<640xf32, #tpu.memory_space<vmem_shared>>
      %dma_start3A_87 = arith.constant 0 : i32
      %dma_start3A_88 = tpu.memref_slice %arg6[%run_scoped3A_21, %dma_start3A_87] : memref<16x640xf32, #tpu.memory_space<vmem>> -> memref<1x640xf32, #tpu.memory_space<vmem>>
      %dma_start3A_89 = tpu.memref_squeeze %dma_start3A_88 : memref<1x640xf32, #tpu.memory_space<vmem>> -> memref<640xf32, #tpu.memory_space<vmem>>
      %dma_start3A_90 = tpu.memref_slice %arg8[%run_scoped3A_20, %mul3A_19] : memref<16x10240xf32, #tpu.memory_space<vmem_shared>> -> memref<1x640xf32, #tpu.memory_space<vmem_shared>>
      %dma_start3A_91 = tpu.memref_squeeze %dma_start3A_90 : memref<1x640xf32, #tpu.memory_space<vmem_shared>> -> memref<640xf32, #tpu.memory_space<vmem_shared>>
      tpu.enqueue_dma source(%dma_start3A_91 : memref<640xf32, #tpu.memory_space<vmem_shared>>) target(%dma_start3A_89 : memref<640xf32, #tpu.memory_space<vmem>>) target_semaphore(%run_scoped3A_82 : memref<!tpu.dma_semaphore, #tpu.memory_space<semaphore_mem>>)
      %dma_wait3A = arith.constant 0 : i32
      %dma_wait3A_92 = tpu.memref_slice %arg6[%run_scoped3A_21, %dma_wait3A] : memref<16x640xf32, #tpu.memory_space<vmem>> -> memref<1x640xf32, #tpu.memory_space<vmem>>
      %dma_wait3A_93 = tpu.memref_squeeze %dma_wait3A_92 : memref<1x640xf32, #tpu.memory_space<vmem>> -> memref<640xf32, #tpu.memory_space<vmem>>
      %dma_wait3A_94 = tpu.memref_slice %arg8[%run_scoped3A_20, %mul3A_19] : memref<16x10240xf32, #tpu.memory_space<vmem_shared>> -> memref<1x640xf32, #tpu.memory_space<vmem_shared>>
      %dma_wait3A_95 = tpu.memref_squeeze %dma_wait3A_94 : memref<1x640xf32, #tpu.memory_space<vmem_shared>> -> memref<640xf32, #tpu.memory_space<vmem_shared>>
      %dma_wait3A_96 = arith.constant 0 : i32
      %dma_wait3A_97 = tpu.memref_slice %arg6[%run_scoped3A_21, %dma_wait3A_96] : memref<16x640xf32, #tpu.memory_space<vmem>> -> memref<1x640xf32, #tpu.memory_space<vmem>>
      %dma_wait3A_98 = tpu.memref_squeeze %dma_wait3A_97 : memref<1x640xf32, #tpu.memory_space<vmem>> -> memref<640xf32, #tpu.memory_space<vmem>>
      %dma_wait3A_99 = tpu.memref_slice %arg8[%run_scoped3A_20, %mul3A_19] : memref<16x10240xf32, #tpu.memory_space<vmem_shared>> -> memref<1x640xf32, #tpu.memory_space<vmem_shared>>
      %dma_wait3A_100 = tpu.memref_squeeze %dma_wait3A_99 : memref<1x640xf32, #tpu.memory_space<vmem_shared>> -> memref<640xf32, #tpu.memory_space<vmem_shared>>
      tpu.wait_dma2 semaphore(%run_scoped3A_82 : memref<!tpu.dma_semaphore, #tpu.memory_space<semaphore_mem>>) src(%dma_wait3A_100 : memref<640xf32, #tpu.memory_space<vmem_shared>>) dst(%dma_wait3A_98 : memref<640xf32, #tpu.memory_space<vmem>>)
      tpu.yield
    }) : () -> ()
    %mul3A_22 = arith.constant 640 : i32
    %mul3A_23 = arith.muli %arg1, %mul3A_22 : i32
    %run_scoped3A_24 = arith.constant 3 : i32
    %run_scoped3A_25 = arith.constant 3 : i32
    "tpu.region"() ({
      %run_scoped3A_82 = tpu.sem_alloc : memref<!tpu.dma_semaphore, #tpu.memory_space<semaphore_mem>>
      %dma_start3A = arith.constant 0 : i32
      %dma_start3A_83 = tpu.memref_slice %arg6[%run_scoped3A_25, %dma_start3A] : memref<16x640xf32, #tpu.memory_space<vmem>> -> memref<1x640xf32, #tpu.memory_space<vmem>>
      %dma_start3A_84 = tpu.memref_squeeze %dma_start3A_83 : memref<1x640xf32, #tpu.memory_space<vmem>> -> memref<640xf32, #tpu.memory_space<vmem>>
      %dma_start3A_85 = tpu.memref_slice %arg8[%run_scoped3A_24, %mul3A_23] : memref<16x10240xf32, #tpu.memory_space<vmem_shared>> -> memref<1x640xf32, #tpu.memory_space<vmem_shared>>
      %dma_start3A_86 = tpu.memref_squeeze %dma_start3A_85 : memref<1x640xf32, #tpu.memory_space<vmem_shared>> -> memref<640xf32, #tpu.memory_space<vmem_shared>>
      %dma_start3A_87 = arith.constant 0 : i32
      %dma_start3A_88 = tpu.memref_slice %arg6[%run_scoped3A_25, %dma_start3A_87] : memref<16x640xf32, #tpu.memory_space<vmem>> -> memref<1x640xf32, #tpu.memory_space<vmem>>
      %dma_start3A_89 = tpu.memref_squeeze %dma_start3A_88 : memref<1x640xf32, #tpu.memory_space<vmem>> -> memref<640xf32, #tpu.memory_space<vmem>>
      %dma_start3A_90 = tpu.memref_slice %arg8[%run_scoped3A_24, %mul3A_23] : memref<16x10240xf32, #tpu.memory_space<vmem_shared>> -> memref<1x640xf32, #tpu.memory_space<vmem_shared>>
      %dma_start3A_91 = tpu.memref_squeeze %dma_start3A_90 : memref<1x640xf32, #tpu.memory_space<vmem_shared>> -> memref<640xf32, #tpu.memory_space<vmem_shared>>
      tpu.enqueue_dma source(%dma_start3A_91 : memref<640xf32, #tpu.memory_space<vmem_shared>>) target(%dma_start3A_89 : memref<640xf32, #tpu.memory_space<vmem>>) target_semaphore(%run_scoped3A_82 : memref<!tpu.dma_semaphore, #tpu.memory_space<semaphore_mem>>)
      %dma_wait3A = arith.constant 0 : i32
      %dma_wait3A_92 = tpu.memref_slice %arg6[%run_scoped3A_25, %dma_wait3A] : memref<16x640xf32, #tpu.memory_space<vmem>> -> memref<1x640xf32, #tpu.memory_space<vmem>>
      %dma_wait3A_93 = tpu.memref_squeeze %dma_wait3A_92 : memref<1x640xf32, #tpu.memory_space<vmem>> -> memref<640xf32, #tpu.memory_space<vmem>>
      %dma_wait3A_94 = tpu.memref_slice %arg8[%run_scoped3A_24, %mul3A_23] : memref<16x10240xf32, #tpu.memory_space<vmem_shared>> -> memref<1x640xf32, #tpu.memory_space<vmem_shared>>
      %dma_wait3A_95 = tpu.memref_squeeze %dma_wait3A_94 : memref<1x640xf32, #tpu.memory_space<vmem_shared>> -> memref<640xf32, #tpu.memory_space<vmem_shared>>
      %dma_wait3A_96 = arith.constant 0 : i32
      %dma_wait3A_97 = tpu.memref_slice %arg6[%run_scoped3A_25, %dma_wait3A_96] : memref<16x640xf32, #tpu.memory_space<vmem>> -> memref<1x640xf32, #tpu.memory_space<vmem>>
      %dma_wait3A_98 = tpu.memref_squeeze %dma_wait3A_97 : memref<1x640xf32, #tpu.memory_space<vmem>> -> memref<640xf32, #tpu.memory_space<vmem>>
      %dma_wait3A_99 = tpu.memref_slice %arg8[%run_scoped3A_24, %mul3A_23] : memref<16x10240xf32, #tpu.memory_space<vmem_shared>> -> memref<1x640xf32, #tpu.memory_space<vmem_shared>>
      %dma_wait3A_100 = tpu.memref_squeeze %dma_wait3A_99 : memref<1x640xf32, #tpu.memory_space<vmem_shared>> -> memref<640xf32, #tpu.memory_space<vmem_shared>>
      tpu.wait_dma2 semaphore(%run_scoped3A_82 : memref<!tpu.dma_semaphore, #tpu.memory_space<semaphore_mem>>) src(%dma_wait3A_100 : memref<640xf32, #tpu.memory_space<vmem_shared>>) dst(%dma_wait3A_98 : memref<640xf32, #tpu.memory_space<vmem>>)
      tpu.yield
    }) : () -> ()
    %mul3A_26 = arith.constant 640 : i32
    %mul3A_27 = arith.muli %arg1, %mul3A_26 : i32
    %run_scoped3A_28 = arith.constant 4 : i32
    %run_scoped3A_29 = arith.constant 4 : i32
    "tpu.region"() ({
      %run_scoped3A_82 = tpu.sem_alloc : memref<!tpu.dma_semaphore, #tpu.memory_space<semaphore_mem>>
      %dma_start3A = arith.constant 0 : i32
      %dma_start3A_83 = tpu.memref_slice %arg6[%run_scoped3A_29, %dma_start3A] : memref<16x640xf32, #tpu.memory_space<vmem>> -> memref<1x640xf32, #tpu.memory_space<vmem>>
      %dma_start3A_84 = tpu.memref_squeeze %dma_start3A_83 : memref<1x640xf32, #tpu.memory_space<vmem>> -> memref<640xf32, #tpu.memory_space<vmem>>
      %dma_start3A_85 = tpu.memref_slice %arg8[%run_scoped3A_28, %mul3A_27] : memref<16x10240xf32, #tpu.memory_space<vmem_shared>> -> memref<1x640xf32, #tpu.memory_space<vmem_shared>>
      %dma_start3A_86 = tpu.memref_squeeze %dma_start3A_85 : memref<1x640xf32, #tpu.memory_space<vmem_shared>> -> memref<640xf32, #tpu.memory_space<vmem_shared>>
      %dma_start3A_87 = arith.constant 0 : i32
      %dma_start3A_88 = tpu.memref_slice %arg6[%run_scoped3A_29, %dma_start3A_87] : memref<16x640xf32, #tpu.memory_space<vmem>> -> memref<1x640xf32, #tpu.memory_space<vmem>>
      %dma_start3A_89 = tpu.memref_squeeze %dma_start3A_88 : memref<1x640xf32, #tpu.memory_space<vmem>> -> memref<640xf32, #tpu.memory_space<vmem>>
      %dma_start3A_90 = tpu.memref_slice %arg8[%run_scoped3A_28, %mul3A_27] : memref<16x10240xf32, #tpu.memory_space<vmem_shared>> -> memref<1x640xf32, #tpu.memory_space<vmem_shared>>
      %dma_start3A_91 = tpu.memref_squeeze %dma_start3A_90 : memref<1x640xf32, #tpu.memory_space<vmem_shared>> -> memref<640xf32, #tpu.memory_space<vmem_shared>>
      tpu.enqueue_dma source(%dma_start3A_91 : memref<640xf32, #tpu.memory_space<vmem_shared>>) target(%dma_start3A_89 : memref<640xf32, #tpu.memory_space<vmem>>) target_semaphore(%run_scoped3A_82 : memref<!tpu.dma_semaphore, #tpu.memory_space<semaphore_mem>>)
      %dma_wait3A = arith.constant 0 : i32
      %dma_wait3A_92 = tpu.memref_slice %arg6[%run_scoped3A_29, %dma_wait3A] : memref<16x640xf32, #tpu.memory_space<vmem>> -> memref<1x640xf32, #tpu.memory_space<vmem>>
      %dma_wait3A_93 = tpu.memref_squeeze %dma_wait3A_92 : memref<1x640xf32, #tpu.memory_space<vmem>> -> memref<640xf32, #tpu.memory_space<vmem>>
      %dma_wait3A_94 = tpu.memref_slice %arg8[%run_scoped3A_28, %mul3A_27] : memref<16x10240xf32, #tpu.memory_space<vmem_shared>> -> memref<1x640xf32, #tpu.memory_space<vmem_shared>>
      %dma_wait3A_95 = tpu.memref_squeeze %dma_wait3A_94 : memref<1x640xf32, #tpu.memory_space<vmem_shared>> -> memref<640xf32, #tpu.memory_space<vmem_shared>>
      %dma_wait3A_96 = arith.constant 0 : i32
      %dma_wait3A_97 = tpu.memref_slice %arg6[%run_scoped3A_29, %dma_wait3A_96] : memref<16x640xf32, #tpu.memory_space<vmem>> -> memref<1x640xf32, #tpu.memory_space<vmem>>
      %dma_wait3A_98 = tpu.memref_squeeze %dma_wait3A_97 : memref<1x640xf32, #tpu.memory_space<vmem>> -> memref<640xf32, #tpu.memory_space<vmem>>
      %dma_wait3A_99 = tpu.memref_slice %arg8[%run_scoped3A_28, %mul3A_27] : memref<16x10240xf32, #tpu.memory_space<vmem_shared>> -> memref<1x640xf32, #tpu.memory_space<vmem_shared>>
      %dma_wait3A_100 = tpu.memref_squeeze %dma_wait3A_99 : memref<1x640xf32, #tpu.memory_space<vmem_shared>> -> memref<640xf32, #tpu.memory_space<vmem_shared>>
      tpu.wait_dma2 semaphore(%run_scoped3A_82 : memref<!tpu.dma_semaphore, #tpu.memory_space<semaphore_mem>>) src(%dma_wait3A_100 : memref<640xf32, #tpu.memory_space<vmem_shared>>) dst(%dma_wait3A_98 : memref<640xf32, #tpu.memory_space<vmem>>)
      tpu.yield
    }) : () -> ()
    %mul3A_30 = arith.constant 640 : i32
    %mul3A_31 = arith.muli %arg1, %mul3A_30 : i32
    %run_scoped3A_32 = arith.constant 5 : i32
    %run_scoped3A_33 = arith.constant 5 : i32
    "tpu.region"() ({
      %run_scoped3A_82 = tpu.sem_alloc : memref<!tpu.dma_semaphore, #tpu.memory_space<semaphore_mem>>
      %dma_start3A = arith.constant 0 : i32
      %dma_start3A_83 = tpu.memref_slice %arg6[%run_scoped3A_33, %dma_start3A] : memref<16x640xf32, #tpu.memory_space<vmem>> -> memref<1x640xf32, #tpu.memory_space<vmem>>
      %dma_start3A_84 = tpu.memref_squeeze %dma_start3A_83 : memref<1x640xf32, #tpu.memory_space<vmem>> -> memref<640xf32, #tpu.memory_space<vmem>>
      %dma_start3A_85 = tpu.memref_slice %arg8[%run_scoped3A_32, %mul3A_31] : memref<16x10240xf32, #tpu.memory_space<vmem_shared>> -> memref<1x640xf32, #tpu.memory_space<vmem_shared>>
      %dma_start3A_86 = tpu.memref_squeeze %dma_start3A_85 : memref<1x640xf32, #tpu.memory_space<vmem_shared>> -> memref<640xf32, #tpu.memory_space<vmem_shared>>
      %dma_start3A_87 = arith.constant 0 : i32
      %dma_start3A_88 = tpu.memref_slice %arg6[%run_scoped3A_33, %dma_start3A_87] : memref<16x640xf32, #tpu.memory_space<vmem>> -> memref<1x640xf32, #tpu.memory_space<vmem>>
      %dma_start3A_89 = tpu.memref_squeeze %dma_start3A_88 : memref<1x640xf32, #tpu.memory_space<vmem>> -> memref<640xf32, #tpu.memory_space<vmem>>
      %dma_start3A_90 = tpu.memref_slice %arg8[%run_scoped3A_32, %mul3A_31] : memref<16x10240xf32, #tpu.memory_space<vmem_shared>> -> memref<1x640xf32, #tpu.memory_space<vmem_shared>>
      %dma_start3A_91 = tpu.memref_squeeze %dma_start3A_90 : memref<1x640xf32, #tpu.memory_space<vmem_shared>> -> memref<640xf32, #tpu.memory_space<vmem_shared>>
      tpu.enqueue_dma source(%dma_start3A_91 : memref<640xf32, #tpu.memory_space<vmem_shared>>) target(%dma_start3A_89 : memref<640xf32, #tpu.memory_space<vmem>>) target_semaphore(%run_scoped3A_82 : memref<!tpu.dma_semaphore, #tpu.memory_space<semaphore_mem>>)
      %dma_wait3A = arith.constant 0 : i32
      %dma_wait3A_92 = tpu.memref_slice %arg6[%run_scoped3A_33, %dma_wait3A] : memref<16x640xf32, #tpu.memory_space<vmem>> -> memref<1x640xf32, #tpu.memory_space<vmem>>
      %dma_wait3A_93 = tpu.memref_squeeze %dma_wait3A_92 : memref<1x640xf32, #tpu.memory_space<vmem>> -> memref<640xf32, #tpu.memory_space<vmem>>
      %dma_wait3A_94 = tpu.memref_slice %arg8[%run_scoped3A_32, %mul3A_31] : memref<16x10240xf32, #tpu.memory_space<vmem_shared>> -> memref<1x640xf32, #tpu.memory_space<vmem_shared>>
      %dma_wait3A_95 = tpu.memref_squeeze %dma_wait3A_94 : memref<1x640xf32, #tpu.memory_space<vmem_shared>> -> memref<640xf32, #tpu.memory_space<vmem_shared>>
      %dma_wait3A_96 = arith.constant 0 : i32
      %dma_wait3A_97 = tpu.memref_slice %arg6[%run_scoped3A_33, %dma_wait3A_96] : memref<16x640xf32, #tpu.memory_space<vmem>> -> memref<1x640xf32, #tpu.memory_space<vmem>>
      %dma_wait3A_98 = tpu.memref_squeeze %dma_wait3A_97 : memref<1x640xf32, #tpu.memory_space<vmem>> -> memref<640xf32, #tpu.memory_space<vmem>>
      %dma_wait3A_99 = tpu.memref_slice %arg8[%run_scoped3A_32, %mul3A_31] : memref<16x10240xf32, #tpu.memory_space<vmem_shared>> -> memref<1x640xf32, #tpu.memory_space<vmem_shared>>
      %dma_wait3A_100 = tpu.memref_squeeze %dma_wait3A_99 : memref<1x640xf32, #tpu.memory_space<vmem_shared>> -> memref<640xf32, #tpu.memory_space<vmem_shared>>
      tpu.wait_dma2 semaphore(%run_scoped3A_82 : memref<!tpu.dma_semaphore, #tpu.memory_space<semaphore_mem>>) src(%dma_wait3A_100 : memref<640xf32, #tpu.memory_space<vmem_shared>>) dst(%dma_wait3A_98 : memref<640xf32, #tpu.memory_space<vmem>>)
      tpu.yield
    }) : () -> ()
    %mul3A_34 = arith.constant 640 : i32
    %mul3A_35 = arith.muli %arg1, %mul3A_34 : i32
    %run_scoped3A_36 = arith.constant 6 : i32
    %run_scoped3A_37 = arith.constant 6 : i32
    "tpu.region"() ({
      %run_scoped3A_82 = tpu.sem_alloc : memref<!tpu.dma_semaphore, #tpu.memory_space<semaphore_mem>>
      %dma_start3A = arith.constant 0 : i32
      %dma_start3A_83 = tpu.memref_slice %arg6[%run_scoped3A_37, %dma_start3A] : memref<16x640xf32, #tpu.memory_space<vmem>> -> memref<1x640xf32, #tpu.memory_space<vmem>>
      %dma_start3A_84 = tpu.memref_squeeze %dma_start3A_83 : memref<1x640xf32, #tpu.memory_space<vmem>> -> memref<640xf32, #tpu.memory_space<vmem>>
      %dma_start3A_85 = tpu.memref_slice %arg8[%run_scoped3A_36, %mul3A_35] : memref<16x10240xf32, #tpu.memory_space<vmem_shared>> -> memref<1x640xf32, #tpu.memory_space<vmem_shared>>
      %dma_start3A_86 = tpu.memref_squeeze %dma_start3A_85 : memref<1x640xf32, #tpu.memory_space<vmem_shared>> -> memref<640xf32, #tpu.memory_space<vmem_shared>>
      %dma_start3A_87 = arith.constant 0 : i32
      %dma_start3A_88 = tpu.memref_slice %arg6[%run_scoped3A_37, %dma_start3A_87] : memref<16x640xf32, #tpu.memory_space<vmem>> -> memref<1x640xf32, #tpu.memory_space<vmem>>
      %dma_start3A_89 = tpu.memref_squeeze %dma_start3A_88 : memref<1x640xf32, #tpu.memory_space<vmem>> -> memref<640xf32, #tpu.memory_space<vmem>>
      %dma_start3A_90 = tpu.memref_slice %arg8[%run_scoped3A_36, %mul3A_35] : memref<16x10240xf32, #tpu.memory_space<vmem_shared>> -> memref<1x640xf32, #tpu.memory_space<vmem_shared>>
      %dma_start3A_91 = tpu.memref_squeeze %dma_start3A_90 : memref<1x640xf32, #tpu.memory_space<vmem_shared>> -> memref<640xf32, #tpu.memory_space<vmem_shared>>
      tpu.enqueue_dma source(%dma_start3A_91 : memref<640xf32, #tpu.memory_space<vmem_shared>>) target(%dma_start3A_89 : memref<640xf32, #tpu.memory_space<vmem>>) target_semaphore(%run_scoped3A_82 : memref<!tpu.dma_semaphore, #tpu.memory_space<semaphore_mem>>)
      %dma_wait3A = arith.constant 0 : i32
      %dma_wait3A_92 = tpu.memref_slice %arg6[%run_scoped3A_37, %dma_wait3A] : memref<16x640xf32, #tpu.memory_space<vmem>> -> memref<1x640xf32, #tpu.memory_space<vmem>>
      %dma_wait3A_93 = tpu.memref_squeeze %dma_wait3A_92 : memref<1x640xf32, #tpu.memory_space<vmem>> -> memref<640xf32, #tpu.memory_space<vmem>>
      %dma_wait3A_94 = tpu.memref_slice %arg8[%run_scoped3A_36, %mul3A_35] : memref<16x10240xf32, #tpu.memory_space<vmem_shared>> -> memref<1x640xf32, #tpu.memory_space<vmem_shared>>
      %dma_wait3A_95 = tpu.memref_squeeze %dma_wait3A_94 : memref<1x640xf32, #tpu.memory_space<vmem_shared>> -> memref<640xf32, #tpu.memory_space<vmem_shared>>
      %dma_wait3A_96 = arith.constant 0 : i32
      %dma_wait3A_97 = tpu.memref_slice %arg6[%run_scoped3A_37, %dma_wait3A_96] : memref<16x640xf32, #tpu.memory_space<vmem>> -> memref<1x640xf32, #tpu.memory_space<vmem>>
      %dma_wait3A_98 = tpu.memref_squeeze %dma_wait3A_97 : memref<1x640xf32, #tpu.memory_space<vmem>> -> memref<640xf32, #tpu.memory_space<vmem>>
      %dma_wait3A_99 = tpu.memref_slice %arg8[%run_scoped3A_36, %mul3A_35] : memref<16x10240xf32, #tpu.memory_space<vmem_shared>> -> memref<1x640xf32, #tpu.memory_space<vmem_shared>>
      %dma_wait3A_100 = tpu.memref_squeeze %dma_wait3A_99 : memref<1x640xf32, #tpu.memory_space<vmem_shared>> -> memref<640xf32, #tpu.memory_space<vmem_shared>>
      tpu.wait_dma2 semaphore(%run_scoped3A_82 : memref<!tpu.dma_semaphore, #tpu.memory_space<semaphore_mem>>) src(%dma_wait3A_100 : memref<640xf32, #tpu.memory_space<vmem_shared>>) dst(%dma_wait3A_98 : memref<640xf32, #tpu.memory_space<vmem>>)
      tpu.yield
    }) : () -> ()
    %mul3A_38 = arith.constant 640 : i32
    %mul3A_39 = arith.muli %arg1, %mul3A_38 : i32
    %run_scoped3A_40 = arith.constant 7 : i32
    %run_scoped3A_41 = arith.constant 7 : i32
    "tpu.region"() ({
      %run_scoped3A_82 = tpu.sem_alloc : memref<!tpu.dma_semaphore, #tpu.memory_space<semaphore_mem>>
      %dma_start3A = arith.constant 0 : i32
      %dma_start3A_83 = tpu.memref_slice %arg6[%run_scoped3A_41, %dma_start3A] : memref<16x640xf32, #tpu.memory_space<vmem>> -> memref<1x640xf32, #tpu.memory_space<vmem>>
      %dma_start3A_84 = tpu.memref_squeeze %dma_start3A_83 : memref<1x640xf32, #tpu.memory_space<vmem>> -> memref<640xf32, #tpu.memory_space<vmem>>
      %dma_start3A_85 = tpu.memref_slice %arg8[%run_scoped3A_40, %mul3A_39] : memref<16x10240xf32, #tpu.memory_space<vmem_shared>> -> memref<1x640xf32, #tpu.memory_space<vmem_shared>>
      %dma_start3A_86 = tpu.memref_squeeze %dma_start3A_85 : memref<1x640xf32, #tpu.memory_space<vmem_shared>> -> memref<640xf32, #tpu.memory_space<vmem_shared>>
      %dma_start3A_87 = arith.constant 0 : i32
      %dma_start3A_88 = tpu.memref_slice %arg6[%run_scoped3A_41, %dma_start3A_87] : memref<16x640xf32, #tpu.memory_space<vmem>> -> memref<1x640xf32, #tpu.memory_space<vmem>>
      %dma_start3A_89 = tpu.memref_squeeze %dma_start3A_88 : memref<1x640xf32, #tpu.memory_space<vmem>> -> memref<640xf32, #tpu.memory_space<vmem>>
      %dma_start3A_90 = tpu.memref_slice %arg8[%run_scoped3A_40, %mul3A_39] : memref<16x10240xf32, #tpu.memory_space<vmem_shared>> -> memref<1x640xf32, #tpu.memory_space<vmem_shared>>
      %dma_start3A_91 = tpu.memref_squeeze %dma_start3A_90 : memref<1x640xf32, #tpu.memory_space<vmem_shared>> -> memref<640xf32, #tpu.memory_space<vmem_shared>>
      tpu.enqueue_dma source(%dma_start3A_91 : memref<640xf32, #tpu.memory_space<vmem_shared>>) target(%dma_start3A_89 : memref<640xf32, #tpu.memory_space<vmem>>) target_semaphore(%run_scoped3A_82 : memref<!tpu.dma_semaphore, #tpu.memory_space<semaphore_mem>>)
      %dma_wait3A = arith.constant 0 : i32
      %dma_wait3A_92 = tpu.memref_slice %arg6[%run_scoped3A_41, %dma_wait3A] : memref<16x640xf32, #tpu.memory_space<vmem>> -> memref<1x640xf32, #tpu.memory_space<vmem>>
      %dma_wait3A_93 = tpu.memref_squeeze %dma_wait3A_92 : memref<1x640xf32, #tpu.memory_space<vmem>> -> memref<640xf32, #tpu.memory_space<vmem>>
      %dma_wait3A_94 = tpu.memref_slice %arg8[%run_scoped3A_40, %mul3A_39] : memref<16x10240xf32, #tpu.memory_space<vmem_shared>> -> memref<1x640xf32, #tpu.memory_space<vmem_shared>>
      %dma_wait3A_95 = tpu.memref_squeeze %dma_wait3A_94 : memref<1x640xf32, #tpu.memory_space<vmem_shared>> -> memref<640xf32, #tpu.memory_space<vmem_shared>>
      %dma_wait3A_96 = arith.constant 0 : i32
      %dma_wait3A_97 = tpu.memref_slice %arg6[%run_scoped3A_41, %dma_wait3A_96] : memref<16x640xf32, #tpu.memory_space<vmem>> -> memref<1x640xf32, #tpu.memory_space<vmem>>
      %dma_wait3A_98 = tpu.memref_squeeze %dma_wait3A_97 : memref<1x640xf32, #tpu.memory_space<vmem>> -> memref<640xf32, #tpu.memory_space<vmem>>
      %dma_wait3A_99 = tpu.memref_slice %arg8[%run_scoped3A_40, %mul3A_39] : memref<16x10240xf32, #tpu.memory_space<vmem_shared>> -> memref<1x640xf32, #tpu.memory_space<vmem_shared>>
      %dma_wait3A_100 = tpu.memref_squeeze %dma_wait3A_99 : memref<1x640xf32, #tpu.memory_space<vmem_shared>> -> memref<640xf32, #tpu.memory_space<vmem_shared>>
      tpu.wait_dma2 semaphore(%run_scoped3A_82 : memref<!tpu.dma_semaphore, #tpu.memory_space<semaphore_mem>>) src(%dma_wait3A_100 : memref<640xf32, #tpu.memory_space<vmem_shared>>) dst(%dma_wait3A_98 : memref<640xf32, #tpu.memory_space<vmem>>)
      tpu.yield
    }) : () -> ()
    %mul3A_42 = arith.constant 640 : i32
    %mul3A_43 = arith.muli %arg1, %mul3A_42 : i32
    %run_scoped3A_44 = arith.constant 8 : i32
    %run_scoped3A_45 = arith.constant 8 : i32
    "tpu.region"() ({
      %run_scoped3A_82 = tpu.sem_alloc : memref<!tpu.dma_semaphore, #tpu.memory_space<semaphore_mem>>
      %dma_start3A = arith.constant 0 : i32
      %dma_start3A_83 = tpu.memref_slice %arg6[%run_scoped3A_45, %dma_start3A] : memref<16x640xf32, #tpu.memory_space<vmem>> -> memref<1x640xf32, #tpu.memory_space<vmem>>
      %dma_start3A_84 = tpu.memref_squeeze %dma_start3A_83 : memref<1x640xf32, #tpu.memory_space<vmem>> -> memref<640xf32, #tpu.memory_space<vmem>>
      %dma_start3A_85 = tpu.memref_slice %arg8[%run_scoped3A_44, %mul3A_43] : memref<16x10240xf32, #tpu.memory_space<vmem_shared>> -> memref<1x640xf32, #tpu.memory_space<vmem_shared>>
      %dma_start3A_86 = tpu.memref_squeeze %dma_start3A_85 : memref<1x640xf32, #tpu.memory_space<vmem_shared>> -> memref<640xf32, #tpu.memory_space<vmem_shared>>
      %dma_start3A_87 = arith.constant 0 : i32
      %dma_start3A_88 = tpu.memref_slice %arg6[%run_scoped3A_45, %dma_start3A_87] : memref<16x640xf32, #tpu.memory_space<vmem>> -> memref<1x640xf32, #tpu.memory_space<vmem>>
      %dma_start3A_89 = tpu.memref_squeeze %dma_start3A_88 : memref<1x640xf32, #tpu.memory_space<vmem>> -> memref<640xf32, #tpu.memory_space<vmem>>
      %dma_start3A_90 = tpu.memref_slice %arg8[%run_scoped3A_44, %mul3A_43] : memref<16x10240xf32, #tpu.memory_space<vmem_shared>> -> memref<1x640xf32, #tpu.memory_space<vmem_shared>>
      %dma_start3A_91 = tpu.memref_squeeze %dma_start3A_90 : memref<1x640xf32, #tpu.memory_space<vmem_shared>> -> memref<640xf32, #tpu.memory_space<vmem_shared>>
      tpu.enqueue_dma source(%dma_start3A_91 : memref<640xf32, #tpu.memory_space<vmem_shared>>) target(%dma_start3A_89 : memref<640xf32, #tpu.memory_space<vmem>>) target_semaphore(%run_scoped3A_82 : memref<!tpu.dma_semaphore, #tpu.memory_space<semaphore_mem>>)
      %dma_wait3A = arith.constant 0 : i32
      %dma_wait3A_92 = tpu.memref_slice %arg6[%run_scoped3A_45, %dma_wait3A] : memref<16x640xf32, #tpu.memory_space<vmem>> -> memref<1x640xf32, #tpu.memory_space<vmem>>
      %dma_wait3A_93 = tpu.memref_squeeze %dma_wait3A_92 : memref<1x640xf32, #tpu.memory_space<vmem>> -> memref<640xf32, #tpu.memory_space<vmem>>
      %dma_wait3A_94 = tpu.memref_slice %arg8[%run_scoped3A_44, %mul3A_43] : memref<16x10240xf32, #tpu.memory_space<vmem_shared>> -> memref<1x640xf32, #tpu.memory_space<vmem_shared>>
      %dma_wait3A_95 = tpu.memref_squeeze %dma_wait3A_94 : memref<1x640xf32, #tpu.memory_space<vmem_shared>> -> memref<640xf32, #tpu.memory_space<vmem_shared>>
      %dma_wait3A_96 = arith.constant 0 : i32
      %dma_wait3A_97 = tpu.memref_slice %arg6[%run_scoped3A_45, %dma_wait3A_96] : memref<16x640xf32, #tpu.memory_space<vmem>> -> memref<1x640xf32, #tpu.memory_space<vmem>>
      %dma_wait3A_98 = tpu.memref_squeeze %dma_wait3A_97 : memref<1x640xf32, #tpu.memory_space<vmem>> -> memref<640xf32, #tpu.memory_space<vmem>>
      %dma_wait3A_99 = tpu.memref_slice %arg8[%run_scoped3A_44, %mul3A_43] : memref<16x10240xf32, #tpu.memory_space<vmem_shared>> -> memref<1x640xf32, #tpu.memory_space<vmem_shared>>
      %dma_wait3A_100 = tpu.memref_squeeze %dma_wait3A_99 : memref<1x640xf32, #tpu.memory_space<vmem_shared>> -> memref<640xf32, #tpu.memory_space<vmem_shared>>
      tpu.wait_dma2 semaphore(%run_scoped3A_82 : memref<!tpu.dma_semaphore, #tpu.memory_space<semaphore_mem>>) src(%dma_wait3A_100 : memref<640xf32, #tpu.memory_space<vmem_shared>>) dst(%dma_wait3A_98 : memref<640xf32, #tpu.memory_space<vmem>>)
      tpu.yield
    }) : () -> ()
    %mul3A_46 = arith.constant 640 : i32
    %mul3A_47 = arith.muli %arg1, %mul3A_46 : i32
    %run_scoped3A_48 = arith.constant 9 : i32
    %run_scoped3A_49 = arith.constant 9 : i32
    "tpu.region"() ({
      %run_scoped3A_82 = tpu.sem_alloc : memref<!tpu.dma_semaphore, #tpu.memory_space<semaphore_mem>>
      %dma_start3A = arith.constant 0 : i32
      %dma_start3A_83 = tpu.memref_slice %arg6[%run_scoped3A_49, %dma_start3A] : memref<16x640xf32, #tpu.memory_space<vmem>> -> memref<1x640xf32, #tpu.memory_space<vmem>>
      %dma_start3A_84 = tpu.memref_squeeze %dma_start3A_83 : memref<1x640xf32, #tpu.memory_space<vmem>> -> memref<640xf32, #tpu.memory_space<vmem>>
      %dma_start3A_85 = tpu.memref_slice %arg8[%run_scoped3A_48, %mul3A_47] : memref<16x10240xf32, #tpu.memory_space<vmem_shared>> -> memref<1x640xf32, #tpu.memory_space<vmem_shared>>
      %dma_start3A_86 = tpu.memref_squeeze %dma_start3A_85 : memref<1x640xf32, #tpu.memory_space<vmem_shared>> -> memref<640xf32, #tpu.memory_space<vmem_shared>>
      %dma_start3A_87 = arith.constant 0 : i32
      %dma_start3A_88 = tpu.memref_slice %arg6[%run_scoped3A_49, %dma_start3A_87] : memref<16x640xf32, #tpu.memory_space<vmem>> -> memref<1x640xf32, #tpu.memory_space<vmem>>
      %dma_start3A_89 = tpu.memref_squeeze %dma_start3A_88 : memref<1x640xf32, #tpu.memory_space<vmem>> -> memref<640xf32, #tpu.memory_space<vmem>>
      %dma_start3A_90 = tpu.memref_slice %arg8[%run_scoped3A_48, %mul3A_47] : memref<16x10240xf32, #tpu.memory_space<vmem_shared>> -> memref<1x640xf32, #tpu.memory_space<vmem_shared>>
      %dma_start3A_91 = tpu.memref_squeeze %dma_start3A_90 : memref<1x640xf32, #tpu.memory_space<vmem_shared>> -> memref<640xf32, #tpu.memory_space<vmem_shared>>
      tpu.enqueue_dma source(%dma_start3A_91 : memref<640xf32, #tpu.memory_space<vmem_shared>>) target(%dma_start3A_89 : memref<640xf32, #tpu.memory_space<vmem>>) target_semaphore(%run_scoped3A_82 : memref<!tpu.dma_semaphore, #tpu.memory_space<semaphore_mem>>)
      %dma_wait3A = arith.constant 0 : i32
      %dma_wait3A_92 = tpu.memref_slice %arg6[%run_scoped3A_49, %dma_wait3A] : memref<16x640xf32, #tpu.memory_space<vmem>> -> memref<1x640xf32, #tpu.memory_space<vmem>>
      %dma_wait3A_93 = tpu.memref_squeeze %dma_wait3A_92 : memref<1x640xf32, #tpu.memory_space<vmem>> -> memref<640xf32, #tpu.memory_space<vmem>>
      %dma_wait3A_94 = tpu.memref_slice %arg8[%run_scoped3A_48, %mul3A_47] : memref<16x10240xf32, #tpu.memory_space<vmem_shared>> -> memref<1x640xf32, #tpu.memory_space<vmem_shared>>
      %dma_wait3A_95 = tpu.memref_squeeze %dma_wait3A_94 : memref<1x640xf32, #tpu.memory_space<vmem_shared>> -> memref<640xf32, #tpu.memory_space<vmem_shared>>
      %dma_wait3A_96 = arith.constant 0 : i32
      %dma_wait3A_97 = tpu.memref_slice %arg6[%run_scoped3A_49, %dma_wait3A_96] : memref<16x640xf32, #tpu.memory_space<vmem>> -> memref<1x640xf32, #tpu.memory_space<vmem>>
      %dma_wait3A_98 = tpu.memref_squeeze %dma_wait3A_97 : memref<1x640xf32, #tpu.memory_space<vmem>> -> memref<640xf32, #tpu.memory_space<vmem>>
      %dma_wait3A_99 = tpu.memref_slice %arg8[%run_scoped3A_48, %mul3A_47] : memref<16x10240xf32, #tpu.memory_space<vmem_shared>> -> memref<1x640xf32, #tpu.memory_space<vmem_shared>>
      %dma_wait3A_100 = tpu.memref_squeeze %dma_wait3A_99 : memref<1x640xf32, #tpu.memory_space<vmem_shared>> -> memref<640xf32, #tpu.memory_space<vmem_shared>>
      tpu.wait_dma2 semaphore(%run_scoped3A_82 : memref<!tpu.dma_semaphore, #tpu.memory_space<semaphore_mem>>) src(%dma_wait3A_100 : memref<640xf32, #tpu.memory_space<vmem_shared>>) dst(%dma_wait3A_98 : memref<640xf32, #tpu.memory_space<vmem>>)
      tpu.yield
    }) : () -> ()
    %mul3A_50 = arith.constant 640 : i32
    %mul3A_51 = arith.muli %arg1, %mul3A_50 : i32
    %run_scoped3A_52 = arith.constant 10 : i32
    %run_scoped3A_53 = arith.constant 10 : i32
    "tpu.region"() ({
      %run_scoped3A_82 = tpu.sem_alloc : memref<!tpu.dma_semaphore, #tpu.memory_space<semaphore_mem>>
      %dma_start3A = arith.constant 0 : i32
      %dma_start3A_83 = tpu.memref_slice %arg6[%run_scoped3A_53, %dma_start3A] : memref<16x640xf32, #tpu.memory_space<vmem>> -> memref<1x640xf32, #tpu.memory_space<vmem>>
      %dma_start3A_84 = tpu.memref_squeeze %dma_start3A_83 : memref<1x640xf32, #tpu.memory_space<vmem>> -> memref<640xf32, #tpu.memory_space<vmem>>
      %dma_start3A_85 = tpu.memref_slice %arg8[%run_scoped3A_52, %mul3A_51] : memref<16x10240xf32, #tpu.memory_space<vmem_shared>> -> memref<1x640xf32, #tpu.memory_space<vmem_shared>>
      %dma_start3A_86 = tpu.memref_squeeze %dma_start3A_85 : memref<1x640xf32, #tpu.memory_space<vmem_shared>> -> memref<640xf32, #tpu.memory_space<vmem_shared>>
      %dma_start3A_87 = arith.constant 0 : i32
      %dma_start3A_88 = tpu.memref_slice %arg6[%run_scoped3A_53, %dma_start3A_87] : memref<16x640xf32, #tpu.memory_space<vmem>> -> memref<1x640xf32, #tpu.memory_space<vmem>>
      %dma_start3A_89 = tpu.memref_squeeze %dma_start3A_88 : memref<1x640xf32, #tpu.memory_space<vmem>> -> memref<640xf32, #tpu.memory_space<vmem>>
      %dma_start3A_90 = tpu.memref_slice %arg8[%run_scoped3A_52, %mul3A_51] : memref<16x10240xf32, #tpu.memory_space<vmem_shared>> -> memref<1x640xf32, #tpu.memory_space<vmem_shared>>
      %dma_start3A_91 = tpu.memref_squeeze %dma_start3A_90 : memref<1x640xf32, #tpu.memory_space<vmem_shared>> -> memref<640xf32, #tpu.memory_space<vmem_shared>>
      tpu.enqueue_dma source(%dma_start3A_91 : memref<640xf32, #tpu.memory_space<vmem_shared>>) target(%dma_start3A_89 : memref<640xf32, #tpu.memory_space<vmem>>) target_semaphore(%run_scoped3A_82 : memref<!tpu.dma_semaphore, #tpu.memory_space<semaphore_mem>>)
      %dma_wait3A = arith.constant 0 : i32
      %dma_wait3A_92 = tpu.memref_slice %arg6[%run_scoped3A_53, %dma_wait3A] : memref<16x640xf32, #tpu.memory_space<vmem>> -> memref<1x640xf32, #tpu.memory_space<vmem>>
      %dma_wait3A_93 = tpu.memref_squeeze %dma_wait3A_92 : memref<1x640xf32, #tpu.memory_space<vmem>> -> memref<640xf32, #tpu.memory_space<vmem>>
      %dma_wait3A_94 = tpu.memref_slice %arg8[%run_scoped3A_52, %mul3A_51] : memref<16x10240xf32, #tpu.memory_space<vmem_shared>> -> memref<1x640xf32, #tpu.memory_space<vmem_shared>>
      %dma_wait3A_95 = tpu.memref_squeeze %dma_wait3A_94 : memref<1x640xf32, #tpu.memory_space<vmem_shared>> -> memref<640xf32, #tpu.memory_space<vmem_shared>>
      %dma_wait3A_96 = arith.constant 0 : i32
      %dma_wait3A_97 = tpu.memref_slice %arg6[%run_scoped3A_53, %dma_wait3A_96] : memref<16x640xf32, #tpu.memory_space<vmem>> -> memref<1x640xf32, #tpu.memory_space<vmem>>
      %dma_wait3A_98 = tpu.memref_squeeze %dma_wait3A_97 : memref<1x640xf32, #tpu.memory_space<vmem>> -> memref<640xf32, #tpu.memory_space<vmem>>
      %dma_wait3A_99 = tpu.memref_slice %arg8[%run_scoped3A_52, %mul3A_51] : memref<16x10240xf32, #tpu.memory_space<vmem_shared>> -> memref<1x640xf32, #tpu.memory_space<vmem_shared>>
      %dma_wait3A_100 = tpu.memref_squeeze %dma_wait3A_99 : memref<1x640xf32, #tpu.memory_space<vmem_shared>> -> memref<640xf32, #tpu.memory_space<vmem_shared>>
      tpu.wait_dma2 semaphore(%run_scoped3A_82 : memref<!tpu.dma_semaphore, #tpu.memory_space<semaphore_mem>>) src(%dma_wait3A_100 : memref<640xf32, #tpu.memory_space<vmem_shared>>) dst(%dma_wait3A_98 : memref<640xf32, #tpu.memory_space<vmem>>)
      tpu.yield
    }) : () -> ()
    %mul3A_54 = arith.constant 640 : i32
    %mul3A_55 = arith.muli %arg1, %mul3A_54 : i32
    %run_scoped3A_56 = arith.constant 11 : i32
    %run_scoped3A_57 = arith.constant 11 : i32
    "tpu.region"() ({
      %run_scoped3A_82 = tpu.sem_alloc : memref<!tpu.dma_semaphore, #tpu.memory_space<semaphore_mem>>
      %dma_start3A = arith.constant 0 : i32
      %dma_start3A_83 = tpu.memref_slice %arg6[%run_scoped3A_57, %dma_start3A] : memref<16x640xf32, #tpu.memory_space<vmem>> -> memref<1x640xf32, #tpu.memory_space<vmem>>
      %dma_start3A_84 = tpu.memref_squeeze %dma_start3A_83 : memref<1x640xf32, #tpu.memory_space<vmem>> -> memref<640xf32, #tpu.memory_space<vmem>>
      %dma_start3A_85 = tpu.memref_slice %arg8[%run_scoped3A_56, %mul3A_55] : memref<16x10240xf32, #tpu.memory_space<vmem_shared>> -> memref<1x640xf32, #tpu.memory_space<vmem_shared>>
      %dma_start3A_86 = tpu.memref_squeeze %dma_start3A_85 : memref<1x640xf32, #tpu.memory_space<vmem_shared>> -> memref<640xf32, #tpu.memory_space<vmem_shared>>
      %dma_start3A_87 = arith.constant 0 : i32
      %dma_start3A_88 = tpu.memref_slice %arg6[%run_scoped3A_57, %dma_start3A_87] : memref<16x640xf32, #tpu.memory_space<vmem>> -> memref<1x640xf32, #tpu.memory_space<vmem>>
      %dma_start3A_89 = tpu.memref_squeeze %dma_start3A_88 : memref<1x640xf32, #tpu.memory_space<vmem>> -> memref<640xf32, #tpu.memory_space<vmem>>
      %dma_start3A_90 = tpu.memref_slice %arg8[%run_scoped3A_56, %mul3A_55] : memref<16x10240xf32, #tpu.memory_space<vmem_shared>> -> memref<1x640xf32, #tpu.memory_space<vmem_shared>>
      %dma_start3A_91 = tpu.memref_squeeze %dma_start3A_90 : memref<1x640xf32, #tpu.memory_space<vmem_shared>> -> memref<640xf32, #tpu.memory_space<vmem_shared>>
      tpu.enqueue_dma source(%dma_start3A_91 : memref<640xf32, #tpu.memory_space<vmem_shared>>) target(%dma_start3A_89 : memref<640xf32, #tpu.memory_space<vmem>>) target_semaphore(%run_scoped3A_82 : memref<!tpu.dma_semaphore, #tpu.memory_space<semaphore_mem>>)
      %dma_wait3A = arith.constant 0 : i32
      %dma_wait3A_92 = tpu.memref_slice %arg6[%run_scoped3A_57, %dma_wait3A] : memref<16x640xf32, #tpu.memory_space<vmem>> -> memref<1x640xf32, #tpu.memory_space<vmem>>
      %dma_wait3A_93 = tpu.memref_squeeze %dma_wait3A_92 : memref<1x640xf32, #tpu.memory_space<vmem>> -> memref<640xf32, #tpu.memory_space<vmem>>
      %dma_wait3A_94 = tpu.memref_slice %arg8[%run_scoped3A_56, %mul3A_55] : memref<16x10240xf32, #tpu.memory_space<vmem_shared>> -> memref<1x640xf32, #tpu.memory_space<vmem_shared>>
      %dma_wait3A_95 = tpu.memref_squeeze %dma_wait3A_94 : memref<1x640xf32, #tpu.memory_space<vmem_shared>> -> memref<640xf32, #tpu.memory_space<vmem_shared>>
      %dma_wait3A_96 = arith.constant 0 : i32
      %dma_wait3A_97 = tpu.memref_slice %arg6[%run_scoped3A_57, %dma_wait3A_96] : memref<16x640xf32, #tpu.memory_space<vmem>> -> memref<1x640xf32, #tpu.memory_space<vmem>>
      %dma_wait3A_98 = tpu.memref_squeeze %dma_wait3A_97 : memref<1x640xf32, #tpu.memory_space<vmem>> -> memref<640xf32, #tpu.memory_space<vmem>>
      %dma_wait3A_99 = tpu.memref_slice %arg8[%run_scoped3A_56, %mul3A_55] : memref<16x10240xf32, #tpu.memory_space<vmem_shared>> -> memref<1x640xf32, #tpu.memory_space<vmem_shared>>
      %dma_wait3A_100 = tpu.memref_squeeze %dma_wait3A_99 : memref<1x640xf32, #tpu.memory_space<vmem_shared>> -> memref<640xf32, #tpu.memory_space<vmem_shared>>
      tpu.wait_dma2 semaphore(%run_scoped3A_82 : memref<!tpu.dma_semaphore, #tpu.memory_space<semaphore_mem>>) src(%dma_wait3A_100 : memref<640xf32, #tpu.memory_space<vmem_shared>>) dst(%dma_wait3A_98 : memref<640xf32, #tpu.memory_space<vmem>>)
      tpu.yield
    }) : () -> ()
    %mul3A_58 = arith.constant 640 : i32
    %mul3A_59 = arith.muli %arg1, %mul3A_58 : i32
    %run_scoped3A_60 = arith.constant 12 : i32
    %run_scoped3A_61 = arith.constant 12 : i32
    "tpu.region"() ({
      %run_scoped3A_82 = tpu.sem_alloc : memref<!tpu.dma_semaphore, #tpu.memory_space<semaphore_mem>>
      %dma_start3A = arith.constant 0 : i32
      %dma_start3A_83 = tpu.memref_slice %arg6[%run_scoped3A_61, %dma_start3A] : memref<16x640xf32, #tpu.memory_space<vmem>> -> memref<1x640xf32, #tpu.memory_space<vmem>>
      %dma_start3A_84 = tpu.memref_squeeze %dma_start3A_83 : memref<1x640xf32, #tpu.memory_space<vmem>> -> memref<640xf32, #tpu.memory_space<vmem>>
      %dma_start3A_85 = tpu.memref_slice %arg8[%run_scoped3A_60, %mul3A_59] : memref<16x10240xf32, #tpu.memory_space<vmem_shared>> -> memref<1x640xf32, #tpu.memory_space<vmem_shared>>
      %dma_start3A_86 = tpu.memref_squeeze %dma_start3A_85 : memref<1x640xf32, #tpu.memory_space<vmem_shared>> -> memref<640xf32, #tpu.memory_space<vmem_shared>>
      %dma_start3A_87 = arith.constant 0 : i32
      %dma_start3A_88 = tpu.memref_slice %arg6[%run_scoped3A_61, %dma_start3A_87] : memref<16x640xf32, #tpu.memory_space<vmem>> -> memref<1x640xf32, #tpu.memory_space<vmem>>
      %dma_start3A_89 = tpu.memref_squeeze %dma_start3A_88 : memref<1x640xf32, #tpu.memory_space<vmem>> -> memref<640xf32, #tpu.memory_space<vmem>>
      %dma_start3A_90 = tpu.memref_slice %arg8[%run_scoped3A_60, %mul3A_59] : memref<16x10240xf32, #tpu.memory_space<vmem_shared>> -> memref<1x640xf32, #tpu.memory_space<vmem_shared>>
      %dma_start3A_91 = tpu.memref_squeeze %dma_start3A_90 : memref<1x640xf32, #tpu.memory_space<vmem_shared>> -> memref<640xf32, #tpu.memory_space<vmem_shared>>
      tpu.enqueue_dma source(%dma_start3A_91 : memref<640xf32, #tpu.memory_space<vmem_shared>>) target(%dma_start3A_89 : memref<640xf32, #tpu.memory_space<vmem>>) target_semaphore(%run_scoped3A_82 : memref<!tpu.dma_semaphore, #tpu.memory_space<semaphore_mem>>)
      %dma_wait3A = arith.constant 0 : i32
      %dma_wait3A_92 = tpu.memref_slice %arg6[%run_scoped3A_61, %dma_wait3A] : memref<16x640xf32, #tpu.memory_space<vmem>> -> memref<1x640xf32, #tpu.memory_space<vmem>>
      %dma_wait3A_93 = tpu.memref_squeeze %dma_wait3A_92 : memref<1x640xf32, #tpu.memory_space<vmem>> -> memref<640xf32, #tpu.memory_space<vmem>>
      %dma_wait3A_94 = tpu.memref_slice %arg8[%run_scoped3A_60, %mul3A_59] : memref<16x10240xf32, #tpu.memory_space<vmem_shared>> -> memref<1x640xf32, #tpu.memory_space<vmem_shared>>
      %dma_wait3A_95 = tpu.memref_squeeze %dma_wait3A_94 : memref<1x640xf32, #tpu.memory_space<vmem_shared>> -> memref<640xf32, #tpu.memory_space<vmem_shared>>
      %dma_wait3A_96 = arith.constant 0 : i32
      %dma_wait3A_97 = tpu.memref_slice %arg6[%run_scoped3A_61, %dma_wait3A_96] : memref<16x640xf32, #tpu.memory_space<vmem>> -> memref<1x640xf32, #tpu.memory_space<vmem>>
      %dma_wait3A_98 = tpu.memref_squeeze %dma_wait3A_97 : memref<1x640xf32, #tpu.memory_space<vmem>> -> memref<640xf32, #tpu.memory_space<vmem>>
      %dma_wait3A_99 = tpu.memref_slice %arg8[%run_scoped3A_60, %mul3A_59] : memref<16x10240xf32, #tpu.memory_space<vmem_shared>> -> memref<1x640xf32, #tpu.memory_space<vmem_shared>>
      %dma_wait3A_100 = tpu.memref_squeeze %dma_wait3A_99 : memref<1x640xf32, #tpu.memory_space<vmem_shared>> -> memref<640xf32, #tpu.memory_space<vmem_shared>>
      tpu.wait_dma2 semaphore(%run_scoped3A_82 : memref<!tpu.dma_semaphore, #tpu.memory_space<semaphore_mem>>) src(%dma_wait3A_100 : memref<640xf32, #tpu.memory_space<vmem_shared>>) dst(%dma_wait3A_98 : memref<640xf32, #tpu.memory_space<vmem>>)
      tpu.yield
    }) : () -> ()
    %mul3A_62 = arith.constant 640 : i32
    %mul3A_63 = arith.muli %arg1, %mul3A_62 : i32
    %run_scoped3A_64 = arith.constant 13 : i32
    %run_scoped3A_65 = arith.constant 13 : i32
    "tpu.region"() ({
      %run_scoped3A_82 = tpu.sem_alloc : memref<!tpu.dma_semaphore, #tpu.memory_space<semaphore_mem>>
      %dma_start3A = arith.constant 0 : i32
      %dma_start3A_83 = tpu.memref_slice %arg6[%run_scoped3A_65, %dma_start3A] : memref<16x640xf32, #tpu.memory_space<vmem>> -> memref<1x640xf32, #tpu.memory_space<vmem>>
      %dma_start3A_84 = tpu.memref_squeeze %dma_start3A_83 : memref<1x640xf32, #tpu.memory_space<vmem>> -> memref<640xf32, #tpu.memory_space<vmem>>
      %dma_start3A_85 = tpu.memref_slice %arg8[%run_scoped3A_64, %mul3A_63] : memref<16x10240xf32, #tpu.memory_space<vmem_shared>> -> memref<1x640xf32, #tpu.memory_space<vmem_shared>>
      %dma_start3A_86 = tpu.memref_squeeze %dma_start3A_85 : memref<1x640xf32, #tpu.memory_space<vmem_shared>> -> memref<640xf32, #tpu.memory_space<vmem_shared>>
      %dma_start3A_87 = arith.constant 0 : i32
      %dma_start3A_88 = tpu.memref_slice %arg6[%run_scoped3A_65, %dma_start3A_87] : memref<16x640xf32, #tpu.memory_space<vmem>> -> memref<1x640xf32, #tpu.memory_space<vmem>>
      %dma_start3A_89 = tpu.memref_squeeze %dma_start3A_88 : memref<1x640xf32, #tpu.memory_space<vmem>> -> memref<640xf32, #tpu.memory_space<vmem>>
      %dma_start3A_90 = tpu.memref_slice %arg8[%run_scoped3A_64, %mul3A_63] : memref<16x10240xf32, #tpu.memory_space<vmem_shared>> -> memref<1x640xf32, #tpu.memory_space<vmem_shared>>
      %dma_start3A_91 = tpu.memref_squeeze %dma_start3A_90 : memref<1x640xf32, #tpu.memory_space<vmem_shared>> -> memref<640xf32, #tpu.memory_space<vmem_shared>>
      tpu.enqueue_dma source(%dma_start3A_91 : memref<640xf32, #tpu.memory_space<vmem_shared>>) target(%dma_start3A_89 : memref<640xf32, #tpu.memory_space<vmem>>) target_semaphore(%run_scoped3A_82 : memref<!tpu.dma_semaphore, #tpu.memory_space<semaphore_mem>>)
      %dma_wait3A = arith.constant 0 : i32
      %dma_wait3A_92 = tpu.memref_slice %arg6[%run_scoped3A_65, %dma_wait3A] : memref<16x640xf32, #tpu.memory_space<vmem>> -> memref<1x640xf32, #tpu.memory_space<vmem>>
      %dma_wait3A_93 = tpu.memref_squeeze %dma_wait3A_92 : memref<1x640xf32, #tpu.memory_space<vmem>> -> memref<640xf32, #tpu.memory_space<vmem>>
      %dma_wait3A_94 = tpu.memref_slice %arg8[%run_scoped3A_64, %mul3A_63] : memref<16x10240xf32, #tpu.memory_space<vmem_shared>> -> memref<1x640xf32, #tpu.memory_space<vmem_shared>>
      %dma_wait3A_95 = tpu.memref_squeeze %dma_wait3A_94 : memref<1x640xf32, #tpu.memory_space<vmem_shared>> -> memref<640xf32, #tpu.memory_space<vmem_shared>>
      %dma_wait3A_96 = arith.constant 0 : i32
      %dma_wait3A_97 = tpu.memref_slice %arg6[%run_scoped3A_65, %dma_wait3A_96] : memref<16x640xf32, #tpu.memory_space<vmem>> -> memref<1x640xf32, #tpu.memory_space<vmem>>
      %dma_wait3A_98 = tpu.memref_squeeze %dma_wait3A_97 : memref<1x640xf32, #tpu.memory_space<vmem>> -> memref<640xf32, #tpu.memory_space<vmem>>
      %dma_wait3A_99 = tpu.memref_slice %arg8[%run_scoped3A_64, %mul3A_63] : memref<16x10240xf32, #tpu.memory_space<vmem_shared>> -> memref<1x640xf32, #tpu.memory_space<vmem_shared>>
      %dma_wait3A_100 = tpu.memref_squeeze %dma_wait3A_99 : memref<1x640xf32, #tpu.memory_space<vmem_shared>> -> memref<640xf32, #tpu.memory_space<vmem_shared>>
      tpu.wait_dma2 semaphore(%run_scoped3A_82 : memref<!tpu.dma_semaphore, #tpu.memory_space<semaphore_mem>>) src(%dma_wait3A_100 : memref<640xf32, #tpu.memory_space<vmem_shared>>) dst(%dma_wait3A_98 : memref<640xf32, #tpu.memory_space<vmem>>)
      tpu.yield
    }) : () -> ()
    %mul3A_66 = arith.constant 640 : i32
    %mul3A_67 = arith.muli %arg1, %mul3A_66 : i32
    %run_scoped3A_68 = arith.constant 14 : i32
    %run_scoped3A_69 = arith.constant 14 : i32
    "tpu.region"() ({
      %run_scoped3A_82 = tpu.sem_alloc : memref<!tpu.dma_semaphore, #tpu.memory_space<semaphore_mem>>
      %dma_start3A = arith.constant 0 : i32
      %dma_start3A_83 = tpu.memref_slice %arg6[%run_scoped3A_69, %dma_start3A] : memref<16x640xf32, #tpu.memory_space<vmem>> -> memref<1x640xf32, #tpu.memory_space<vmem>>
      %dma_start3A_84 = tpu.memref_squeeze %dma_start3A_83 : memref<1x640xf32, #tpu.memory_space<vmem>> -> memref<640xf32, #tpu.memory_space<vmem>>
      %dma_start3A_85 = tpu.memref_slice %arg8[%run_scoped3A_68, %mul3A_67] : memref<16x10240xf32, #tpu.memory_space<vmem_shared>> -> memref<1x640xf32, #tpu.memory_space<vmem_shared>>
      %dma_start3A_86 = tpu.memref_squeeze %dma_start3A_85 : memref<1x640xf32, #tpu.memory_space<vmem_shared>> -> memref<640xf32, #tpu.memory_space<vmem_shared>>
      %dma_start3A_87 = arith.constant 0 : i32
      %dma_start3A_88 = tpu.memref_slice %arg6[%run_scoped3A_69, %dma_start3A_87] : memref<16x640xf32, #tpu.memory_space<vmem>> -> memref<1x640xf32, #tpu.memory_space<vmem>>
      %dma_start3A_89 = tpu.memref_squeeze %dma_start3A_88 : memref<1x640xf32, #tpu.memory_space<vmem>> -> memref<640xf32, #tpu.memory_space<vmem>>
      %dma_start3A_90 = tpu.memref_slice %arg8[%run_scoped3A_68, %mul3A_67] : memref<16x10240xf32, #tpu.memory_space<vmem_shared>> -> memref<1x640xf32, #tpu.memory_space<vmem_shared>>
      %dma_start3A_91 = tpu.memref_squeeze %dma_start3A_90 : memref<1x640xf32, #tpu.memory_space<vmem_shared>> -> memref<640xf32, #tpu.memory_space<vmem_shared>>
      tpu.enqueue_dma source(%dma_start3A_91 : memref<640xf32, #tpu.memory_space<vmem_shared>>) target(%dma_start3A_89 : memref<640xf32, #tpu.memory_space<vmem>>) target_semaphore(%run_scoped3A_82 : memref<!tpu.dma_semaphore, #tpu.memory_space<semaphore_mem>>)
      %dma_wait3A = arith.constant 0 : i32
      %dma_wait3A_92 = tpu.memref_slice %arg6[%run_scoped3A_69, %dma_wait3A] : memref<16x640xf32, #tpu.memory_space<vmem>> -> memref<1x640xf32, #tpu.memory_space<vmem>>
      %dma_wait3A_93 = tpu.memref_squeeze %dma_wait3A_92 : memref<1x640xf32, #tpu.memory_space<vmem>> -> memref<640xf32, #tpu.memory_space<vmem>>
      %dma_wait3A_94 = tpu.memref_slice %arg8[%run_scoped3A_68, %mul3A_67] : memref<16x10240xf32, #tpu.memory_space<vmem_shared>> -> memref<1x640xf32, #tpu.memory_space<vmem_shared>>
      %dma_wait3A_95 = tpu.memref_squeeze %dma_wait3A_94 : memref<1x640xf32, #tpu.memory_space<vmem_shared>> -> memref<640xf32, #tpu.memory_space<vmem_shared>>
      %dma_wait3A_96 = arith.constant 0 : i32
      %dma_wait3A_97 = tpu.memref_slice %arg6[%run_scoped3A_69, %dma_wait3A_96] : memref<16x640xf32, #tpu.memory_space<vmem>> -> memref<1x640xf32, #tpu.memory_space<vmem>>
      %dma_wait3A_98 = tpu.memref_squeeze %dma_wait3A_97 : memref<1x640xf32, #tpu.memory_space<vmem>> -> memref<640xf32, #tpu.memory_space<vmem>>
      %dma_wait3A_99 = tpu.memref_slice %arg8[%run_scoped3A_68, %mul3A_67] : memref<16x10240xf32, #tpu.memory_space<vmem_shared>> -> memref<1x640xf32, #tpu.memory_space<vmem_shared>>
      %dma_wait3A_100 = tpu.memref_squeeze %dma_wait3A_99 : memref<1x640xf32, #tpu.memory_space<vmem_shared>> -> memref<640xf32, #tpu.memory_space<vmem_shared>>
      tpu.wait_dma2 semaphore(%run_scoped3A_82 : memref<!tpu.dma_semaphore, #tpu.memory_space<semaphore_mem>>) src(%dma_wait3A_100 : memref<640xf32, #tpu.memory_space<vmem_shared>>) dst(%dma_wait3A_98 : memref<640xf32, #tpu.memory_space<vmem>>)
      tpu.yield
    }) : () -> ()
    %mul3A_70 = arith.constant 640 : i32
    %mul3A_71 = arith.muli %arg1, %mul3A_70 : i32
    %run_scoped3A_72 = arith.constant 15 : i32
    %run_scoped3A_73 = arith.constant 15 : i32
    "tpu.region"() ({
      %run_scoped3A_82 = tpu.sem_alloc : memref<!tpu.dma_semaphore, #tpu.memory_space<semaphore_mem>>
      %dma_start3A = arith.constant 0 : i32
      %dma_start3A_83 = tpu.memref_slice %arg6[%run_scoped3A_73, %dma_start3A] : memref<16x640xf32, #tpu.memory_space<vmem>> -> memref<1x640xf32, #tpu.memory_space<vmem>>
      %dma_start3A_84 = tpu.memref_squeeze %dma_start3A_83 : memref<1x640xf32, #tpu.memory_space<vmem>> -> memref<640xf32, #tpu.memory_space<vmem>>
      %dma_start3A_85 = tpu.memref_slice %arg8[%run_scoped3A_72, %mul3A_71] : memref<16x10240xf32, #tpu.memory_space<vmem_shared>> -> memref<1x640xf32, #tpu.memory_space<vmem_shared>>
      %dma_start3A_86 = tpu.memref_squeeze %dma_start3A_85 : memref<1x640xf32, #tpu.memory_space<vmem_shared>> -> memref<640xf32, #tpu.memory_space<vmem_shared>>
      %dma_start3A_87 = arith.constant 0 : i32
      %dma_start3A_88 = tpu.memref_slice %arg6[%run_scoped3A_73, %dma_start3A_87] : memref<16x640xf32, #tpu.memory_space<vmem>> -> memref<1x640xf32, #tpu.memory_space<vmem>>
      %dma_start3A_89 = tpu.memref_squeeze %dma_start3A_88 : memref<1x640xf32, #tpu.memory_space<vmem>> -> memref<640xf32, #tpu.memory_space<vmem>>
      %dma_start3A_90 = tpu.memref_slice %arg8[%run_scoped3A_72, %mul3A_71] : memref<16x10240xf32, #tpu.memory_space<vmem_shared>> -> memref<1x640xf32, #tpu.memory_space<vmem_shared>>
      %dma_start3A_91 = tpu.memref_squeeze %dma_start3A_90 : memref<1x640xf32, #tpu.memory_space<vmem_shared>> -> memref<640xf32, #tpu.memory_space<vmem_shared>>
      tpu.enqueue_dma source(%dma_start3A_91 : memref<640xf32, #tpu.memory_space<vmem_shared>>) target(%dma_start3A_89 : memref<640xf32, #tpu.memory_space<vmem>>) target_semaphore(%run_scoped3A_82 : memref<!tpu.dma_semaphore, #tpu.memory_space<semaphore_mem>>)
      %dma_wait3A = arith.constant 0 : i32
      %dma_wait3A_92 = tpu.memref_slice %arg6[%run_scoped3A_73, %dma_wait3A] : memref<16x640xf32, #tpu.memory_space<vmem>> -> memref<1x640xf32, #tpu.memory_space<vmem>>
      %dma_wait3A_93 = tpu.memref_squeeze %dma_wait3A_92 : memref<1x640xf32, #tpu.memory_space<vmem>> -> memref<640xf32, #tpu.memory_space<vmem>>
      %dma_wait3A_94 = tpu.memref_slice %arg8[%run_scoped3A_72, %mul3A_71] : memref<16x10240xf32, #tpu.memory_space<vmem_shared>> -> memref<1x640xf32, #tpu.memory_space<vmem_shared>>
      %dma_wait3A_95 = tpu.memref_squeeze %dma_wait3A_94 : memref<1x640xf32, #tpu.memory_space<vmem_shared>> -> memref<640xf32, #tpu.memory_space<vmem_shared>>
      %dma_wait3A_96 = arith.constant 0 : i32
      %dma_wait3A_97 = tpu.memref_slice %arg6[%run_scoped3A_73, %dma_wait3A_96] : memref<16x640xf32, #tpu.memory_space<vmem>> -> memref<1x640xf32, #tpu.memory_space<vmem>>
      %dma_wait3A_98 = tpu.memref_squeeze %dma_wait3A_97 : memref<1x640xf32, #tpu.memory_space<vmem>> -> memref<640xf32, #tpu.memory_space<vmem>>
      %dma_wait3A_99 = tpu.memref_slice %arg8[%run_scoped3A_72, %mul3A_71] : memref<16x10240xf32, #tpu.memory_space<vmem_shared>> -> memref<1x640xf32, #tpu.memory_space<vmem_shared>>
      %dma_wait3A_100 = tpu.memref_squeeze %dma_wait3A_99 : memref<1x640xf32, #tpu.memory_space<vmem_shared>> -> memref<640xf32, #tpu.memory_space<vmem_shared>>
      tpu.wait_dma2 semaphore(%run_scoped3A_82 : memref<!tpu.dma_semaphore, #tpu.memory_space<semaphore_mem>>) src(%dma_wait3A_100 : memref<640xf32, #tpu.memory_space<vmem_shared>>) dst(%dma_wait3A_98 : memref<640xf32, #tpu.memory_space<vmem>>)
      tpu.yield
    }) : () -> ()
    %scan3A_74 = arith.constant 0 : i32
    %scan3A_75 = arith.constant 0 : i32
    %scan3A_76 = arith.constant 40 : i32
    %scan3A_77 = arith.addi %scan3A_75, %scan3A_76 : i32
    %scan3A_78 = arith.constant 1 : i32
    scf.for %scan3A_82 = %scan3A_75 to %scan3A_77 step %scan3A_78  : i32 {
      %mul3A_83 = arith.constant 16 : i32
      %mul3A_84 = arith.muli %scan3A_82, %mul3A_83 : i32
      %get3A = arith.constant 0 : i32
      %get3A_85 = arith.index_cast %get3A : i32 to index
      %get3A_86 = arith.index_cast %mul3A_84 : i32 to index
      %get3A_87 = tpu.vector_load %arg6[%get3A_85, %get3A_86] {strides = array<i32>} : memref<16x640xf32, #tpu.memory_space<vmem>>, vector<16xf32>,
      %mul3A_88 = arith.constant 16 : i32
      %mul3A_89 = arith.muli %scan3A_82, %mul3A_88 : i32
      %get3A_90 = arith.constant 1 : i32
      %get3A_91 = arith.index_cast %get3A_90 : i32 to index
      %get3A_92 = arith.index_cast %mul3A_89 : i32 to index
      %get3A_93 = tpu.vector_load %arg6[%get3A_91, %get3A_92] {strides = array<i32>} : memref<16x640xf32, #tpu.memory_space<vmem>>, vector<16xf32>,
      %add3A = arith.addf %get3A_87, %get3A_93 : vector<16xf32>
      %mul3A_94 = arith.constant 16 : i32
      %mul3A_95 = arith.muli %scan3A_82, %mul3A_94 : i32
      %get3A_96 = arith.constant 2 : i32
      %get3A_97 = arith.index_cast %get3A_96 : i32 to index
      %get3A_98 = arith.index_cast %mul3A_95 : i32 to index
      %get3A_99 = tpu.vector_load %arg6[%get3A_97, %get3A_98] {strides = array<i32>} : memref<16x640xf32, #tpu.memory_space<vmem>>, vector<16xf32>,
      %add3A_100 = arith.addf %add3A, %get3A_99 : vector<16xf32>
      %mul3A_101 = arith.constant 16 : i32
      %mul3A_102 = arith.muli %scan3A_82, %mul3A_101 : i32
      %get3A_103 = arith.constant 3 : i32
      %get3A_104 = arith.index_cast %get3A_103 : i32 to index
      %get3A_105 = arith.index_cast %mul3A_102 : i32 to index
      %get3A_106 = tpu.vector_load %arg6[%get3A_104, %get3A_105] {strides = array<i32>} : memref<16x640xf32, #tpu.memory_space<vmem>>, vector<16xf32>,
      %add3A_107 = arith.addf %add3A_100, %get3A_106 : vector<16xf32>
      %mul3A_108 = arith.constant 16 : i32
      %mul3A_109 = arith.muli %scan3A_82, %mul3A_108 : i32
      %get3A_110 = arith.constant 4 : i32
      %get3A_111 = arith.index_cast %get3A_110 : i32 to index
      %get3A_112 = arith.index_cast %mul3A_109 : i32 to index
      %get3A_113 = tpu.vector_load %arg6[%get3A_111, %get3A_112] {strides = array<i32>} : memref<16x640xf32, #tpu.memory_space<vmem>>, vector<16xf32>,
      %add3A_114 = arith.addf %add3A_107, %get3A_113 : vector<16xf32>
      %mul3A_115 = arith.constant 16 : i32
      %mul3A_116 = arith.muli %scan3A_82, %mul3A_115 : i32
      %get3A_117 = arith.constant 5 : i32
      %get3A_118 = arith.index_cast %get3A_117 : i32 to index
      %get3A_119 = arith.index_cast %mul3A_116 : i32 to index
      %get3A_120 = tpu.vector_load %arg6[%get3A_118, %get3A_119] {strides = array<i32>} : memref<16x640xf32, #tpu.memory_space<vmem>>, vector<16xf32>,
      %add3A_121 = arith.addf %add3A_114, %get3A_120 : vector<16xf32>
      %mul3A_122 = arith.constant 16 : i32
      %mul3A_123 = arith.muli %scan3A_82, %mul3A_122 : i32
      %get3A_124 = arith.constant 6 : i32
      %get3A_125 = arith.index_cast %get3A_124 : i32 to index
      %get3A_126 = arith.index_cast %mul3A_123 : i32 to index
      %get3A_127 = tpu.vector_load %arg6[%get3A_125, %get3A_126] {strides = array<i32>} : memref<16x640xf32, #tpu.memory_space<vmem>>, vector<16xf32>,
      %add3A_128 = arith.addf %add3A_121, %get3A_127 : vector<16xf32>
      %mul3A_129 = arith.constant 16 : i32
      %mul3A_130 = arith.muli %scan3A_82, %mul3A_129 : i32
      %get3A_131 = arith.constant 7 : i32
      %get3A_132 = arith.index_cast %get3A_131 : i32 to index
      %get3A_133 = arith.index_cast %mul3A_130 : i32 to index
      %get3A_134 = tpu.vector_load %arg6[%get3A_132, %get3A_133] {strides = array<i32>} : memref<16x640xf32, #tpu.memory_space<vmem>>, vector<16xf32>,
      %add3A_135 = arith.addf %add3A_128, %get3A_134 : vector<16xf32>
      %mul3A_136 = arith.constant 16 : i32
      %mul3A_137 = arith.muli %scan3A_82, %mul3A_136 : i32
      %get3A_138 = arith.constant 8 : i32
      %get3A_139 = arith.index_cast %get3A_138 : i32 to index
      %get3A_140 = arith.index_cast %mul3A_137 : i32 to index
      %get3A_141 = tpu.vector_load %arg6[%get3A_139, %get3A_140] {strides = array<i32>} : memref<16x640xf32, #tpu.memory_space<vmem>>, vector<16xf32>,
      %add3A_142 = arith.addf %add3A_135, %get3A_141 : vector<16xf32>
      %mul3A_143 = arith.constant 16 : i32
      %mul3A_144 = arith.muli %scan3A_82, %mul3A_143 : i32
      %get3A_145 = arith.constant 9 : i32
      %get3A_146 = arith.index_cast %get3A_145 : i32 to index
      %get3A_147 = arith.index_cast %mul3A_144 : i32 to index
      %get3A_148 = tpu.vector_load %arg6[%get3A_146, %get3A_147] {strides = array<i32>} : memref<16x640xf32, #tpu.memory_space<vmem>>, vector<16xf32>,
      %add3A_149 = arith.addf %add3A_142, %get3A_148 : vector<16xf32>
      %mul3A_150 = arith.constant 16 : i32
      %mul3A_151 = arith.muli %scan3A_82, %mul3A_150 : i32
      %get3A_152 = arith.constant 10 : i32
      %get3A_153 = arith.index_cast %get3A_152 : i32 to index
      %get3A_154 = arith.index_cast %mul3A_151 : i32 to index
      %get3A_155 = tpu.vector_load %arg6[%get3A_153, %get3A_154] {strides = array<i32>} : memref<16x640xf32, #tpu.memory_space<vmem>>, vector<16xf32>,
      %add3A_156 = arith.addf %add3A_149, %get3A_155 : vector<16xf32>
      %mul3A_157 = arith.constant 16 : i32
      %mul3A_158 = arith.muli %scan3A_82, %mul3A_157 : i32
      %get3A_159 = arith.constant 11 : i32
      %get3A_160 = arith.index_cast %get3A_159 : i32 to index
      %get3A_161 = arith.index_cast %mul3A_158 : i32 to index
      %get3A_162 = tpu.vector_load %arg6[%get3A_160, %get3A_161] {strides = array<i32>} : memref<16x640xf32, #tpu.memory_space<vmem>>, vector<16xf32>,
      %add3A_163 = arith.addf %add3A_156, %get3A_162 : vector<16xf32>
      %mul3A_164 = arith.constant 16 : i32
      %mul3A_165 = arith.muli %scan3A_82, %mul3A_164 : i32
      %get3A_166 = arith.constant 12 : i32
      %get3A_167 = arith.index_cast %get3A_166 : i32 to index
      %get3A_168 = arith.index_cast %mul3A_165 : i32 to index
      %get3A_169 = tpu.vector_load %arg6[%get3A_167, %get3A_168] {strides = array<i32>} : memref<16x640xf32, #tpu.memory_space<vmem>>, vector<16xf32>,
      %add3A_170 = arith.addf %add3A_163, %get3A_169 : vector<16xf32>
      %mul3A_171 = arith.constant 16 : i32
      %mul3A_172 = arith.muli %scan3A_82, %mul3A_171 : i32
      %get3A_173 = arith.constant 13 : i32
      %get3A_174 = arith.index_cast %get3A_173 : i32 to index
      %get3A_175 = arith.index_cast %mul3A_172 : i32 to index
      %get3A_176 = tpu.vector_load %arg6[%get3A_174, %get3A_175] {strides = array<i32>} : memref<16x640xf32, #tpu.memory_space<vmem>>, vector<16xf32>,
      %add3A_177 = arith.addf %add3A_170, %get3A_176 : vector<16xf32>
      %mul3A_178 = arith.constant 16 : i32
      %mul3A_179 = arith.muli %scan3A_82, %mul3A_178 : i32
      %get3A_180 = arith.constant 14 : i32
      %get3A_181 = arith.index_cast %get3A_180 : i32 to index
      %get3A_182 = arith.index_cast %mul3A_179 : i32 to index
      %get3A_183 = tpu.vector_load %arg6[%get3A_181, %get3A_182] {strides = array<i32>} : memref<16x640xf32, #tpu.memory_space<vmem>>, vector<16xf32>,
      %add3A_184 = arith.addf %add3A_177, %get3A_183 : vector<16xf32>
      %mul3A_185 = arith.constant 16 : i32
      %mul3A_186 = arith.muli %scan3A_82, %mul3A_185 : i32
      %get3A_187 = arith.constant 15 : i32
      %get3A_188 = arith.index_cast %get3A_187 : i32 to index
      %get3A_189 = arith.index_cast %mul3A_186 : i32 to index
      %get3A_190 = tpu.vector_load %arg6[%get3A_188, %get3A_189] {strides = array<i32>} : memref<16x640xf32, #tpu.memory_space<vmem>>, vector<16xf32>,
      %add3A_191 = arith.addf %add3A_184, %get3A_190 : vector<16xf32>
      %add3A_192 = arith.constant 1.000000e+00 : f32
      %add3A_193 = vector.broadcast %add3A_192 : f32 to vector<16xf32>
      %add3A_194 = arith.addf %add3A_191, %add3A_193 : vector<16xf32>
      %mul3A_195 = arith.constant 16 : i32
      %mul3A_196 = arith.muli %scan3A_82, %mul3A_195 : i32
      %swap3A = arith.index_cast %mul3A_196 : i32 to index
      %swap3A_197 = tpu.vector_load %arg7[%swap3A] {strides = array<i32>} : memref<640xf32, #tpu.memory_space<vmem>>, vector<16xf32>,
      tpu.vector_store %arg7[%swap3A], %add3A_194 {strides = array<i32>} : memref<640xf32, #tpu.memory_space<vmem>>, vector<16xf32>,
    }
    %scan3A_79 = arith.constant 40 : i32
    %mul3A_80 = arith.constant 640 : i32
    %mul3A_81 = arith.muli %arg1, %mul3A_80 : i32
    "tpu.region"() ({
      %run_scoped3A_82 = tpu.sem_alloc : memref<!tpu.dma_semaphore, #tpu.memory_space<semaphore_mem>>
      %dma_start3A = tpu.memref_slice %arg3[%mul3A_81] : memref<10240xf32, #tpu.memory_space<hbm>> -> memref<640xf32, #tpu.memory_space<hbm>>
      %dma_start3A_83 = tpu.memref_slice %arg3[%mul3A_81] : memref<10240xf32, #tpu.memory_space<hbm>> -> memref<640xf32, #tpu.memory_space<hbm>>
      tpu.enqueue_dma source(%arg7 : memref<640xf32, #tpu.memory_space<vmem>>) target(%dma_start3A_83 : memref<640xf32, #tpu.memory_space<hbm>>) target_semaphore(%run_scoped3A_82 : memref<!tpu.dma_semaphore, #tpu.memory_space<semaphore_mem>>)
      %dma_wait3A = tpu.memref_slice %arg3[%mul3A_81] : memref<10240xf32, #tpu.memory_space<hbm>> -> memref<640xf32, #tpu.memory_space<hbm>>
      %dma_wait3A_84 = tpu.memref_slice %arg3[%mul3A_81] : memref<10240xf32, #tpu.memory_space<hbm>> -> memref<640xf32, #tpu.memory_space<hbm>>
      tpu.wait_dma2 semaphore(%run_scoped3A_82 : memref<!tpu.dma_semaphore, #tpu.memory_space<semaphore_mem>>) src(%arg7 : memref<640xf32, #tpu.memory_space<vmem>>) dst(%dma_wait3A_84 : memref<640xf32, #tpu.memory_space<hbm>>)
      tpu.yield
    }) : () -> ()
    return
  }
}

#map = affine_map<(d0, d1) -> (0, 0, 0)>
#map1 = affine_map<(d0, d1) -> (0, 0)>
#map2 = affine_map<(d0, d1) -> (0)>
module attributes {stable_mosaic.version = 14 : i64} {
  func.func @prop_kernel(%arg0: i32, %arg1: i32, %arg2: memref<16x162x128xi32, #tpu.memory_space<hbm>>, %arg3: memref<16x160x128xi32, #tpu.memory_space<hbm>>, %arg4: memref<10240x16xf32, #tpu.memory_space<hbm>>, %arg5: memref<10240xf32, #tpu.memory_space<hbm>>, %arg6: memref<10240x16xf32, #tpu.memory_space<hbm>>, %arg7: memref<162x128xi32, #tpu.memory_space<vmem>>, %arg8: memref<160x128xi32, #tpu.memory_space<vmem>>, %arg9: memref<640x16xf32, #tpu.memory_space<vmem>>, %arg10: memref<640x16xf32, #tpu.memory_space<vmem>>, %arg11: memref<640x16xf32, #tpu.memory_space<vmem>>, %arg12: memref<640x16xf32, #tpu.memory_space<vmem>>, %arg13: memref<512x16xf32, #tpu.memory_space<vmem>>, %arg14: memref<640xf32, #tpu.memory_space<vmem>>, %arg15: memref<640xf32, #tpu.memory_space<vmem>>, %arg16: memref<640xf32, #tpu.memory_space<vmem>>, %arg17: memref<10240x16xf32, #tpu.memory_space<vmem_shared>>, %arg18: memref<10240x16xf32, #tpu.memory_space<vmem_shared>>, %arg19: memref<!tpu.dma_semaphore, #tpu.memory_space<semaphore_mem>>) attributes {dimension_semantics = [#tpu.dimension_semantics<core_parallel>, #tpu.dimension_semantics<subcore_parallel>], iteration_bounds = array<i64: 1, 16>, scalar_prefetch = 0 : i64, scratch_operands = 13 : i64, tpu.core_type = #tpu.core_type<sc_vector_subcore>, window_params = [{transform_indices = #map}, {transform_indices = #map}, {transform_indices = #map1}, {transform_indices = #map2}, {transform_indices = #map1}]} {
    %mul3A = arith.constant 640 : i32
    %mul3A_0 = arith.muli %arg1, %mul3A : i32
    "tpu.region"() ({
      %run_scoped3A = tpu.sem_alloc : memref<!tpu.dma_semaphore, #tpu.memory_space<semaphore_mem>>
      %dma_start3A = arith.constant 0 : i32
      %dma_start3A_18 = arith.constant 0 : i32
      %dma_start3A_19 = tpu.memref_slice %arg2[%arg1, %dma_start3A, %dma_start3A_18] : memref<16x162x128xi32, #tpu.memory_space<hbm>> -> memref<1x162x128xi32, #tpu.memory_space<hbm>>
      %dma_start3A_20 = tpu.memref_squeeze %dma_start3A_19 : memref<1x162x128xi32, #tpu.memory_space<hbm>> -> memref<162x128xi32, #tpu.memory_space<hbm>>
      %dma_start3A_21 = arith.constant 0 : i32
      %dma_start3A_22 = arith.constant 0 : i32
      %dma_start3A_23 = tpu.memref_slice %arg2[%arg1, %dma_start3A_21, %dma_start3A_22] : memref<16x162x128xi32, #tpu.memory_space<hbm>> -> memref<1x162x128xi32, #tpu.memory_space<hbm>>
      %dma_start3A_24 = tpu.memref_squeeze %dma_start3A_23 : memref<1x162x128xi32, #tpu.memory_space<hbm>> -> memref<162x128xi32, #tpu.memory_space<hbm>>
      tpu.enqueue_dma source(%dma_start3A_24 : memref<162x128xi32, #tpu.memory_space<hbm>>) target(%arg7 : memref<162x128xi32, #tpu.memory_space<vmem>>) target_semaphore(%run_scoped3A : memref<!tpu.dma_semaphore, #tpu.memory_space<semaphore_mem>>)
      %dma_wait3A = arith.constant 0 : i32
      %dma_wait3A_25 = arith.constant 0 : i32
      %dma_wait3A_26 = tpu.memref_slice %arg2[%arg1, %dma_wait3A, %dma_wait3A_25] : memref<16x162x128xi32, #tpu.memory_space<hbm>> -> memref<1x162x128xi32, #tpu.memory_space<hbm>>
      %dma_wait3A_27 = tpu.memref_squeeze %dma_wait3A_26 : memref<1x162x128xi32, #tpu.memory_space<hbm>> -> memref<162x128xi32, #tpu.memory_space<hbm>>
      %dma_wait3A_28 = arith.constant 0 : i32
      %dma_wait3A_29 = arith.constant 0 : i32
      %dma_wait3A_30 = tpu.memref_slice %arg2[%arg1, %dma_wait3A_28, %dma_wait3A_29] : memref<16x162x128xi32, #tpu.memory_space<hbm>> -> memref<1x162x128xi32, #tpu.memory_space<hbm>>
      %dma_wait3A_31 = tpu.memref_squeeze %dma_wait3A_30 : memref<1x162x128xi32, #tpu.memory_space<hbm>> -> memref<162x128xi32, #tpu.memory_space<hbm>>
      tpu.wait_dma2 semaphore(%run_scoped3A : memref<!tpu.dma_semaphore, #tpu.memory_space<semaphore_mem>>) src(%dma_wait3A_31 : memref<162x128xi32, #tpu.memory_space<hbm>>) dst(%arg7 : memref<162x128xi32, #tpu.memory_space<vmem>>)
      tpu.yield
    }) : () -> ()
    "tpu.region"() ({
      %run_scoped3A = tpu.sem_alloc : memref<!tpu.dma_semaphore, #tpu.memory_space<semaphore_mem>>
      %dma_start3A = arith.constant 0 : i32
      %dma_start3A_18 = arith.constant 0 : i32
      %dma_start3A_19 = tpu.memref_slice %arg3[%arg1, %dma_start3A, %dma_start3A_18] : memref<16x160x128xi32, #tpu.memory_space<hbm>> -> memref<1x160x128xi32, #tpu.memory_space<hbm>>
      %dma_start3A_20 = tpu.memref_squeeze %dma_start3A_19 : memref<1x160x128xi32, #tpu.memory_space<hbm>> -> memref<160x128xi32, #tpu.memory_space<hbm>>
      %dma_start3A_21 = arith.constant 0 : i32
      %dma_start3A_22 = arith.constant 0 : i32
      %dma_start3A_23 = tpu.memref_slice %arg3[%arg1, %dma_start3A_21, %dma_start3A_22] : memref<16x160x128xi32, #tpu.memory_space<hbm>> -> memref<1x160x128xi32, #tpu.memory_space<hbm>>
      %dma_start3A_24 = tpu.memref_squeeze %dma_start3A_23 : memref<1x160x128xi32, #tpu.memory_space<hbm>> -> memref<160x128xi32, #tpu.memory_space<hbm>>
      tpu.enqueue_dma source(%dma_start3A_24 : memref<160x128xi32, #tpu.memory_space<hbm>>) target(%arg8 : memref<160x128xi32, #tpu.memory_space<vmem>>) target_semaphore(%run_scoped3A : memref<!tpu.dma_semaphore, #tpu.memory_space<semaphore_mem>>)
      %dma_wait3A = arith.constant 0 : i32
      %dma_wait3A_25 = arith.constant 0 : i32
      %dma_wait3A_26 = tpu.memref_slice %arg3[%arg1, %dma_wait3A, %dma_wait3A_25] : memref<16x160x128xi32, #tpu.memory_space<hbm>> -> memref<1x160x128xi32, #tpu.memory_space<hbm>>
      %dma_wait3A_27 = tpu.memref_squeeze %dma_wait3A_26 : memref<1x160x128xi32, #tpu.memory_space<hbm>> -> memref<160x128xi32, #tpu.memory_space<hbm>>
      %dma_wait3A_28 = arith.constant 0 : i32
      %dma_wait3A_29 = arith.constant 0 : i32
      %dma_wait3A_30 = tpu.memref_slice %arg3[%arg1, %dma_wait3A_28, %dma_wait3A_29] : memref<16x160x128xi32, #tpu.memory_space<hbm>> -> memref<1x160x128xi32, #tpu.memory_space<hbm>>
      %dma_wait3A_31 = tpu.memref_squeeze %dma_wait3A_30 : memref<1x160x128xi32, #tpu.memory_space<hbm>> -> memref<160x128xi32, #tpu.memory_space<hbm>>
      tpu.wait_dma2 semaphore(%run_scoped3A : memref<!tpu.dma_semaphore, #tpu.memory_space<semaphore_mem>>) src(%dma_wait3A_31 : memref<160x128xi32, #tpu.memory_space<hbm>>) dst(%arg8 : memref<160x128xi32, #tpu.memory_space<vmem>>)
      tpu.yield
    }) : () -> ()
    "tpu.region"() ({
      %run_scoped3A = tpu.sem_alloc : memref<!tpu.dma_semaphore, #tpu.memory_space<semaphore_mem>>
      %dma_start3A = arith.constant 0 : i32
      %dma_start3A_18 = tpu.memref_slice %arg4[%mul3A_0, %dma_start3A] : memref<10240x16xf32, #tpu.memory_space<hbm>> -> memref<640x16xf32, #tpu.memory_space<hbm>>
      %dma_start3A_19 = arith.constant 0 : i32
      %dma_start3A_20 = tpu.memref_slice %arg4[%mul3A_0, %dma_start3A_19] : memref<10240x16xf32, #tpu.memory_space<hbm>> -> memref<640x16xf32, #tpu.memory_space<hbm>>
      tpu.enqueue_dma source(%dma_start3A_20 : memref<640x16xf32, #tpu.memory_space<hbm>>) target(%arg10 : memref<640x16xf32, #tpu.memory_space<vmem>>) target_semaphore(%run_scoped3A : memref<!tpu.dma_semaphore, #tpu.memory_space<semaphore_mem>>)
      %dma_wait3A = arith.constant 0 : i32
      %dma_wait3A_21 = tpu.memref_slice %arg4[%mul3A_0, %dma_wait3A] : memref<10240x16xf32, #tpu.memory_space<hbm>> -> memref<640x16xf32, #tpu.memory_space<hbm>>
      %dma_wait3A_22 = arith.constant 0 : i32
      %dma_wait3A_23 = tpu.memref_slice %arg4[%mul3A_0, %dma_wait3A_22] : memref<10240x16xf32, #tpu.memory_space<hbm>> -> memref<640x16xf32, #tpu.memory_space<hbm>>
      tpu.wait_dma2 semaphore(%run_scoped3A : memref<!tpu.dma_semaphore, #tpu.memory_space<semaphore_mem>>) src(%dma_wait3A_23 : memref<640x16xf32, #tpu.memory_space<hbm>>) dst(%arg10 : memref<640x16xf32, #tpu.memory_space<vmem>>)
      tpu.yield
    }) : () -> ()
    "tpu.region"() ({
      %run_scoped3A = tpu.sem_alloc : memref<!tpu.dma_semaphore, #tpu.memory_space<semaphore_mem>>
      %dma_start3A = tpu.memref_slice %arg5[%mul3A_0] : memref<10240xf32, #tpu.memory_space<hbm>> -> memref<640xf32, #tpu.memory_space<hbm>>
      %dma_start3A_18 = tpu.memref_slice %arg5[%mul3A_0] : memref<10240xf32, #tpu.memory_space<hbm>> -> memref<640xf32, #tpu.memory_space<hbm>>
      tpu.enqueue_dma source(%dma_start3A_18 : memref<640xf32, #tpu.memory_space<hbm>>) target(%arg14 : memref<640xf32, #tpu.memory_space<vmem>>) target_semaphore(%run_scoped3A : memref<!tpu.dma_semaphore, #tpu.memory_space<semaphore_mem>>)
      %dma_wait3A = tpu.memref_slice %arg5[%mul3A_0] : memref<10240xf32, #tpu.memory_space<hbm>> -> memref<640xf32, #tpu.memory_space<hbm>>
      %dma_wait3A_19 = tpu.memref_slice %arg5[%mul3A_0] : memref<10240xf32, #tpu.memory_space<hbm>> -> memref<640xf32, #tpu.memory_space<hbm>>
      tpu.wait_dma2 semaphore(%run_scoped3A : memref<!tpu.dma_semaphore, #tpu.memory_space<semaphore_mem>>) src(%dma_wait3A_19 : memref<640xf32, #tpu.memory_space<hbm>>) dst(%arg14 : memref<640xf32, #tpu.memory_space<vmem>>)
      tpu.yield
    }) : () -> ()
    %scan3A = arith.constant 0 : i32
    %scan3A_1 = arith.constant 0 : i32
    %scan3A_2 = arith.constant 40 : i32
    %scan3A_3 = arith.addi %scan3A_1, %scan3A_2 : i32
    %scan3A_4 = arith.constant 1 : i32
    scf.for %scan3A_18 = %scan3A_1 to %scan3A_3 step %scan3A_4  : i32 {
      %mul3A_19 = arith.constant 16 : i32
      %mul3A_20 = arith.muli %scan3A_18, %mul3A_19 : i32
      %get3A = arith.index_cast %mul3A_20 : i32 to index
      %get3A_21 = tpu.vector_load %arg14[%get3A] {strides = array<i32>} : memref<640xf32, #tpu.memory_space<vmem>>, vector<16xf32>,
      %bitcast_convert_type3A = tpu.bitcast %get3A_21 : vector<16xf32> -> vector<16xi32>
      %shift_right_logical3A = arith.constant 1 : i32
      %shift_right_logical3A_22 = vector.broadcast %shift_right_logical3A : i32 to vector<16xi32>
      %shift_right_logical3A_23 = arith.shrui %bitcast_convert_type3A, %shift_right_logical3A_22 : vector<16xi32>
      %sub3A = arith.constant 1597463007 : i32
      %sub3A_24 = vector.broadcast %sub3A : i32 to vector<16xi32>
      %sub3A_25 = arith.subi %sub3A_24, %shift_right_logical3A_23 : vector<16xi32>
      %bitcast_convert_type3A_26 = tpu.bitcast %sub3A_25 : vector<16xi32> -> vector<16xf32>
      %mul3A_27 = arith.constant 5.000000e-01 : f32
      %mul3A_28 = vector.broadcast %mul3A_27 : f32 to vector<16xf32>
      %mul3A_29 = arith.mulf %mul3A_28, %get3A_21 : vector<16xf32>
      %mul3A_30 = arith.mulf %mul3A_29, %bitcast_convert_type3A_26 : vector<16xf32>
      %mul3A_31 = arith.mulf %mul3A_30, %bitcast_convert_type3A_26 : vector<16xf32>
      %sub3A_32 = arith.constant 1.500000e+00 : f32
      %sub3A_33 = vector.broadcast %sub3A_32 : f32 to vector<16xf32>
      %sub3A_34 = arith.subf %sub3A_33, %mul3A_31 : vector<16xf32>
      %mul3A_35 = arith.mulf %bitcast_convert_type3A_26, %sub3A_34 : vector<16xf32>
      %mul3A_36 = arith.constant 5.000000e-01 : f32
      %mul3A_37 = vector.broadcast %mul3A_36 : f32 to vector<16xf32>
      %mul3A_38 = arith.mulf %mul3A_37, %get3A_21 : vector<16xf32>
      %mul3A_39 = arith.mulf %mul3A_38, %mul3A_35 : vector<16xf32>
      %mul3A_40 = arith.mulf %mul3A_39, %mul3A_35 : vector<16xf32>
      %sub3A_41 = arith.constant 1.500000e+00 : f32
      %sub3A_42 = vector.broadcast %sub3A_41 : f32 to vector<16xf32>
      %sub3A_43 = arith.subf %sub3A_42, %mul3A_40 : vector<16xf32>
      %mul3A_44 = arith.mulf %mul3A_35, %sub3A_43 : vector<16xf32>
      %mul3A_45 = arith.constant 5.000000e-01 : f32
      %mul3A_46 = vector.broadcast %mul3A_45 : f32 to vector<16xf32>
      %mul3A_47 = arith.mulf %mul3A_46, %get3A_21 : vector<16xf32>
      %mul3A_48 = arith.mulf %mul3A_47, %mul3A_44 : vector<16xf32>
      %mul3A_49 = arith.mulf %mul3A_48, %mul3A_44 : vector<16xf32>
      %sub3A_50 = arith.constant 1.500000e+00 : f32
      %sub3A_51 = vector.broadcast %sub3A_50 : f32 to vector<16xf32>
      %sub3A_52 = arith.subf %sub3A_51, %mul3A_49 : vector<16xf32>
      %mul3A_53 = arith.mulf %mul3A_44, %sub3A_52 : vector<16xf32>
      %mul3A_54 = arith.constant 16 : i32
      %mul3A_55 = arith.muli %scan3A_18, %mul3A_54 : i32
      %swap3A = arith.index_cast %mul3A_55 : i32 to index
      %swap3A_56 = tpu.vector_load %arg15[%swap3A] {strides = array<i32>} : memref<640xf32, #tpu.memory_space<vmem>>, vector<16xf32>,
      tpu.vector_store %arg15[%swap3A], %mul3A_53 {strides = array<i32>} : memref<640xf32, #tpu.memory_space<vmem>>, vector<16xf32>,
      %div3A = arith.constant 0.899999976 : f32
      %div3A_57 = vector.broadcast %div3A : f32 to vector<16xf32>
      %div3A_58 = arith.divf %div3A_57, %get3A_21 : vector<16xf32>
      %mul3A_59 = arith.constant 16 : i32
      %mul3A_60 = arith.muli %scan3A_18, %mul3A_59 : i32
      %swap3A_61 = arith.index_cast %mul3A_60 : i32 to index
      %swap3A_62 = tpu.vector_load %arg16[%swap3A_61] {strides = array<i32>} : memref<640xf32, #tpu.memory_space<vmem>>, vector<16xf32>,
      tpu.vector_store %arg16[%swap3A_61], %div3A_58 {strides = array<i32>} : memref<640xf32, #tpu.memory_space<vmem>>, vector<16xf32>,
    }
    %scan3A_5 = arith.constant 40 : i32
    %scan3A_6 = arith.constant 0 : i32
    %scan3A_7 = arith.constant 0 : i32
    %scan3A_8 = arith.constant 80 : i32
    %scan3A_9 = arith.addi %scan3A_7, %scan3A_8 : i32
    %scan3A_10 = arith.constant 1 : i32
    scf.for %scan3A_18 = %scan3A_7 to %scan3A_9 step %scan3A_10  : i32 {
      %mul3A_19 = arith.constant 8 : i32
      %mul3A_20 = arith.muli %scan3A_18, %mul3A_19 : i32
      %add3A = arith.constant 0 : i32
      %add3A_21 = arith.addi %mul3A_20, %add3A : i32
      %broadcast_in_dim3A = vector.broadcast %add3A_21 : i32 to vector<16xi32>
      %gather3A = tpu.vector_load_idx %arg15[%broadcast_in_dim3A] : memref<640xf32, #tpu.memory_space<vmem>>[vector<16xi32>], vector<16xf32>,
      %gather3A_22 = tpu.vector_load_idx %arg16[%broadcast_in_dim3A] : memref<640xf32, #tpu.memory_space<vmem>>[vector<16xi32>], vector<16xf32>,
      %get3A = arith.index_cast %add3A_21 : i32 to index
      %get3A_23 = arith.constant 0 : index
      %get3A_24 = tpu.vector_load %arg10[%get3A, %get3A_23] {strides = array<i32>} : memref<640x16xf32, #tpu.memory_space<vmem>>, vector<16xf32>,
      %mul3A_25 = arith.mulf %get3A_24, %gather3A : vector<16xf32>
      %swap3A = arith.index_cast %add3A_21 : i32 to index
      %swap3A_26 = arith.constant 0 : index
      %swap3A_27 = tpu.vector_load %arg10[%swap3A, %swap3A_26] {strides = array<i32>} : memref<640x16xf32, #tpu.memory_space<vmem>>, vector<16xf32>,
      tpu.vector_store %arg10[%swap3A, %swap3A_26], %mul3A_25 {strides = array<i32>} : memref<640x16xf32, #tpu.memory_space<vmem>>, vector<16xf32>,
      %swap3A_28 = arith.index_cast %add3A_21 : i32 to index
      %swap3A_29 = arith.constant 0 : index
      %swap3A_30 = tpu.vector_load %arg11[%swap3A_28, %swap3A_29] {strides = array<i32>} : memref<640x16xf32, #tpu.memory_space<vmem>>, vector<16xf32>,
      tpu.vector_store %arg11[%swap3A_28, %swap3A_29], %gather3A_22 {strides = array<i32>} : memref<640x16xf32, #tpu.memory_space<vmem>>, vector<16xf32>,
      %swap3A_31 = arith.index_cast %add3A_21 : i32 to index
      %swap3A_32 = arith.constant 0 : index
      %swap3A_33 = tpu.vector_load %arg9[%swap3A_31, %swap3A_32] {strides = array<i32>} : memref<640x16xf32, #tpu.memory_space<vmem>>, vector<16xf32>,
      tpu.vector_store %arg9[%swap3A_31, %swap3A_32], %mul3A_25 {strides = array<i32>} : memref<640x16xf32, #tpu.memory_space<vmem>>, vector<16xf32>,
      %mul3A_34 = arith.constant 8 : i32
      %mul3A_35 = arith.muli %scan3A_18, %mul3A_34 : i32
      %add3A_36 = arith.constant 1 : i32
      %add3A_37 = arith.addi %mul3A_35, %add3A_36 : i32
      %broadcast_in_dim3A_38 = vector.broadcast %add3A_37 : i32 to vector<16xi32>
      %gather3A_39 = tpu.vector_load_idx %arg15[%broadcast_in_dim3A_38] : memref<640xf32, #tpu.memory_space<vmem>>[vector<16xi32>], vector<16xf32>,
      %gather3A_40 = tpu.vector_load_idx %arg16[%broadcast_in_dim3A_38] : memref<640xf32, #tpu.memory_space<vmem>>[vector<16xi32>], vector<16xf32>,
      %get3A_41 = arith.index_cast %add3A_37 : i32 to index
      %get3A_42 = arith.constant 0 : index
      %get3A_43 = tpu.vector_load %arg10[%get3A_41, %get3A_42] {strides = array<i32>} : memref<640x16xf32, #tpu.memory_space<vmem>>, vector<16xf32>,
      %mul3A_44 = arith.mulf %get3A_43, %gather3A_39 : vector<16xf32>
      %swap3A_45 = arith.index_cast %add3A_37 : i32 to index
      %swap3A_46 = arith.constant 0 : index
      %swap3A_47 = tpu.vector_load %arg10[%swap3A_45, %swap3A_46] {strides = array<i32>} : memref<640x16xf32, #tpu.memory_space<vmem>>, vector<16xf32>,
      tpu.vector_store %arg10[%swap3A_45, %swap3A_46], %mul3A_44 {strides = array<i32>} : memref<640x16xf32, #tpu.memory_space<vmem>>, vector<16xf32>,
      %swap3A_48 = arith.index_cast %add3A_37 : i32 to index
      %swap3A_49 = arith.constant 0 : index
      %swap3A_50 = tpu.vector_load %arg11[%swap3A_48, %swap3A_49] {strides = array<i32>} : memref<640x16xf32, #tpu.memory_space<vmem>>, vector<16xf32>,
      tpu.vector_store %arg11[%swap3A_48, %swap3A_49], %gather3A_40 {strides = array<i32>} : memref<640x16xf32, #tpu.memory_space<vmem>>, vector<16xf32>,
      %swap3A_51 = arith.index_cast %add3A_37 : i32 to index
      %swap3A_52 = arith.constant 0 : index
      %swap3A_53 = tpu.vector_load %arg9[%swap3A_51, %swap3A_52] {strides = array<i32>} : memref<640x16xf32, #tpu.memory_space<vmem>>, vector<16xf32>,
      tpu.vector_store %arg9[%swap3A_51, %swap3A_52], %mul3A_44 {strides = array<i32>} : memref<640x16xf32, #tpu.memory_space<vmem>>, vector<16xf32>,
      %mul3A_54 = arith.constant 8 : i32
      %mul3A_55 = arith.muli %scan3A_18, %mul3A_54 : i32
      %add3A_56 = arith.constant 2 : i32
      %add3A_57 = arith.addi %mul3A_55, %add3A_56 : i32
      %broadcast_in_dim3A_58 = vector.broadcast %add3A_57 : i32 to vector<16xi32>
      %gather3A_59 = tpu.vector_load_idx %arg15[%broadcast_in_dim3A_58] : memref<640xf32, #tpu.memory_space<vmem>>[vector<16xi32>], vector<16xf32>,
      %gather3A_60 = tpu.vector_load_idx %arg16[%broadcast_in_dim3A_58] : memref<640xf32, #tpu.memory_space<vmem>>[vector<16xi32>], vector<16xf32>,
      %get3A_61 = arith.index_cast %add3A_57 : i32 to index
      %get3A_62 = arith.constant 0 : index
      %get3A_63 = tpu.vector_load %arg10[%get3A_61, %get3A_62] {strides = array<i32>} : memref<640x16xf32, #tpu.memory_space<vmem>>, vector<16xf32>,
      %mul3A_64 = arith.mulf %get3A_63, %gather3A_59 : vector<16xf32>
      %swap3A_65 = arith.index_cast %add3A_57 : i32 to index
      %swap3A_66 = arith.constant 0 : index
      %swap3A_67 = tpu.vector_load %arg10[%swap3A_65, %swap3A_66] {strides = array<i32>} : memref<640x16xf32, #tpu.memory_space<vmem>>, vector<16xf32>,
      tpu.vector_store %arg10[%swap3A_65, %swap3A_66], %mul3A_64 {strides = array<i32>} : memref<640x16xf32, #tpu.memory_space<vmem>>, vector<16xf32>,
      %swap3A_68 = arith.index_cast %add3A_57 : i32 to index
      %swap3A_69 = arith.constant 0 : index
      %swap3A_70 = tpu.vector_load %arg11[%swap3A_68, %swap3A_69] {strides = array<i32>} : memref<640x16xf32, #tpu.memory_space<vmem>>, vector<16xf32>,
      tpu.vector_store %arg11[%swap3A_68, %swap3A_69], %gather3A_60 {strides = array<i32>} : memref<640x16xf32, #tpu.memory_space<vmem>>, vector<16xf32>,
      %swap3A_71 = arith.index_cast %add3A_57 : i32 to index
      %swap3A_72 = arith.constant 0 : index
      %swap3A_73 = tpu.vector_load %arg9[%swap3A_71, %swap3A_72] {strides = array<i32>} : memref<640x16xf32, #tpu.memory_space<vmem>>, vector<16xf32>,
      tpu.vector_store %arg9[%swap3A_71, %swap3A_72], %mul3A_64 {strides = array<i32>} : memref<640x16xf32, #tpu.memory_space<vmem>>, vector<16xf32>,
      %mul3A_74 = arith.constant 8 : i32
      %mul3A_75 = arith.muli %scan3A_18, %mul3A_74 : i32
      %add3A_76 = arith.constant 3 : i32
      %add3A_77 = arith.addi %mul3A_75, %add3A_76 : i32
      %broadcast_in_dim3A_78 = vector.broadcast %add3A_77 : i32 to vector<16xi32>
      %gather3A_79 = tpu.vector_load_idx %arg15[%broadcast_in_dim3A_78] : memref<640xf32, #tpu.memory_space<vmem>>[vector<16xi32>], vector<16xf32>,
      %gather3A_80 = tpu.vector_load_idx %arg16[%broadcast_in_dim3A_78] : memref<640xf32, #tpu.memory_space<vmem>>[vector<16xi32>], vector<16xf32>,
      %get3A_81 = arith.index_cast %add3A_77 : i32 to index
      %get3A_82 = arith.constant 0 : index
      %get3A_83 = tpu.vector_load %arg10[%get3A_81, %get3A_82] {strides = array<i32>} : memref<640x16xf32, #tpu.memory_space<vmem>>, vector<16xf32>,
      %mul3A_84 = arith.mulf %get3A_83, %gather3A_79 : vector<16xf32>
      %swap3A_85 = arith.index_cast %add3A_77 : i32 to index
      %swap3A_86 = arith.constant 0 : index
      %swap3A_87 = tpu.vector_load %arg10[%swap3A_85, %swap3A_86] {strides = array<i32>} : memref<640x16xf32, #tpu.memory_space<vmem>>, vector<16xf32>,
      tpu.vector_store %arg10[%swap3A_85, %swap3A_86], %mul3A_84 {strides = array<i32>} : memref<640x16xf32, #tpu.memory_space<vmem>>, vector<16xf32>,
      %swap3A_88 = arith.index_cast %add3A_77 : i32 to index
      %swap3A_89 = arith.constant 0 : index
      %swap3A_90 = tpu.vector_load %arg11[%swap3A_88, %swap3A_89] {strides = array<i32>} : memref<640x16xf32, #tpu.memory_space<vmem>>, vector<16xf32>,
      tpu.vector_store %arg11[%swap3A_88, %swap3A_89], %gather3A_80 {strides = array<i32>} : memref<640x16xf32, #tpu.memory_space<vmem>>, vector<16xf32>,
      %swap3A_91 = arith.index_cast %add3A_77 : i32 to index
      %swap3A_92 = arith.constant 0 : index
      %swap3A_93 = tpu.vector_load %arg9[%swap3A_91, %swap3A_92] {strides = array<i32>} : memref<640x16xf32, #tpu.memory_space<vmem>>, vector<16xf32>,
      tpu.vector_store %arg9[%swap3A_91, %swap3A_92], %mul3A_84 {strides = array<i32>} : memref<640x16xf32, #tpu.memory_space<vmem>>, vector<16xf32>,
      %mul3A_94 = arith.constant 8 : i32
      %mul3A_95 = arith.muli %scan3A_18, %mul3A_94 : i32
      %add3A_96 = arith.constant 4 : i32
      %add3A_97 = arith.addi %mul3A_95, %add3A_96 : i32
      %broadcast_in_dim3A_98 = vector.broadcast %add3A_97 : i32 to vector<16xi32>
      %gather3A_99 = tpu.vector_load_idx %arg15[%broadcast_in_dim3A_98] : memref<640xf32, #tpu.memory_space<vmem>>[vector<16xi32>], vector<16xf32>,
      %gather3A_100 = tpu.vector_load_idx %arg16[%broadcast_in_dim3A_98] : memref<640xf32, #tpu.memory_space<vmem>>[vector<16xi32>], vector<16xf32>,
      %get3A_101 = arith.index_cast %add3A_97 : i32 to index
      %get3A_102 = arith.constant 0 : index
      %get3A_103 = tpu.vector_load %arg10[%get3A_101, %get3A_102] {strides = array<i32>} : memref<640x16xf32, #tpu.memory_space<vmem>>, vector<16xf32>,
      %mul3A_104 = arith.mulf %get3A_103, %gather3A_99 : vector<16xf32>
      %swap3A_105 = arith.index_cast %add3A_97 : i32 to index
      %swap3A_106 = arith.constant 0 : index
      %swap3A_107 = tpu.vector_load %arg10[%swap3A_105, %swap3A_106] {strides = array<i32>} : memref<640x16xf32, #tpu.memory_space<vmem>>, vector<16xf32>,
      tpu.vector_store %arg10[%swap3A_105, %swap3A_106], %mul3A_104 {strides = array<i32>} : memref<640x16xf32, #tpu.memory_space<vmem>>, vector<16xf32>,
      %swap3A_108 = arith.index_cast %add3A_97 : i32 to index
      %swap3A_109 = arith.constant 0 : index
      %swap3A_110 = tpu.vector_load %arg11[%swap3A_108, %swap3A_109] {strides = array<i32>} : memref<640x16xf32, #tpu.memory_space<vmem>>, vector<16xf32>,
      tpu.vector_store %arg11[%swap3A_108, %swap3A_109], %gather3A_100 {strides = array<i32>} : memref<640x16xf32, #tpu.memory_space<vmem>>, vector<16xf32>,
      %swap3A_111 = arith.index_cast %add3A_97 : i32 to index
      %swap3A_112 = arith.constant 0 : index
      %swap3A_113 = tpu.vector_load %arg9[%swap3A_111, %swap3A_112] {strides = array<i32>} : memref<640x16xf32, #tpu.memory_space<vmem>>, vector<16xf32>,
      tpu.vector_store %arg9[%swap3A_111, %swap3A_112], %mul3A_104 {strides = array<i32>} : memref<640x16xf32, #tpu.memory_space<vmem>>, vector<16xf32>,
      %mul3A_114 = arith.constant 8 : i32
      %mul3A_115 = arith.muli %scan3A_18, %mul3A_114 : i32
      %add3A_116 = arith.constant 5 : i32
      %add3A_117 = arith.addi %mul3A_115, %add3A_116 : i32
      %broadcast_in_dim3A_118 = vector.broadcast %add3A_117 : i32 to vector<16xi32>
      %gather3A_119 = tpu.vector_load_idx %arg15[%broadcast_in_dim3A_118] : memref<640xf32, #tpu.memory_space<vmem>>[vector<16xi32>], vector<16xf32>,
      %gather3A_120 = tpu.vector_load_idx %arg16[%broadcast_in_dim3A_118] : memref<640xf32, #tpu.memory_space<vmem>>[vector<16xi32>], vector<16xf32>,
      %get3A_121 = arith.index_cast %add3A_117 : i32 to index
      %get3A_122 = arith.constant 0 : index
      %get3A_123 = tpu.vector_load %arg10[%get3A_121, %get3A_122] {strides = array<i32>} : memref<640x16xf32, #tpu.memory_space<vmem>>, vector<16xf32>,
      %mul3A_124 = arith.mulf %get3A_123, %gather3A_119 : vector<16xf32>
      %swap3A_125 = arith.index_cast %add3A_117 : i32 to index
      %swap3A_126 = arith.constant 0 : index
      %swap3A_127 = tpu.vector_load %arg10[%swap3A_125, %swap3A_126] {strides = array<i32>} : memref<640x16xf32, #tpu.memory_space<vmem>>, vector<16xf32>,
      tpu.vector_store %arg10[%swap3A_125, %swap3A_126], %mul3A_124 {strides = array<i32>} : memref<640x16xf32, #tpu.memory_space<vmem>>, vector<16xf32>,
      %swap3A_128 = arith.index_cast %add3A_117 : i32 to index
      %swap3A_129 = arith.constant 0 : index
      %swap3A_130 = tpu.vector_load %arg11[%swap3A_128, %swap3A_129] {strides = array<i32>} : memref<640x16xf32, #tpu.memory_space<vmem>>, vector<16xf32>,
      tpu.vector_store %arg11[%swap3A_128, %swap3A_129], %gather3A_120 {strides = array<i32>} : memref<640x16xf32, #tpu.memory_space<vmem>>, vector<16xf32>,
      %swap3A_131 = arith.index_cast %add3A_117 : i32 to index
      %swap3A_132 = arith.constant 0 : index
      %swap3A_133 = tpu.vector_load %arg9[%swap3A_131, %swap3A_132] {strides = array<i32>} : memref<640x16xf32, #tpu.memory_space<vmem>>, vector<16xf32>,
      tpu.vector_store %arg9[%swap3A_131, %swap3A_132], %mul3A_124 {strides = array<i32>} : memref<640x16xf32, #tpu.memory_space<vmem>>, vector<16xf32>,
      %mul3A_134 = arith.constant 8 : i32
      %mul3A_135 = arith.muli %scan3A_18, %mul3A_134 : i32
      %add3A_136 = arith.constant 6 : i32
      %add3A_137 = arith.addi %mul3A_135, %add3A_136 : i32
      %broadcast_in_dim3A_138 = vector.broadcast %add3A_137 : i32 to vector<16xi32>
      %gather3A_139 = tpu.vector_load_idx %arg15[%broadcast_in_dim3A_138] : memref<640xf32, #tpu.memory_space<vmem>>[vector<16xi32>], vector<16xf32>,
      %gather3A_140 = tpu.vector_load_idx %arg16[%broadcast_in_dim3A_138] : memref<640xf32, #tpu.memory_space<vmem>>[vector<16xi32>], vector<16xf32>,
      %get3A_141 = arith.index_cast %add3A_137 : i32 to index
      %get3A_142 = arith.constant 0 : index
      %get3A_143 = tpu.vector_load %arg10[%get3A_141, %get3A_142] {strides = array<i32>} : memref<640x16xf32, #tpu.memory_space<vmem>>, vector<16xf32>,
      %mul3A_144 = arith.mulf %get3A_143, %gather3A_139 : vector<16xf32>
      %swap3A_145 = arith.index_cast %add3A_137 : i32 to index
      %swap3A_146 = arith.constant 0 : index
      %swap3A_147 = tpu.vector_load %arg10[%swap3A_145, %swap3A_146] {strides = array<i32>} : memref<640x16xf32, #tpu.memory_space<vmem>>, vector<16xf32>,
      tpu.vector_store %arg10[%swap3A_145, %swap3A_146], %mul3A_144 {strides = array<i32>} : memref<640x16xf32, #tpu.memory_space<vmem>>, vector<16xf32>,
      %swap3A_148 = arith.index_cast %add3A_137 : i32 to index
      %swap3A_149 = arith.constant 0 : index
      %swap3A_150 = tpu.vector_load %arg11[%swap3A_148, %swap3A_149] {strides = array<i32>} : memref<640x16xf32, #tpu.memory_space<vmem>>, vector<16xf32>,
      tpu.vector_store %arg11[%swap3A_148, %swap3A_149], %gather3A_140 {strides = array<i32>} : memref<640x16xf32, #tpu.memory_space<vmem>>, vector<16xf32>,
      %swap3A_151 = arith.index_cast %add3A_137 : i32 to index
      %swap3A_152 = arith.constant 0 : index
      %swap3A_153 = tpu.vector_load %arg9[%swap3A_151, %swap3A_152] {strides = array<i32>} : memref<640x16xf32, #tpu.memory_space<vmem>>, vector<16xf32>,
      tpu.vector_store %arg9[%swap3A_151, %swap3A_152], %mul3A_144 {strides = array<i32>} : memref<640x16xf32, #tpu.memory_space<vmem>>, vector<16xf32>,
      %mul3A_154 = arith.constant 8 : i32
      %mul3A_155 = arith.muli %scan3A_18, %mul3A_154 : i32
      %add3A_156 = arith.constant 7 : i32
      %add3A_157 = arith.addi %mul3A_155, %add3A_156 : i32
      %broadcast_in_dim3A_158 = vector.broadcast %add3A_157 : i32 to vector<16xi32>
      %gather3A_159 = tpu.vector_load_idx %arg15[%broadcast_in_dim3A_158] : memref<640xf32, #tpu.memory_space<vmem>>[vector<16xi32>], vector<16xf32>,
      %gather3A_160 = tpu.vector_load_idx %arg16[%broadcast_in_dim3A_158] : memref<640xf32, #tpu.memory_space<vmem>>[vector<16xi32>], vector<16xf32>,
      %get3A_161 = arith.index_cast %add3A_157 : i32 to index
      %get3A_162 = arith.constant 0 : index
      %get3A_163 = tpu.vector_load %arg10[%get3A_161, %get3A_162] {strides = array<i32>} : memref<640x16xf32, #tpu.memory_space<vmem>>, vector<16xf32>,
      %mul3A_164 = arith.mulf %get3A_163, %gather3A_159 : vector<16xf32>
      %swap3A_165 = arith.index_cast %add3A_157 : i32 to index
      %swap3A_166 = arith.constant 0 : index
      %swap3A_167 = tpu.vector_load %arg10[%swap3A_165, %swap3A_166] {strides = array<i32>} : memref<640x16xf32, #tpu.memory_space<vmem>>, vector<16xf32>,
      tpu.vector_store %arg10[%swap3A_165, %swap3A_166], %mul3A_164 {strides = array<i32>} : memref<640x16xf32, #tpu.memory_space<vmem>>, vector<16xf32>,
      %swap3A_168 = arith.index_cast %add3A_157 : i32 to index
      %swap3A_169 = arith.constant 0 : index
      %swap3A_170 = tpu.vector_load %arg11[%swap3A_168, %swap3A_169] {strides = array<i32>} : memref<640x16xf32, #tpu.memory_space<vmem>>, vector<16xf32>,
      tpu.vector_store %arg11[%swap3A_168, %swap3A_169], %gather3A_160 {strides = array<i32>} : memref<640x16xf32, #tpu.memory_space<vmem>>, vector<16xf32>,
      %swap3A_171 = arith.index_cast %add3A_157 : i32 to index
      %swap3A_172 = arith.constant 0 : index
      %swap3A_173 = tpu.vector_load %arg9[%swap3A_171, %swap3A_172] {strides = array<i32>} : memref<640x16xf32, #tpu.memory_space<vmem>>, vector<16xf32>,
      tpu.vector_store %arg9[%swap3A_171, %swap3A_172], %mul3A_164 {strides = array<i32>} : memref<640x16xf32, #tpu.memory_space<vmem>>, vector<16xf32>,
    }
    %scan3A_11 = arith.constant 80 : i32
    "tpu.region"() ({
      %run_scoped3A = tpu.sem_alloc : memref<!tpu.dma_semaphore, #tpu.memory_space<semaphore_mem>>
      %dma_start3A = arith.constant 0 : i32
      %dma_start3A_18 = tpu.memref_slice %arg18[%mul3A_0, %dma_start3A] : memref<10240x16xf32, #tpu.memory_space<vmem_shared>> -> memref<640x16xf32, #tpu.memory_space<vmem_shared>>
      %dma_start3A_19 = arith.constant 0 : i32
      %dma_start3A_20 = tpu.memref_slice %arg18[%mul3A_0, %dma_start3A_19] : memref<10240x16xf32, #tpu.memory_space<vmem_shared>> -> memref<640x16xf32, #tpu.memory_space<vmem_shared>>
      tpu.enqueue_dma source(%arg9 : memref<640x16xf32, #tpu.memory_space<vmem>>) target(%dma_start3A_20 : memref<640x16xf32, #tpu.memory_space<vmem_shared>>) target_semaphore(%run_scoped3A : memref<!tpu.dma_semaphore, #tpu.memory_space<semaphore_mem>>)
      %dma_wait3A = arith.constant 0 : i32
      %dma_wait3A_21 = tpu.memref_slice %arg18[%mul3A_0, %dma_wait3A] : memref<10240x16xf32, #tpu.memory_space<vmem_shared>> -> memref<640x16xf32, #tpu.memory_space<vmem_shared>>
      %dma_wait3A_22 = arith.constant 0 : i32
      %dma_wait3A_23 = tpu.memref_slice %arg18[%mul3A_0, %dma_wait3A_22] : memref<10240x16xf32, #tpu.memory_space<vmem_shared>> -> memref<640x16xf32, #tpu.memory_space<vmem_shared>>
      tpu.wait_dma2 semaphore(%run_scoped3A : memref<!tpu.dma_semaphore, #tpu.memory_space<semaphore_mem>>) src(%arg9 : memref<640x16xf32, #tpu.memory_space<vmem>>) dst(%dma_wait3A_23 : memref<640x16xf32, #tpu.memory_space<vmem_shared>>)
      tpu.yield
    }) : () -> ()
    "tpu.region"() ({
      %run_scoped3A = tpu.sem_alloc : memref<!tpu.dma_semaphore, #tpu.memory_space<semaphore_mem>>
      %dma_start3A = arith.constant 0 : i32
      %dma_start3A_18 = tpu.memref_slice %arg17[%mul3A_0, %dma_start3A] : memref<10240x16xf32, #tpu.memory_space<vmem_shared>> -> memref<640x16xf32, #tpu.memory_space<vmem_shared>>
      %dma_start3A_19 = arith.constant 0 : i32
      %dma_start3A_20 = tpu.memref_slice %arg17[%mul3A_0, %dma_start3A_19] : memref<10240x16xf32, #tpu.memory_space<vmem_shared>> -> memref<640x16xf32, #tpu.memory_space<vmem_shared>>
      tpu.enqueue_dma source(%arg9 : memref<640x16xf32, #tpu.memory_space<vmem>>) target(%dma_start3A_20 : memref<640x16xf32, #tpu.memory_space<vmem_shared>>) target_semaphore(%run_scoped3A : memref<!tpu.dma_semaphore, #tpu.memory_space<semaphore_mem>>)
      %dma_wait3A = arith.constant 0 : i32
      %dma_wait3A_21 = tpu.memref_slice %arg17[%mul3A_0, %dma_wait3A] : memref<10240x16xf32, #tpu.memory_space<vmem_shared>> -> memref<640x16xf32, #tpu.memory_space<vmem_shared>>
      %dma_wait3A_22 = arith.constant 0 : i32
      %dma_wait3A_23 = tpu.memref_slice %arg17[%mul3A_0, %dma_wait3A_22] : memref<10240x16xf32, #tpu.memory_space<vmem_shared>> -> memref<640x16xf32, #tpu.memory_space<vmem_shared>>
      tpu.wait_dma2 semaphore(%run_scoped3A : memref<!tpu.dma_semaphore, #tpu.memory_space<semaphore_mem>>) src(%arg9 : memref<640x16xf32, #tpu.memory_space<vmem>>) dst(%dma_wait3A_23 : memref<640x16xf32, #tpu.memory_space<vmem_shared>>)
      tpu.yield
    }) : () -> ()
    %barrier3A = arith.constant 0 : index
    tpu.barrier barrier_id(%barrier3A)
    %scan3A_12 = arith.constant 0 : i32
    %scan3A_13 = arith.constant 0 : i32
    %scan3A_14 = arith.constant 10 : i32
    %scan3A_15 = arith.addi %scan3A_13, %scan3A_14 : i32
    %scan3A_16 = arith.constant 1 : i32
    scf.for %scan3A_18 = %scan3A_13 to %scan3A_15 step %scan3A_16  : i32 {
      %dma_start3A = arith.constant 0 : i32
      %dma_start3A_19 = arith.constant 0 : i32
      %dma_start3A_20 = arith.constant 0 : i32
      %dma_start3A_21 = tpu.memref_slice %arg13[%dma_start3A_19, %dma_start3A_20] : memref<512x16xf32, #tpu.memory_space<vmem>> -> memref<128x16xf32, #tpu.memory_space<vmem>>
      %dma_start3A_22 = arith.constant 0 : i32
      %dma_start3A_23 = tpu.memref_slice %arg7[%dma_start3A, %dma_start3A_22] : memref<162x128xi32, #tpu.memory_space<vmem>> -> memref<1x128xi32, #tpu.memory_space<vmem>>
      %dma_start3A_24 = tpu.memref_squeeze %dma_start3A_23 : memref<1x128xi32, #tpu.memory_space<vmem>> -> memref<128xi32, #tpu.memory_space<vmem>>
      %dma_start3A_25 = arith.constant 0 : i32
      %dma_start3A_26 = arith.constant 0 : i32
      %dma_start3A_27 = tpu.memref_slice %arg18[%dma_start3A_25, %dma_start3A_26] : memref<10240x16xf32, #tpu.memory_space<vmem_shared>> -> memref<10240x16xf32, #tpu.memory_space<vmem_shared>>
      tpu.enqueue_indirect_dma source(%dma_start3A_27 : memref<10240x16xf32, #tpu.memory_space<vmem_shared>>) target(%dma_start3A_21 : memref<128x16xf32, #tpu.memory_space<vmem>>) offsets(%dma_start3A_24 : memref<128xi32, #tpu.memory_space<vmem>>) semaphore(%arg19 : memref<!tpu.dma_semaphore, #tpu.memory_space<semaphore_mem>>)
      %dma_start3A_28 = arith.constant 1 : i32
      %dma_start3A_29 = arith.constant 128 : i32
      %dma_start3A_30 = arith.constant 0 : i32
      %dma_start3A_31 = tpu.memref_slice %arg13[%dma_start3A_29, %dma_start3A_30] : memref<512x16xf32, #tpu.memory_space<vmem>> -> memref<128x16xf32, #tpu.memory_space<vmem>>
      %dma_start3A_32 = arith.constant 0 : i32
      %dma_start3A_33 = tpu.memref_slice %arg7[%dma_start3A_28, %dma_start3A_32] : memref<162x128xi32, #tpu.memory_space<vmem>> -> memref<1x128xi32, #tpu.memory_space<vmem>>
      %dma_start3A_34 = tpu.memref_squeeze %dma_start3A_33 : memref<1x128xi32, #tpu.memory_space<vmem>> -> memref<128xi32, #tpu.memory_space<vmem>>
      %dma_start3A_35 = arith.constant 0 : i32
      %dma_start3A_36 = arith.constant 0 : i32
      %dma_start3A_37 = tpu.memref_slice %arg18[%dma_start3A_35, %dma_start3A_36] : memref<10240x16xf32, #tpu.memory_space<vmem_shared>> -> memref<10240x16xf32, #tpu.memory_space<vmem_shared>>
      tpu.enqueue_indirect_dma source(%dma_start3A_37 : memref<10240x16xf32, #tpu.memory_space<vmem_shared>>) target(%dma_start3A_31 : memref<128x16xf32, #tpu.memory_space<vmem>>) offsets(%dma_start3A_34 : memref<128xi32, #tpu.memory_space<vmem>>) semaphore(%arg19 : memref<!tpu.dma_semaphore, #tpu.memory_space<semaphore_mem>>)
      %scan3A_38 = arith.constant 0 : i32
      %scan3A_39 = arith.constant 0 : i32
      %scan3A_40 = arith.constant 40 : i32
      %scan3A_41 = arith.addi %scan3A_39, %scan3A_40 : i32
      %scan3A_42 = arith.constant 1 : i32
      scf.for %scan3A_75 = %scan3A_39 to %scan3A_41 step %scan3A_42  : i32 {
        %mul3A_76 = arith.constant 2 : i32
        %mul3A_77 = arith.muli %scan3A_75, %mul3A_76 : i32
        %mul3A_78 = arith.constant 2 : i32
        %mul3A_79 = arith.muli %mul3A_77, %mul3A_78 : i32
        %add3A = arith.constant 2 : i32
        %add3A_80 = arith.addi %mul3A_79, %add3A : i32
        %add3A_81 = arith.constant 0 : i32
        %add3A_82 = arith.addi %add3A_80, %add3A_81 : i32
        %dma_start3A_83 = arith.constant 256 : i32
        %dma_start3A_84 = arith.constant 0 : i32
        %dma_start3A_85 = tpu.memref_slice %arg13[%dma_start3A_83, %dma_start3A_84] : memref<512x16xf32, #tpu.memory_space<vmem>> -> memref<128x16xf32, #tpu.memory_space<vmem>>
        %dma_start3A_86 = arith.constant 0 : i32
        %dma_start3A_87 = tpu.memref_slice %arg7[%add3A_82, %dma_start3A_86] : memref<162x128xi32, #tpu.memory_space<vmem>> -> memref<1x128xi32, #tpu.memory_space<vmem>>
        %dma_start3A_88 = tpu.memref_squeeze %dma_start3A_87 : memref<1x128xi32, #tpu.memory_space<vmem>> -> memref<128xi32, #tpu.memory_space<vmem>>
        %dma_start3A_89 = arith.constant 0 : i32
        %dma_start3A_90 = arith.constant 0 : i32
        %dma_start3A_91 = tpu.memref_slice %arg18[%dma_start3A_89, %dma_start3A_90] : memref<10240x16xf32, #tpu.memory_space<vmem_shared>> -> memref<10240x16xf32, #tpu.memory_space<vmem_shared>>
        tpu.enqueue_indirect_dma source(%dma_start3A_91 : memref<10240x16xf32, #tpu.memory_space<vmem_shared>>) target(%dma_start3A_85 : memref<128x16xf32, #tpu.memory_space<vmem>>) offsets(%dma_start3A_88 : memref<128xi32, #tpu.memory_space<vmem>>) semaphore(%arg19 : memref<!tpu.dma_semaphore, #tpu.memory_space<semaphore_mem>>)
        %add3A_92 = arith.constant 2 : i32
        %add3A_93 = arith.addi %mul3A_79, %add3A_92 : i32
        %add3A_94 = arith.constant 1 : i32
        %add3A_95 = arith.addi %add3A_93, %add3A_94 : i32
        %dma_start3A_96 = arith.constant 384 : i32
        %dma_start3A_97 = arith.constant 0 : i32
        %dma_start3A_98 = tpu.memref_slice %arg13[%dma_start3A_96, %dma_start3A_97] : memref<512x16xf32, #tpu.memory_space<vmem>> -> memref<128x16xf32, #tpu.memory_space<vmem>>
        %dma_start3A_99 = arith.constant 0 : i32
        %dma_start3A_100 = tpu.memref_slice %arg7[%add3A_95, %dma_start3A_99] : memref<162x128xi32, #tpu.memory_space<vmem>> -> memref<1x128xi32, #tpu.memory_space<vmem>>
        %dma_start3A_101 = tpu.memref_squeeze %dma_start3A_100 : memref<1x128xi32, #tpu.memory_space<vmem>> -> memref<128xi32, #tpu.memory_space<vmem>>
        %dma_start3A_102 = arith.constant 0 : i32
        %dma_start3A_103 = arith.constant 0 : i32
        %dma_start3A_104 = tpu.memref_slice %arg18[%dma_start3A_102, %dma_start3A_103] : memref<10240x16xf32, #tpu.memory_space<vmem_shared>> -> memref<10240x16xf32, #tpu.memory_space<vmem_shared>>
        tpu.enqueue_indirect_dma source(%dma_start3A_104 : memref<10240x16xf32, #tpu.memory_space<vmem_shared>>) target(%dma_start3A_98 : memref<128x16xf32, #tpu.memory_space<vmem>>) offsets(%dma_start3A_101 : memref<128xi32, #tpu.memory_space<vmem>>) semaphore(%arg19 : memref<!tpu.dma_semaphore, #tpu.memory_space<semaphore_mem>>)
        %dma_wait3A_105 = arith.constant 0 : i32
        %dma_wait3A_106 = arith.constant 0 : i32
        %dma_wait3A_107 = tpu.memref_slice %arg13[%dma_wait3A_105, %dma_wait3A_106] : memref<512x16xf32, #tpu.memory_space<vmem>> -> memref<128x16xf32, #tpu.memory_space<vmem>>
        %dma_wait3A_108 = arith.constant 0 : i32
        %dma_wait3A_109 = arith.constant 0 : i32
        %dma_wait3A_110 = tpu.memref_slice %arg6[%dma_wait3A_108, %dma_wait3A_109] : memref<10240x16xf32, #tpu.memory_space<hbm>> -> memref<128x16xf32, #tpu.memory_space<hbm>>
        %dma_wait3A_111 = arith.constant 0 : i32
        %dma_wait3A_112 = arith.constant 0 : i32
        %dma_wait3A_113 = tpu.memref_slice %arg13[%dma_wait3A_111, %dma_wait3A_112] : memref<512x16xf32, #tpu.memory_space<vmem>> -> memref<128x16xf32, #tpu.memory_space<vmem>>
        %dma_wait3A_114 = arith.constant 0 : i32
        %dma_wait3A_115 = arith.constant 0 : i32
        %dma_wait3A_116 = tpu.memref_slice %arg6[%dma_wait3A_114, %dma_wait3A_115] : memref<10240x16xf32, #tpu.memory_space<hbm>> -> memref<128x16xf32, #tpu.memory_space<hbm>>
        tpu.wait_dma2 semaphore(%arg19 : memref<!tpu.dma_semaphore, #tpu.memory_space<semaphore_mem>>) src(%dma_wait3A_116 : memref<128x16xf32, #tpu.memory_space<hbm>>) dst(%dma_wait3A_113 : memref<128x16xf32, #tpu.memory_space<vmem>>)
        %add3A_117 = arith.constant 0 : i32
        %add3A_118 = arith.addi %mul3A_79, %add3A_117 : i32
        "tpu.region"() ({
          %run_scoped3A = tpu.sem_alloc : memref<!tpu.dma_semaphore, #tpu.memory_space<semaphore_mem>>
          %dma_start3A_191 = arith.constant 0 : i32
          %dma_start3A_192 = arith.constant 0 : i32
          %dma_start3A_193 = tpu.memref_slice %arg13[%dma_start3A_191, %dma_start3A_192] : memref<512x16xf32, #tpu.memory_space<vmem>> -> memref<128x16xf32, #tpu.memory_space<vmem>>
          %dma_start3A_194 = arith.constant 0 : i32
          %dma_start3A_195 = tpu.memref_slice %arg8[%add3A_118, %dma_start3A_194] : memref<160x128xi32, #tpu.memory_space<vmem>> -> memref<1x128xi32, #tpu.memory_space<vmem>>
          %dma_start3A_196 = tpu.memref_squeeze %dma_start3A_195 : memref<1x128xi32, #tpu.memory_space<vmem>> -> memref<128xi32, #tpu.memory_space<vmem>>
          %dma_start3A_197 = arith.constant 0 : i32
          %dma_start3A_198 = arith.constant 0 : i32
          %dma_start3A_199 = tpu.memref_slice %arg17[%dma_start3A_197, %dma_start3A_198] : memref<10240x16xf32, #tpu.memory_space<vmem_shared>> -> memref<10240x16xf32, #tpu.memory_space<vmem_shared>>
          tpu.enqueue_indirect_dma source(%dma_start3A_193 : memref<128x16xf32, #tpu.memory_space<vmem>>) target(%dma_start3A_199 : memref<10240x16xf32, #tpu.memory_space<vmem_shared>>) offsets(%dma_start3A_196 : memref<128xi32, #tpu.memory_space<vmem>>) semaphore(%run_scoped3A : memref<!tpu.dma_semaphore, #tpu.memory_space<semaphore_mem>>) {add = true}
          %dma_wait3A_200 = arith.constant 0 : i32
          %dma_wait3A_201 = arith.constant 0 : i32
          %dma_wait3A_202 = tpu.memref_slice %arg13[%dma_wait3A_200, %dma_wait3A_201] : memref<512x16xf32, #tpu.memory_space<vmem>> -> memref<128x16xf32, #tpu.memory_space<vmem>>
          %dma_wait3A_203 = arith.constant 0 : i32
          %dma_wait3A_204 = tpu.memref_slice %arg8[%add3A_118, %dma_wait3A_203] : memref<160x128xi32, #tpu.memory_space<vmem>> -> memref<1x128xi32, #tpu.memory_space<vmem>>
          %dma_wait3A_205 = tpu.memref_squeeze %dma_wait3A_204 : memref<1x128xi32, #tpu.memory_space<vmem>> -> memref<128xi32, #tpu.memory_space<vmem>>
          %dma_wait3A_206 = arith.constant 0 : i32
          %dma_wait3A_207 = arith.constant 0 : i32
          %dma_wait3A_208 = tpu.memref_slice %arg17[%dma_wait3A_206, %dma_wait3A_207] : memref<10240x16xf32, #tpu.memory_space<vmem_shared>> -> memref<10240x16xf32, #tpu.memory_space<vmem_shared>>
          tpu.wait_indirect_dma semaphore(%run_scoped3A : memref<!tpu.dma_semaphore, #tpu.memory_space<semaphore_mem>>) src(%dma_wait3A_202 : memref<128x16xf32, #tpu.memory_space<vmem>>) dst(%dma_wait3A_208 : memref<10240x16xf32, #tpu.memory_space<vmem_shared>>)
          tpu.yield
        }) : () -> ()
        %dma_wait3A_119 = arith.constant 128 : i32
        %dma_wait3A_120 = arith.constant 0 : i32
        %dma_wait3A_121 = tpu.memref_slice %arg13[%dma_wait3A_119, %dma_wait3A_120] : memref<512x16xf32, #tpu.memory_space<vmem>> -> memref<128x16xf32, #tpu.memory_space<vmem>>
        %dma_wait3A_122 = arith.constant 0 : i32
        %dma_wait3A_123 = arith.constant 0 : i32
        %dma_wait3A_124 = tpu.memref_slice %arg6[%dma_wait3A_122, %dma_wait3A_123] : memref<10240x16xf32, #tpu.memory_space<hbm>> -> memref<128x16xf32, #tpu.memory_space<hbm>>
        %dma_wait3A_125 = arith.constant 128 : i32
        %dma_wait3A_126 = arith.constant 0 : i32
        %dma_wait3A_127 = tpu.memref_slice %arg13[%dma_wait3A_125, %dma_wait3A_126] : memref<512x16xf32, #tpu.memory_space<vmem>> -> memref<128x16xf32, #tpu.memory_space<vmem>>
        %dma_wait3A_128 = arith.constant 0 : i32
        %dma_wait3A_129 = arith.constant 0 : i32
        %dma_wait3A_130 = tpu.memref_slice %arg6[%dma_wait3A_128, %dma_wait3A_129] : memref<10240x16xf32, #tpu.memory_space<hbm>> -> memref<128x16xf32, #tpu.memory_space<hbm>>
        tpu.wait_dma2 semaphore(%arg19 : memref<!tpu.dma_semaphore, #tpu.memory_space<semaphore_mem>>) src(%dma_wait3A_130 : memref<128x16xf32, #tpu.memory_space<hbm>>) dst(%dma_wait3A_127 : memref<128x16xf32, #tpu.memory_space<vmem>>)
        %add3A_131 = arith.constant 1 : i32
        %add3A_132 = arith.addi %mul3A_79, %add3A_131 : i32
        "tpu.region"() ({
          %run_scoped3A = tpu.sem_alloc : memref<!tpu.dma_semaphore, #tpu.memory_space<semaphore_mem>>
          %dma_start3A_191 = arith.constant 128 : i32
          %dma_start3A_192 = arith.constant 0 : i32
          %dma_start3A_193 = tpu.memref_slice %arg13[%dma_start3A_191, %dma_start3A_192] : memref<512x16xf32, #tpu.memory_space<vmem>> -> memref<128x16xf32, #tpu.memory_space<vmem>>
          %dma_start3A_194 = arith.constant 0 : i32
          %dma_start3A_195 = tpu.memref_slice %arg8[%add3A_132, %dma_start3A_194] : memref<160x128xi32, #tpu.memory_space<vmem>> -> memref<1x128xi32, #tpu.memory_space<vmem>>
          %dma_start3A_196 = tpu.memref_squeeze %dma_start3A_195 : memref<1x128xi32, #tpu.memory_space<vmem>> -> memref<128xi32, #tpu.memory_space<vmem>>
          %dma_start3A_197 = arith.constant 0 : i32
          %dma_start3A_198 = arith.constant 0 : i32
          %dma_start3A_199 = tpu.memref_slice %arg17[%dma_start3A_197, %dma_start3A_198] : memref<10240x16xf32, #tpu.memory_space<vmem_shared>> -> memref<10240x16xf32, #tpu.memory_space<vmem_shared>>
          tpu.enqueue_indirect_dma source(%dma_start3A_193 : memref<128x16xf32, #tpu.memory_space<vmem>>) target(%dma_start3A_199 : memref<10240x16xf32, #tpu.memory_space<vmem_shared>>) offsets(%dma_start3A_196 : memref<128xi32, #tpu.memory_space<vmem>>) semaphore(%run_scoped3A : memref<!tpu.dma_semaphore, #tpu.memory_space<semaphore_mem>>) {add = true}
          %dma_wait3A_200 = arith.constant 128 : i32
          %dma_wait3A_201 = arith.constant 0 : i32
          %dma_wait3A_202 = tpu.memref_slice %arg13[%dma_wait3A_200, %dma_wait3A_201] : memref<512x16xf32, #tpu.memory_space<vmem>> -> memref<128x16xf32, #tpu.memory_space<vmem>>
          %dma_wait3A_203 = arith.constant 0 : i32
          %dma_wait3A_204 = tpu.memref_slice %arg8[%add3A_132, %dma_wait3A_203] : memref<160x128xi32, #tpu.memory_space<vmem>> -> memref<1x128xi32, #tpu.memory_space<vmem>>
          %dma_wait3A_205 = tpu.memref_squeeze %dma_wait3A_204 : memref<1x128xi32, #tpu.memory_space<vmem>> -> memref<128xi32, #tpu.memory_space<vmem>>
          %dma_wait3A_206 = arith.constant 0 : i32
          %dma_wait3A_207 = arith.constant 0 : i32
          %dma_wait3A_208 = tpu.memref_slice %arg17[%dma_wait3A_206, %dma_wait3A_207] : memref<10240x16xf32, #tpu.memory_space<vmem_shared>> -> memref<10240x16xf32, #tpu.memory_space<vmem_shared>>
          tpu.wait_indirect_dma semaphore(%run_scoped3A : memref<!tpu.dma_semaphore, #tpu.memory_space<semaphore_mem>>) src(%dma_wait3A_202 : memref<128x16xf32, #tpu.memory_space<vmem>>) dst(%dma_wait3A_208 : memref<10240x16xf32, #tpu.memory_space<vmem_shared>>)
          tpu.yield
        }) : () -> ()
        %add3A_133 = arith.constant 4 : i32
        %add3A_134 = arith.addi %mul3A_79, %add3A_133 : i32
        %add3A_135 = arith.constant 0 : i32
        %add3A_136 = arith.addi %add3A_134, %add3A_135 : i32
        %dma_start3A_137 = arith.constant 0 : i32
        %dma_start3A_138 = arith.constant 0 : i32
        %dma_start3A_139 = tpu.memref_slice %arg13[%dma_start3A_137, %dma_start3A_138] : memref<512x16xf32, #tpu.memory_space<vmem>> -> memref<128x16xf32, #tpu.memory_space<vmem>>
        %dma_start3A_140 = arith.constant 0 : i32
        %dma_start3A_141 = tpu.memref_slice %arg7[%add3A_136, %dma_start3A_140] : memref<162x128xi32, #tpu.memory_space<vmem>> -> memref<1x128xi32, #tpu.memory_space<vmem>>
        %dma_start3A_142 = tpu.memref_squeeze %dma_start3A_141 : memref<1x128xi32, #tpu.memory_space<vmem>> -> memref<128xi32, #tpu.memory_space<vmem>>
        %dma_start3A_143 = arith.constant 0 : i32
        %dma_start3A_144 = arith.constant 0 : i32
        %dma_start3A_145 = tpu.memref_slice %arg18[%dma_start3A_143, %dma_start3A_144] : memref<10240x16xf32, #tpu.memory_space<vmem_shared>> -> memref<10240x16xf32, #tpu.memory_space<vmem_shared>>
        tpu.enqueue_indirect_dma source(%dma_start3A_145 : memref<10240x16xf32, #tpu.memory_space<vmem_shared>>) target(%dma_start3A_139 : memref<128x16xf32, #tpu.memory_space<vmem>>) offsets(%dma_start3A_142 : memref<128xi32, #tpu.memory_space<vmem>>) semaphore(%arg19 : memref<!tpu.dma_semaphore, #tpu.memory_space<semaphore_mem>>)
        %add3A_146 = arith.constant 4 : i32
        %add3A_147 = arith.addi %mul3A_79, %add3A_146 : i32
        %add3A_148 = arith.constant 1 : i32
        %add3A_149 = arith.addi %add3A_147, %add3A_148 : i32
        %dma_start3A_150 = arith.constant 128 : i32
        %dma_start3A_151 = arith.constant 0 : i32
        %dma_start3A_152 = tpu.memref_slice %arg13[%dma_start3A_150, %dma_start3A_151] : memref<512x16xf32, #tpu.memory_space<vmem>> -> memref<128x16xf32, #tpu.memory_space<vmem>>
        %dma_start3A_153 = arith.constant 0 : i32
        %dma_start3A_154 = tpu.memref_slice %arg7[%add3A_149, %dma_start3A_153] : memref<162x128xi32, #tpu.memory_space<vmem>> -> memref<1x128xi32, #tpu.memory_space<vmem>>
        %dma_start3A_155 = tpu.memref_squeeze %dma_start3A_154 : memref<1x128xi32, #tpu.memory_space<vmem>> -> memref<128xi32, #tpu.memory_space<vmem>>
        %dma_start3A_156 = arith.constant 0 : i32
        %dma_start3A_157 = arith.constant 0 : i32
        %dma_start3A_158 = tpu.memref_slice %arg18[%dma_start3A_156, %dma_start3A_157] : memref<10240x16xf32, #tpu.memory_space<vmem_shared>> -> memref<10240x16xf32, #tpu.memory_space<vmem_shared>>
        tpu.enqueue_indirect_dma source(%dma_start3A_158 : memref<10240x16xf32, #tpu.memory_space<vmem_shared>>) target(%dma_start3A_152 : memref<128x16xf32, #tpu.memory_space<vmem>>) offsets(%dma_start3A_155 : memref<128xi32, #tpu.memory_space<vmem>>) semaphore(%arg19 : memref<!tpu.dma_semaphore, #tpu.memory_space<semaphore_mem>>)
        %dma_wait3A_159 = arith.constant 256 : i32
        %dma_wait3A_160 = arith.constant 0 : i32
        %dma_wait3A_161 = tpu.memref_slice %arg13[%dma_wait3A_159, %dma_wait3A_160] : memref<512x16xf32, #tpu.memory_space<vmem>> -> memref<128x16xf32, #tpu.memory_space<vmem>>
        %dma_wait3A_162 = arith.constant 0 : i32
        %dma_wait3A_163 = arith.constant 0 : i32
        %dma_wait3A_164 = tpu.memref_slice %arg6[%dma_wait3A_162, %dma_wait3A_163] : memref<10240x16xf32, #tpu.memory_space<hbm>> -> memref<128x16xf32, #tpu.memory_space<hbm>>
        %dma_wait3A_165 = arith.constant 256 : i32
        %dma_wait3A_166 = arith.constant 0 : i32
        %dma_wait3A_167 = tpu.memref_slice %arg13[%dma_wait3A_165, %dma_wait3A_166] : memref<512x16xf32, #tpu.memory_space<vmem>> -> memref<128x16xf32, #tpu.memory_space<vmem>>
        %dma_wait3A_168 = arith.constant 0 : i32
        %dma_wait3A_169 = arith.constant 0 : i32
        %dma_wait3A_170 = tpu.memref_slice %arg6[%dma_wait3A_168, %dma_wait3A_169] : memref<10240x16xf32, #tpu.memory_space<hbm>> -> memref<128x16xf32, #tpu.memory_space<hbm>>
        tpu.wait_dma2 semaphore(%arg19 : memref<!tpu.dma_semaphore, #tpu.memory_space<semaphore_mem>>) src(%dma_wait3A_170 : memref<128x16xf32, #tpu.memory_space<hbm>>) dst(%dma_wait3A_167 : memref<128x16xf32, #tpu.memory_space<vmem>>)
        %add3A_171 = arith.constant 2 : i32
        %add3A_172 = arith.addi %mul3A_79, %add3A_171 : i32
        %add3A_173 = arith.constant 0 : i32
        %add3A_174 = arith.addi %add3A_172, %add3A_173 : i32
        "tpu.region"() ({
          %run_scoped3A = tpu.sem_alloc : memref<!tpu.dma_semaphore, #tpu.memory_space<semaphore_mem>>
          %dma_start3A_191 = arith.constant 256 : i32
          %dma_start3A_192 = arith.constant 0 : i32
          %dma_start3A_193 = tpu.memref_slice %arg13[%dma_start3A_191, %dma_start3A_192] : memref<512x16xf32, #tpu.memory_space<vmem>> -> memref<128x16xf32, #tpu.memory_space<vmem>>
          %dma_start3A_194 = arith.constant 0 : i32
          %dma_start3A_195 = tpu.memref_slice %arg8[%add3A_174, %dma_start3A_194] : memref<160x128xi32, #tpu.memory_space<vmem>> -> memref<1x128xi32, #tpu.memory_space<vmem>>
          %dma_start3A_196 = tpu.memref_squeeze %dma_start3A_195 : memref<1x128xi32, #tpu.memory_space<vmem>> -> memref<128xi32, #tpu.memory_space<vmem>>
          %dma_start3A_197 = arith.constant 0 : i32
          %dma_start3A_198 = arith.constant 0 : i32
          %dma_start3A_199 = tpu.memref_slice %arg17[%dma_start3A_197, %dma_start3A_198] : memref<10240x16xf32, #tpu.memory_space<vmem_shared>> -> memref<10240x16xf32, #tpu.memory_space<vmem_shared>>
          tpu.enqueue_indirect_dma source(%dma_start3A_193 : memref<128x16xf32, #tpu.memory_space<vmem>>) target(%dma_start3A_199 : memref<10240x16xf32, #tpu.memory_space<vmem_shared>>) offsets(%dma_start3A_196 : memref<128xi32, #tpu.memory_space<vmem>>) semaphore(%run_scoped3A : memref<!tpu.dma_semaphore, #tpu.memory_space<semaphore_mem>>) {add = true}
          %dma_wait3A_200 = arith.constant 256 : i32
          %dma_wait3A_201 = arith.constant 0 : i32
          %dma_wait3A_202 = tpu.memref_slice %arg13[%dma_wait3A_200, %dma_wait3A_201] : memref<512x16xf32, #tpu.memory_space<vmem>> -> memref<128x16xf32, #tpu.memory_space<vmem>>
          %dma_wait3A_203 = arith.constant 0 : i32
          %dma_wait3A_204 = tpu.memref_slice %arg8[%add3A_174, %dma_wait3A_203] : memref<160x128xi32, #tpu.memory_space<vmem>> -> memref<1x128xi32, #tpu.memory_space<vmem>>
          %dma_wait3A_205 = tpu.memref_squeeze %dma_wait3A_204 : memref<1x128xi32, #tpu.memory_space<vmem>> -> memref<128xi32, #tpu.memory_space<vmem>>
          %dma_wait3A_206 = arith.constant 0 : i32
          %dma_wait3A_207 = arith.constant 0 : i32
          %dma_wait3A_208 = tpu.memref_slice %arg17[%dma_wait3A_206, %dma_wait3A_207] : memref<10240x16xf32, #tpu.memory_space<vmem_shared>> -> memref<10240x16xf32, #tpu.memory_space<vmem_shared>>
          tpu.wait_indirect_dma semaphore(%run_scoped3A : memref<!tpu.dma_semaphore, #tpu.memory_space<semaphore_mem>>) src(%dma_wait3A_202 : memref<128x16xf32, #tpu.memory_space<vmem>>) dst(%dma_wait3A_208 : memref<10240x16xf32, #tpu.memory_space<vmem_shared>>)
          tpu.yield
        }) : () -> ()
        %dma_wait3A_175 = arith.constant 384 : i32
        %dma_wait3A_176 = arith.constant 0 : i32
        %dma_wait3A_177 = tpu.memref_slice %arg13[%dma_wait3A_175, %dma_wait3A_176] : memref<512x16xf32, #tpu.memory_space<vmem>> -> memref<128x16xf32, #tpu.memory_space<vmem>>
        %dma_wait3A_178 = arith.constant 0 : i32
        %dma_wait3A_179 = arith.constant 0 : i32
        %dma_wait3A_180 = tpu.memref_slice %arg6[%dma_wait3A_178, %dma_wait3A_179] : memref<10240x16xf32, #tpu.memory_space<hbm>> -> memref<128x16xf32, #tpu.memory_space<hbm>>
        %dma_wait3A_181 = arith.constant 384 : i32
        %dma_wait3A_182 = arith.constant 0 : i32
        %dma_wait3A_183 = tpu.memref_slice %arg13[%dma_wait3A_181, %dma_wait3A_182] : memref<512x16xf32, #tpu.memory_space<vmem>> -> memref<128x16xf32, #tpu.memory_space<vmem>>
        %dma_wait3A_184 = arith.constant 0 : i32
        %dma_wait3A_185 = arith.constant 0 : i32
        %dma_wait3A_186 = tpu.memref_slice %arg6[%dma_wait3A_184, %dma_wait3A_185] : memref<10240x16xf32, #tpu.memory_space<hbm>> -> memref<128x16xf32, #tpu.memory_space<hbm>>
        tpu.wait_dma2 semaphore(%arg19 : memref<!tpu.dma_semaphore, #tpu.memory_space<semaphore_mem>>) src(%dma_wait3A_186 : memref<128x16xf32, #tpu.memory_space<hbm>>) dst(%dma_wait3A_183 : memref<128x16xf32, #tpu.memory_space<vmem>>)
        %add3A_187 = arith.constant 2 : i32
        %add3A_188 = arith.addi %mul3A_79, %add3A_187 : i32
        %add3A_189 = arith.constant 1 : i32
        %add3A_190 = arith.addi %add3A_188, %add3A_189 : i32
        "tpu.region"() ({
          %run_scoped3A = tpu.sem_alloc : memref<!tpu.dma_semaphore, #tpu.memory_space<semaphore_mem>>
          %dma_start3A_191 = arith.constant 384 : i32
          %dma_start3A_192 = arith.constant 0 : i32
          %dma_start3A_193 = tpu.memref_slice %arg13[%dma_start3A_191, %dma_start3A_192] : memref<512x16xf32, #tpu.memory_space<vmem>> -> memref<128x16xf32, #tpu.memory_space<vmem>>
          %dma_start3A_194 = arith.constant 0 : i32
          %dma_start3A_195 = tpu.memref_slice %arg8[%add3A_190, %dma_start3A_194] : memref<160x128xi32, #tpu.memory_space<vmem>> -> memref<1x128xi32, #tpu.memory_space<vmem>>
          %dma_start3A_196 = tpu.memref_squeeze %dma_start3A_195 : memref<1x128xi32, #tpu.memory_space<vmem>> -> memref<128xi32, #tpu.memory_space<vmem>>
          %dma_start3A_197 = arith.constant 0 : i32
          %dma_start3A_198 = arith.constant 0 : i32
          %dma_start3A_199 = tpu.memref_slice %arg17[%dma_start3A_197, %dma_start3A_198] : memref<10240x16xf32, #tpu.memory_space<vmem_shared>> -> memref<10240x16xf32, #tpu.memory_space<vmem_shared>>
          tpu.enqueue_indirect_dma source(%dma_start3A_193 : memref<128x16xf32, #tpu.memory_space<vmem>>) target(%dma_start3A_199 : memref<10240x16xf32, #tpu.memory_space<vmem_shared>>) offsets(%dma_start3A_196 : memref<128xi32, #tpu.memory_space<vmem>>) semaphore(%run_scoped3A : memref<!tpu.dma_semaphore, #tpu.memory_space<semaphore_mem>>) {add = true}
          %dma_wait3A_200 = arith.constant 384 : i32
          %dma_wait3A_201 = arith.constant 0 : i32
          %dma_wait3A_202 = tpu.memref_slice %arg13[%dma_wait3A_200, %dma_wait3A_201] : memref<512x16xf32, #tpu.memory_space<vmem>> -> memref<128x16xf32, #tpu.memory_space<vmem>>
          %dma_wait3A_203 = arith.constant 0 : i32
          %dma_wait3A_204 = tpu.memref_slice %arg8[%add3A_190, %dma_wait3A_203] : memref<160x128xi32, #tpu.memory_space<vmem>> -> memref<1x128xi32, #tpu.memory_space<vmem>>
          %dma_wait3A_205 = tpu.memref_squeeze %dma_wait3A_204 : memref<1x128xi32, #tpu.memory_space<vmem>> -> memref<128xi32, #tpu.memory_space<vmem>>
          %dma_wait3A_206 = arith.constant 0 : i32
          %dma_wait3A_207 = arith.constant 0 : i32
          %dma_wait3A_208 = tpu.memref_slice %arg17[%dma_wait3A_206, %dma_wait3A_207] : memref<10240x16xf32, #tpu.memory_space<vmem_shared>> -> memref<10240x16xf32, #tpu.memory_space<vmem_shared>>
          tpu.wait_indirect_dma semaphore(%run_scoped3A : memref<!tpu.dma_semaphore, #tpu.memory_space<semaphore_mem>>) src(%dma_wait3A_202 : memref<128x16xf32, #tpu.memory_space<vmem>>) dst(%dma_wait3A_208 : memref<10240x16xf32, #tpu.memory_space<vmem_shared>>)
          tpu.yield
        }) : () -> ()
      }
      %scan3A_43 = arith.constant 40 : i32
      %dma_wait3A = arith.constant 0 : i32
      %dma_wait3A_44 = arith.constant 0 : i32
      %dma_wait3A_45 = tpu.memref_slice %arg13[%dma_wait3A, %dma_wait3A_44] : memref<512x16xf32, #tpu.memory_space<vmem>> -> memref<128x16xf32, #tpu.memory_space<vmem>>
      %dma_wait3A_46 = arith.constant 0 : i32
      %dma_wait3A_47 = arith.constant 0 : i32
      %dma_wait3A_48 = tpu.memref_slice %arg6[%dma_wait3A_46, %dma_wait3A_47] : memref<10240x16xf32, #tpu.memory_space<hbm>> -> memref<128x16xf32, #tpu.memory_space<hbm>>
      %dma_wait3A_49 = arith.constant 0 : i32
      %dma_wait3A_50 = arith.constant 0 : i32
      %dma_wait3A_51 = tpu.memref_slice %arg13[%dma_wait3A_49, %dma_wait3A_50] : memref<512x16xf32, #tpu.memory_space<vmem>> -> memref<128x16xf32, #tpu.memory_space<vmem>>
      %dma_wait3A_52 = arith.constant 0 : i32
      %dma_wait3A_53 = arith.constant 0 : i32
      %dma_wait3A_54 = tpu.memref_slice %arg6[%dma_wait3A_52, %dma_wait3A_53] : memref<10240x16xf32, #tpu.memory_space<hbm>> -> memref<128x16xf32, #tpu.memory_space<hbm>>
      tpu.wait_dma2 semaphore(%arg19 : memref<!tpu.dma_semaphore, #tpu.memory_space<semaphore_mem>>) src(%dma_wait3A_54 : memref<128x16xf32, #tpu.memory_space<hbm>>) dst(%dma_wait3A_51 : memref<128x16xf32, #tpu.memory_space<vmem>>)
      %dma_wait3A_55 = arith.constant 128 : i32
      %dma_wait3A_56 = arith.constant 0 : i32
      %dma_wait3A_57 = tpu.memref_slice %arg13[%dma_wait3A_55, %dma_wait3A_56] : memref<512x16xf32, #tpu.memory_space<vmem>> -> memref<128x16xf32, #tpu.memory_space<vmem>>
      %dma_wait3A_58 = arith.constant 0 : i32
      %dma_wait3A_59 = arith.constant 0 : i32
      %dma_wait3A_60 = tpu.memref_slice %arg6[%dma_wait3A_58, %dma_wait3A_59] : memref<10240x16xf32, #tpu.memory_space<hbm>> -> memref<128x16xf32, #tpu.memory_space<hbm>>
      %dma_wait3A_61 = arith.constant 128 : i32
      %dma_wait3A_62 = arith.constant 0 : i32
      %dma_wait3A_63 = tpu.memref_slice %arg13[%dma_wait3A_61, %dma_wait3A_62] : memref<512x16xf32, #tpu.memory_space<vmem>> -> memref<128x16xf32, #tpu.memory_space<vmem>>
      %dma_wait3A_64 = arith.constant 0 : i32
      %dma_wait3A_65 = arith.constant 0 : i32
      %dma_wait3A_66 = tpu.memref_slice %arg6[%dma_wait3A_64, %dma_wait3A_65] : memref<10240x16xf32, #tpu.memory_space<hbm>> -> memref<128x16xf32, #tpu.memory_space<hbm>>
      tpu.wait_dma2 semaphore(%arg19 : memref<!tpu.dma_semaphore, #tpu.memory_space<semaphore_mem>>) src(%dma_wait3A_66 : memref<128x16xf32, #tpu.memory_space<hbm>>) dst(%dma_wait3A_63 : memref<128x16xf32, #tpu.memory_space<vmem>>)
      %barrier3A_67 = arith.constant 0 : index
      tpu.barrier barrier_id(%barrier3A_67)
      "tpu.region"() ({
        %run_scoped3A = tpu.sem_alloc : memref<!tpu.dma_semaphore, #tpu.memory_space<semaphore_mem>>
        %dma_start3A_75 = arith.constant 0 : i32
        %dma_start3A_76 = tpu.memref_slice %arg17[%mul3A_0, %dma_start3A_75] : memref<10240x16xf32, #tpu.memory_space<vmem_shared>> -> memref<640x16xf32, #tpu.memory_space<vmem_shared>>
        %dma_start3A_77 = arith.constant 0 : i32
        %dma_start3A_78 = tpu.memref_slice %arg17[%mul3A_0, %dma_start3A_77] : memref<10240x16xf32, #tpu.memory_space<vmem_shared>> -> memref<640x16xf32, #tpu.memory_space<vmem_shared>>
        tpu.enqueue_dma source(%dma_start3A_78 : memref<640x16xf32, #tpu.memory_space<vmem_shared>>) target(%arg12 : memref<640x16xf32, #tpu.memory_space<vmem>>) target_semaphore(%run_scoped3A : memref<!tpu.dma_semaphore, #tpu.memory_space<semaphore_mem>>)
        %dma_wait3A_79 = arith.constant 0 : i32
        %dma_wait3A_80 = tpu.memref_slice %arg17[%mul3A_0, %dma_wait3A_79] : memref<10240x16xf32, #tpu.memory_space<vmem_shared>> -> memref<640x16xf32, #tpu.memory_space<vmem_shared>>
        %dma_wait3A_81 = arith.constant 0 : i32
        %dma_wait3A_82 = tpu.memref_slice %arg17[%mul3A_0, %dma_wait3A_81] : memref<10240x16xf32, #tpu.memory_space<vmem_shared>> -> memref<640x16xf32, #tpu.memory_space<vmem_shared>>
        tpu.wait_dma2 semaphore(%run_scoped3A : memref<!tpu.dma_semaphore, #tpu.memory_space<semaphore_mem>>) src(%dma_wait3A_82 : memref<640x16xf32, #tpu.memory_space<vmem_shared>>) dst(%arg12 : memref<640x16xf32, #tpu.memory_space<vmem>>)
        tpu.yield
      }) : () -> ()
      %scan3A_68 = arith.constant 0 : i32
      %scan3A_69 = arith.constant 0 : i32
      %scan3A_70 = arith.constant 80 : i32
      %scan3A_71 = arith.addi %scan3A_69, %scan3A_70 : i32
      %scan3A_72 = arith.constant 1 : i32
      scf.for %scan3A_75 = %scan3A_69 to %scan3A_71 step %scan3A_72  : i32 {
        %mul3A_76 = arith.constant 8 : i32
        %mul3A_77 = arith.muli %scan3A_75, %mul3A_76 : i32
        %add3A = arith.constant 0 : i32
        %add3A_78 = arith.addi %mul3A_77, %add3A : i32
        %get3A = arith.index_cast %add3A_78 : i32 to index
        %get3A_79 = arith.constant 0 : index
        %get3A_80 = tpu.vector_load %arg11[%get3A, %get3A_79] {strides = array<i32>} : memref<640x16xf32, #tpu.memory_space<vmem>>, vector<16xf32>,
        %get3A_81 = arith.index_cast %add3A_78 : i32 to index
        %get3A_82 = arith.constant 0 : index
        %get3A_83 = tpu.vector_load %arg12[%get3A_81, %get3A_82] {strides = array<i32>} : memref<640x16xf32, #tpu.memory_space<vmem>>, vector<16xf32>,
        %mul3A_84 = arith.mulf %get3A_80, %get3A_83 : vector<16xf32>
        %get3A_85 = arith.index_cast %add3A_78 : i32 to index
        %get3A_86 = arith.constant 0 : index
        %get3A_87 = tpu.vector_load %arg10[%get3A_85, %get3A_86] {strides = array<i32>} : memref<640x16xf32, #tpu.memory_space<vmem>>, vector<16xf32>,
        %mul3A_88 = arith.constant 1.000000e-01 : f32
        %mul3A_89 = vector.broadcast %mul3A_88 : f32 to vector<16xf32>
        %mul3A_90 = arith.mulf %mul3A_89, %get3A_87 : vector<16xf32>
        %add3A_91 = arith.addf %mul3A_84, %mul3A_90 : vector<16xf32>
        %swap3A = arith.index_cast %add3A_78 : i32 to index
        %swap3A_92 = arith.constant 0 : index
        %swap3A_93 = tpu.vector_load %arg9[%swap3A, %swap3A_92] {strides = array<i32>} : memref<640x16xf32, #tpu.memory_space<vmem>>, vector<16xf32>,
        tpu.vector_store %arg9[%swap3A, %swap3A_92], %add3A_91 {strides = array<i32>} : memref<640x16xf32, #tpu.memory_space<vmem>>, vector<16xf32>,
        %mul3A_94 = arith.constant 8 : i32
        %mul3A_95 = arith.muli %scan3A_75, %mul3A_94 : i32
        %add3A_96 = arith.constant 1 : i32
        %add3A_97 = arith.addi %mul3A_95, %add3A_96 : i32
        %get3A_98 = arith.index_cast %add3A_97 : i32 to index
        %get3A_99 = arith.constant 0 : index
        %get3A_100 = tpu.vector_load %arg11[%get3A_98, %get3A_99] {strides = array<i32>} : memref<640x16xf32, #tpu.memory_space<vmem>>, vector<16xf32>,
        %get3A_101 = arith.index_cast %add3A_97 : i32 to index
        %get3A_102 = arith.constant 0 : index
        %get3A_103 = tpu.vector_load %arg12[%get3A_101, %get3A_102] {strides = array<i32>} : memref<640x16xf32, #tpu.memory_space<vmem>>, vector<16xf32>,
        %mul3A_104 = arith.mulf %get3A_100, %get3A_103 : vector<16xf32>
        %get3A_105 = arith.index_cast %add3A_97 : i32 to index
        %get3A_106 = arith.constant 0 : index
        %get3A_107 = tpu.vector_load %arg10[%get3A_105, %get3A_106] {strides = array<i32>} : memref<640x16xf32, #tpu.memory_space<vmem>>, vector<16xf32>,
        %mul3A_108 = arith.constant 1.000000e-01 : f32
        %mul3A_109 = vector.broadcast %mul3A_108 : f32 to vector<16xf32>
        %mul3A_110 = arith.mulf %mul3A_109, %get3A_107 : vector<16xf32>
        %add3A_111 = arith.addf %mul3A_104, %mul3A_110 : vector<16xf32>
        %swap3A_112 = arith.index_cast %add3A_97 : i32 to index
        %swap3A_113 = arith.constant 0 : index
        %swap3A_114 = tpu.vector_load %arg9[%swap3A_112, %swap3A_113] {strides = array<i32>} : memref<640x16xf32, #tpu.memory_space<vmem>>, vector<16xf32>,
        tpu.vector_store %arg9[%swap3A_112, %swap3A_113], %add3A_111 {strides = array<i32>} : memref<640x16xf32, #tpu.memory_space<vmem>>, vector<16xf32>,
        %mul3A_115 = arith.constant 8 : i32
        %mul3A_116 = arith.muli %scan3A_75, %mul3A_115 : i32
        %add3A_117 = arith.constant 2 : i32
        %add3A_118 = arith.addi %mul3A_116, %add3A_117 : i32
        %get3A_119 = arith.index_cast %add3A_118 : i32 to index
        %get3A_120 = arith.constant 0 : index
        %get3A_121 = tpu.vector_load %arg11[%get3A_119, %get3A_120] {strides = array<i32>} : memref<640x16xf32, #tpu.memory_space<vmem>>, vector<16xf32>,
        %get3A_122 = arith.index_cast %add3A_118 : i32 to index
        %get3A_123 = arith.constant 0 : index
        %get3A_124 = tpu.vector_load %arg12[%get3A_122, %get3A_123] {strides = array<i32>} : memref<640x16xf32, #tpu.memory_space<vmem>>, vector<16xf32>,
        %mul3A_125 = arith.mulf %get3A_121, %get3A_124 : vector<16xf32>
        %get3A_126 = arith.index_cast %add3A_118 : i32 to index
        %get3A_127 = arith.constant 0 : index
        %get3A_128 = tpu.vector_load %arg10[%get3A_126, %get3A_127] {strides = array<i32>} : memref<640x16xf32, #tpu.memory_space<vmem>>, vector<16xf32>,
        %mul3A_129 = arith.constant 1.000000e-01 : f32
        %mul3A_130 = vector.broadcast %mul3A_129 : f32 to vector<16xf32>
        %mul3A_131 = arith.mulf %mul3A_130, %get3A_128 : vector<16xf32>
        %add3A_132 = arith.addf %mul3A_125, %mul3A_131 : vector<16xf32>
        %swap3A_133 = arith.index_cast %add3A_118 : i32 to index
        %swap3A_134 = arith.constant 0 : index
        %swap3A_135 = tpu.vector_load %arg9[%swap3A_133, %swap3A_134] {strides = array<i32>} : memref<640x16xf32, #tpu.memory_space<vmem>>, vector<16xf32>,
        tpu.vector_store %arg9[%swap3A_133, %swap3A_134], %add3A_132 {strides = array<i32>} : memref<640x16xf32, #tpu.memory_space<vmem>>, vector<16xf32>,
        %mul3A_136 = arith.constant 8 : i32
        %mul3A_137 = arith.muli %scan3A_75, %mul3A_136 : i32
        %add3A_138 = arith.constant 3 : i32
        %add3A_139 = arith.addi %mul3A_137, %add3A_138 : i32
        %get3A_140 = arith.index_cast %add3A_139 : i32 to index
        %get3A_141 = arith.constant 0 : index
        %get3A_142 = tpu.vector_load %arg11[%get3A_140, %get3A_141] {strides = array<i32>} : memref<640x16xf32, #tpu.memory_space<vmem>>, vector<16xf32>,
        %get3A_143 = arith.index_cast %add3A_139 : i32 to index
        %get3A_144 = arith.constant 0 : index
        %get3A_145 = tpu.vector_load %arg12[%get3A_143, %get3A_144] {strides = array<i32>} : memref<640x16xf32, #tpu.memory_space<vmem>>, vector<16xf32>,
        %mul3A_146 = arith.mulf %get3A_142, %get3A_145 : vector<16xf32>
        %get3A_147 = arith.index_cast %add3A_139 : i32 to index
        %get3A_148 = arith.constant 0 : index
        %get3A_149 = tpu.vector_load %arg10[%get3A_147, %get3A_148] {strides = array<i32>} : memref<640x16xf32, #tpu.memory_space<vmem>>, vector<16xf32>,
        %mul3A_150 = arith.constant 1.000000e-01 : f32
        %mul3A_151 = vector.broadcast %mul3A_150 : f32 to vector<16xf32>
        %mul3A_152 = arith.mulf %mul3A_151, %get3A_149 : vector<16xf32>
        %add3A_153 = arith.addf %mul3A_146, %mul3A_152 : vector<16xf32>
        %swap3A_154 = arith.index_cast %add3A_139 : i32 to index
        %swap3A_155 = arith.constant 0 : index
        %swap3A_156 = tpu.vector_load %arg9[%swap3A_154, %swap3A_155] {strides = array<i32>} : memref<640x16xf32, #tpu.memory_space<vmem>>, vector<16xf32>,
        tpu.vector_store %arg9[%swap3A_154, %swap3A_155], %add3A_153 {strides = array<i32>} : memref<640x16xf32, #tpu.memory_space<vmem>>, vector<16xf32>,
        %mul3A_157 = arith.constant 8 : i32
        %mul3A_158 = arith.muli %scan3A_75, %mul3A_157 : i32
        %add3A_159 = arith.constant 4 : i32
        %add3A_160 = arith.addi %mul3A_158, %add3A_159 : i32
        %get3A_161 = arith.index_cast %add3A_160 : i32 to index
        %get3A_162 = arith.constant 0 : index
        %get3A_163 = tpu.vector_load %arg11[%get3A_161, %get3A_162] {strides = array<i32>} : memref<640x16xf32, #tpu.memory_space<vmem>>, vector<16xf32>,
        %get3A_164 = arith.index_cast %add3A_160 : i32 to index
        %get3A_165 = arith.constant 0 : index
        %get3A_166 = tpu.vector_load %arg12[%get3A_164, %get3A_165] {strides = array<i32>} : memref<640x16xf32, #tpu.memory_space<vmem>>, vector<16xf32>,
        %mul3A_167 = arith.mulf %get3A_163, %get3A_166 : vector<16xf32>
        %get3A_168 = arith.index_cast %add3A_160 : i32 to index
        %get3A_169 = arith.constant 0 : index
        %get3A_170 = tpu.vector_load %arg10[%get3A_168, %get3A_169] {strides = array<i32>} : memref<640x16xf32, #tpu.memory_space<vmem>>, vector<16xf32>,
        %mul3A_171 = arith.constant 1.000000e-01 : f32
        %mul3A_172 = vector.broadcast %mul3A_171 : f32 to vector<16xf32>
        %mul3A_173 = arith.mulf %mul3A_172, %get3A_170 : vector<16xf32>
        %add3A_174 = arith.addf %mul3A_167, %mul3A_173 : vector<16xf32>
        %swap3A_175 = arith.index_cast %add3A_160 : i32 to index
        %swap3A_176 = arith.constant 0 : index
        %swap3A_177 = tpu.vector_load %arg9[%swap3A_175, %swap3A_176] {strides = array<i32>} : memref<640x16xf32, #tpu.memory_space<vmem>>, vector<16xf32>,
        tpu.vector_store %arg9[%swap3A_175, %swap3A_176], %add3A_174 {strides = array<i32>} : memref<640x16xf32, #tpu.memory_space<vmem>>, vector<16xf32>,
        %mul3A_178 = arith.constant 8 : i32
        %mul3A_179 = arith.muli %scan3A_75, %mul3A_178 : i32
        %add3A_180 = arith.constant 5 : i32
        %add3A_181 = arith.addi %mul3A_179, %add3A_180 : i32
        %get3A_182 = arith.index_cast %add3A_181 : i32 to index
        %get3A_183 = arith.constant 0 : index
        %get3A_184 = tpu.vector_load %arg11[%get3A_182, %get3A_183] {strides = array<i32>} : memref<640x16xf32, #tpu.memory_space<vmem>>, vector<16xf32>,
        %get3A_185 = arith.index_cast %add3A_181 : i32 to index
        %get3A_186 = arith.constant 0 : index
        %get3A_187 = tpu.vector_load %arg12[%get3A_185, %get3A_186] {strides = array<i32>} : memref<640x16xf32, #tpu.memory_space<vmem>>, vector<16xf32>,
        %mul3A_188 = arith.mulf %get3A_184, %get3A_187 : vector<16xf32>
        %get3A_189 = arith.index_cast %add3A_181 : i32 to index
        %get3A_190 = arith.constant 0 : index
        %get3A_191 = tpu.vector_load %arg10[%get3A_189, %get3A_190] {strides = array<i32>} : memref<640x16xf32, #tpu.memory_space<vmem>>, vector<16xf32>,
        %mul3A_192 = arith.constant 1.000000e-01 : f32
        %mul3A_193 = vector.broadcast %mul3A_192 : f32 to vector<16xf32>
        %mul3A_194 = arith.mulf %mul3A_193, %get3A_191 : vector<16xf32>
        %add3A_195 = arith.addf %mul3A_188, %mul3A_194 : vector<16xf32>
        %swap3A_196 = arith.index_cast %add3A_181 : i32 to index
        %swap3A_197 = arith.constant 0 : index
        %swap3A_198 = tpu.vector_load %arg9[%swap3A_196, %swap3A_197] {strides = array<i32>} : memref<640x16xf32, #tpu.memory_space<vmem>>, vector<16xf32>,
        tpu.vector_store %arg9[%swap3A_196, %swap3A_197], %add3A_195 {strides = array<i32>} : memref<640x16xf32, #tpu.memory_space<vmem>>, vector<16xf32>,
        %mul3A_199 = arith.constant 8 : i32
        %mul3A_200 = arith.muli %scan3A_75, %mul3A_199 : i32
        %add3A_201 = arith.constant 6 : i32
        %add3A_202 = arith.addi %mul3A_200, %add3A_201 : i32
        %get3A_203 = arith.index_cast %add3A_202 : i32 to index
        %get3A_204 = arith.constant 0 : index
        %get3A_205 = tpu.vector_load %arg11[%get3A_203, %get3A_204] {strides = array<i32>} : memref<640x16xf32, #tpu.memory_space<vmem>>, vector<16xf32>,
        %get3A_206 = arith.index_cast %add3A_202 : i32 to index
        %get3A_207 = arith.constant 0 : index
        %get3A_208 = tpu.vector_load %arg12[%get3A_206, %get3A_207] {strides = array<i32>} : memref<640x16xf32, #tpu.memory_space<vmem>>, vector<16xf32>,
        %mul3A_209 = arith.mulf %get3A_205, %get3A_208 : vector<16xf32>
        %get3A_210 = arith.index_cast %add3A_202 : i32 to index
        %get3A_211 = arith.constant 0 : index
        %get3A_212 = tpu.vector_load %arg10[%get3A_210, %get3A_211] {strides = array<i32>} : memref<640x16xf32, #tpu.memory_space<vmem>>, vector<16xf32>,
        %mul3A_213 = arith.constant 1.000000e-01 : f32
        %mul3A_214 = vector.broadcast %mul3A_213 : f32 to vector<16xf32>
        %mul3A_215 = arith.mulf %mul3A_214, %get3A_212 : vector<16xf32>
        %add3A_216 = arith.addf %mul3A_209, %mul3A_215 : vector<16xf32>
        %swap3A_217 = arith.index_cast %add3A_202 : i32 to index
        %swap3A_218 = arith.constant 0 : index
        %swap3A_219 = tpu.vector_load %arg9[%swap3A_217, %swap3A_218] {strides = array<i32>} : memref<640x16xf32, #tpu.memory_space<vmem>>, vector<16xf32>,
        tpu.vector_store %arg9[%swap3A_217, %swap3A_218], %add3A_216 {strides = array<i32>} : memref<640x16xf32, #tpu.memory_space<vmem>>, vector<16xf32>,
        %mul3A_220 = arith.constant 8 : i32
        %mul3A_221 = arith.muli %scan3A_75, %mul3A_220 : i32
        %add3A_222 = arith.constant 7 : i32
        %add3A_223 = arith.addi %mul3A_221, %add3A_222 : i32
        %get3A_224 = arith.index_cast %add3A_223 : i32 to index
        %get3A_225 = arith.constant 0 : index
        %get3A_226 = tpu.vector_load %arg11[%get3A_224, %get3A_225] {strides = array<i32>} : memref<640x16xf32, #tpu.memory_space<vmem>>, vector<16xf32>,
        %get3A_227 = arith.index_cast %add3A_223 : i32 to index
        %get3A_228 = arith.constant 0 : index
        %get3A_229 = tpu.vector_load %arg12[%get3A_227, %get3A_228] {strides = array<i32>} : memref<640x16xf32, #tpu.memory_space<vmem>>, vector<16xf32>,
        %mul3A_230 = arith.mulf %get3A_226, %get3A_229 : vector<16xf32>
        %get3A_231 = arith.index_cast %add3A_223 : i32 to index
        %get3A_232 = arith.constant 0 : index
        %get3A_233 = tpu.vector_load %arg10[%get3A_231, %get3A_232] {strides = array<i32>} : memref<640x16xf32, #tpu.memory_space<vmem>>, vector<16xf32>,
        %mul3A_234 = arith.constant 1.000000e-01 : f32
        %mul3A_235 = vector.broadcast %mul3A_234 : f32 to vector<16xf32>
        %mul3A_236 = arith.mulf %mul3A_235, %get3A_233 : vector<16xf32>
        %add3A_237 = arith.addf %mul3A_230, %mul3A_236 : vector<16xf32>
        %swap3A_238 = arith.index_cast %add3A_223 : i32 to index
        %swap3A_239 = arith.constant 0 : index
        %swap3A_240 = tpu.vector_load %arg9[%swap3A_238, %swap3A_239] {strides = array<i32>} : memref<640x16xf32, #tpu.memory_space<vmem>>, vector<16xf32>,
        tpu.vector_store %arg9[%swap3A_238, %swap3A_239], %add3A_237 {strides = array<i32>} : memref<640x16xf32, #tpu.memory_space<vmem>>, vector<16xf32>,
      }
      %scan3A_73 = arith.constant 80 : i32
      "tpu.region"() ({
        %run_scoped3A = tpu.sem_alloc : memref<!tpu.dma_semaphore, #tpu.memory_space<semaphore_mem>>
        %dma_start3A_75 = arith.constant 0 : i32
        %dma_start3A_76 = tpu.memref_slice %arg18[%mul3A_0, %dma_start3A_75] : memref<10240x16xf32, #tpu.memory_space<vmem_shared>> -> memref<640x16xf32, #tpu.memory_space<vmem_shared>>
        %dma_start3A_77 = arith.constant 0 : i32
        %dma_start3A_78 = tpu.memref_slice %arg18[%mul3A_0, %dma_start3A_77] : memref<10240x16xf32, #tpu.memory_space<vmem_shared>> -> memref<640x16xf32, #tpu.memory_space<vmem_shared>>
        tpu.enqueue_dma source(%arg9 : memref<640x16xf32, #tpu.memory_space<vmem>>) target(%dma_start3A_78 : memref<640x16xf32, #tpu.memory_space<vmem_shared>>) target_semaphore(%run_scoped3A : memref<!tpu.dma_semaphore, #tpu.memory_space<semaphore_mem>>)
        %dma_wait3A_79 = arith.constant 0 : i32
        %dma_wait3A_80 = tpu.memref_slice %arg18[%mul3A_0, %dma_wait3A_79] : memref<10240x16xf32, #tpu.memory_space<vmem_shared>> -> memref<640x16xf32, #tpu.memory_space<vmem_shared>>
        %dma_wait3A_81 = arith.constant 0 : i32
        %dma_wait3A_82 = tpu.memref_slice %arg18[%mul3A_0, %dma_wait3A_81] : memref<10240x16xf32, #tpu.memory_space<vmem_shared>> -> memref<640x16xf32, #tpu.memory_space<vmem_shared>>
        tpu.wait_dma2 semaphore(%run_scoped3A : memref<!tpu.dma_semaphore, #tpu.memory_space<semaphore_mem>>) src(%arg9 : memref<640x16xf32, #tpu.memory_space<vmem>>) dst(%dma_wait3A_82 : memref<640x16xf32, #tpu.memory_space<vmem_shared>>)
        tpu.yield
      }) : () -> ()
      "tpu.region"() ({
        %run_scoped3A = tpu.sem_alloc : memref<!tpu.dma_semaphore, #tpu.memory_space<semaphore_mem>>
        %dma_start3A_75 = arith.constant 0 : i32
        %dma_start3A_76 = tpu.memref_slice %arg17[%mul3A_0, %dma_start3A_75] : memref<10240x16xf32, #tpu.memory_space<vmem_shared>> -> memref<640x16xf32, #tpu.memory_space<vmem_shared>>
        %dma_start3A_77 = arith.constant 0 : i32
        %dma_start3A_78 = tpu.memref_slice %arg17[%mul3A_0, %dma_start3A_77] : memref<10240x16xf32, #tpu.memory_space<vmem_shared>> -> memref<640x16xf32, #tpu.memory_space<vmem_shared>>
        tpu.enqueue_dma source(%arg9 : memref<640x16xf32, #tpu.memory_space<vmem>>) target(%dma_start3A_78 : memref<640x16xf32, #tpu.memory_space<vmem_shared>>) target_semaphore(%run_scoped3A : memref<!tpu.dma_semaphore, #tpu.memory_space<semaphore_mem>>)
        %dma_wait3A_79 = arith.constant 0 : i32
        %dma_wait3A_80 = tpu.memref_slice %arg17[%mul3A_0, %dma_wait3A_79] : memref<10240x16xf32, #tpu.memory_space<vmem_shared>> -> memref<640x16xf32, #tpu.memory_space<vmem_shared>>
        %dma_wait3A_81 = arith.constant 0 : i32
        %dma_wait3A_82 = tpu.memref_slice %arg17[%mul3A_0, %dma_wait3A_81] : memref<10240x16xf32, #tpu.memory_space<vmem_shared>> -> memref<640x16xf32, #tpu.memory_space<vmem_shared>>
        tpu.wait_dma2 semaphore(%run_scoped3A : memref<!tpu.dma_semaphore, #tpu.memory_space<semaphore_mem>>) src(%arg9 : memref<640x16xf32, #tpu.memory_space<vmem>>) dst(%dma_wait3A_82 : memref<640x16xf32, #tpu.memory_space<vmem_shared>>)
        tpu.yield
      }) : () -> ()
      %barrier3A_74 = arith.constant 0 : index
      tpu.barrier barrier_id(%barrier3A_74)
    }
    %scan3A_17 = arith.constant 10 : i32
    "tpu.region"() ({
      %run_scoped3A = tpu.sem_alloc : memref<!tpu.dma_semaphore, #tpu.memory_space<semaphore_mem>>
      %dma_start3A = arith.constant 0 : i32
      %dma_start3A_18 = tpu.memref_slice %arg6[%mul3A_0, %dma_start3A] : memref<10240x16xf32, #tpu.memory_space<hbm>> -> memref<640x16xf32, #tpu.memory_space<hbm>>
      %dma_start3A_19 = arith.constant 0 : i32
      %dma_start3A_20 = tpu.memref_slice %arg6[%mul3A_0, %dma_start3A_19] : memref<10240x16xf32, #tpu.memory_space<hbm>> -> memref<640x16xf32, #tpu.memory_space<hbm>>
      tpu.enqueue_dma source(%arg9 : memref<640x16xf32, #tpu.memory_space<vmem>>) target(%dma_start3A_20 : memref<640x16xf32, #tpu.memory_space<hbm>>) target_semaphore(%run_scoped3A : memref<!tpu.dma_semaphore, #tpu.memory_space<semaphore_mem>>)
      %dma_wait3A = arith.constant 0 : i32
      %dma_wait3A_21 = tpu.memref_slice %arg6[%mul3A_0, %dma_wait3A] : memref<10240x16xf32, #tpu.memory_space<hbm>> -> memref<640x16xf32, #tpu.memory_space<hbm>>
      %dma_wait3A_22 = arith.constant 0 : i32
      %dma_wait3A_23 = tpu.memref_slice %arg6[%mul3A_0, %dma_wait3A_22] : memref<10240x16xf32, #tpu.memory_space<hbm>> -> memref<640x16xf32, #tpu.memory_space<hbm>>
      tpu.wait_dma2 semaphore(%run_scoped3A : memref<!tpu.dma_semaphore, #tpu.memory_space<semaphore_mem>>) src(%arg9 : memref<640x16xf32, #tpu.memory_space<vmem>>) dst(%dma_wait3A_23 : memref<640x16xf32, #tpu.memory_space<hbm>>)
      tpu.yield
    }) : () -> ()
    return
  }
}

module attributes {stable_mosaic.version = 14 : i64} {
  func.func @mlp_kernel(%arg0: i32, %arg1: memref<640x128xf32, #tpu.memory_space<vmem>>, %arg2: memref<128x64xf32, #tpu.memory_space<vmem>>, %arg3: memref<1x64xf32, #tpu.memory_space<vmem>>, %arg4: memref<64x16xf32, #tpu.memory_space<vmem>>, %arg5: memref<1x16xf32, #tpu.memory_space<vmem>>, %arg6: memref<640x16xf32, #tpu.memory_space<vmem>>) attributes {dimension_semantics = [#tpu.dimension_semantics<arbitrary>], iteration_bounds = array<i64: 16>, scalar_prefetch = 0 : i64, scratch_operands = 0 : i64, tpu.core_type = #tpu.core_type<tc>, window_params = [{transform_indices = @transform_0, window_bounds = array<i64: 640, 128>}, {pipeline_mode = #tpu.pipeline_mode<synchronous>, transform_indices = @transform_1, window_bounds = array<i64: 128, 64>}, {pipeline_mode = #tpu.pipeline_mode<synchronous>, transform_indices = @transform_2, window_bounds = array<i64: 1, 64>}, {pipeline_mode = #tpu.pipeline_mode<synchronous>, transform_indices = @transform_3, window_bounds = array<i64: 64, 16>}, {pipeline_mode = #tpu.pipeline_mode<synchronous>, transform_indices = @transform_4, window_bounds = array<i64: 1, 16>}, {transform_indices = @transform_5, window_bounds = array<i64: 640, 16>}]} {
    %get3A = arith.constant 0 : index
    %get3A_0 = arith.constant 0 : index
    %get3A_1 = vector.load %arg1[%get3A, %get3A_0] : memref<640x128xf32, #tpu.memory_space<vmem>>, vector<640x128xf32>
    %get3A_2 = arith.constant 0 : index
    %get3A_3 = arith.constant 0 : index
    %get3A_4 = vector.load %arg2[%get3A_2, %get3A_3] : memref<128x64xf32, #tpu.memory_space<vmem>>, vector<128x64xf32>
    %dot_general3A = arith.constant dense<0.000000e+00> : vector<640x64xf32>
    %dot_general3A_5 = tpu.matmul %get3A_1, %get3A_4, %dot_general3A {dimension_numbers = #tpu.dot_dimension_numbers<[1], [0], [0], [1], [0, 0, 1, 1], [], []>, transpose_lhs_hint = false} : vector<640x128xf32>, vector<128x64xf32>, vector<640x64xf32> -> vector<640x64xf32>
    %get3A_6 = arith.constant 0 : index
    %get3A_7 = arith.constant 0 : index
    %get3A_8 = vector.load %arg3[%get3A_6, %get3A_7] : memref<1x64xf32, #tpu.memory_space<vmem>>, vector<1x64xf32>
    %add3A = vector.broadcast %get3A_8 : vector<1x64xf32> to vector<640x64xf32>
    %add3A_9 = arith.addf %dot_general3A_5, %add3A : vector<640x64xf32>
    %max3A = arith.constant 0.000000e+00 : f32
    %max3A_10 = vector.broadcast %max3A : f32 to vector<640x64xf32>
    %max3A_11 = arith.maximumf %add3A_9, %max3A_10 : vector<640x64xf32>
    %get3A_12 = arith.constant 0 : index
    %get3A_13 = arith.constant 0 : index
    %get3A_14 = vector.load %arg4[%get3A_12, %get3A_13] : memref<64x16xf32, #tpu.memory_space<vmem>>, vector<64x16xf32>
    %dot_general3A_15 = arith.constant dense<0.000000e+00> : vector<640x16xf32>
    %dot_general3A_16 = tpu.matmul %max3A_11, %get3A_14, %dot_general3A_15 {dimension_numbers = #tpu.dot_dimension_numbers<[1], [0], [0], [1], [0, 0, 1, 1], [], []>, transpose_lhs_hint = false} : vector<640x64xf32>, vector<64x16xf32>, vector<640x16xf32> -> vector<640x16xf32>
    %get3A_17 = arith.constant 0 : index
    %get3A_18 = arith.constant 0 : index
    %get3A_19 = vector.load %arg5[%get3A_17, %get3A_18] : memref<1x16xf32, #tpu.memory_space<vmem>>, vector<1x16xf32>
    %add3A_20 = vector.broadcast %get3A_19 : vector<1x16xf32> to vector<640x16xf32>
    %add3A_21 = arith.addf %dot_general3A_16, %add3A_20 : vector<640x16xf32>
    %swap3A = arith.constant 0 : index
    %swap3A_22 = arith.constant 0 : index
    %swap3A_23 = vector.load %arg6[%swap3A, %swap3A_22] : memref<640x16xf32, #tpu.memory_space<vmem>>, vector<640x16xf32>
    tpu.vector_store %arg6[%swap3A, %swap3A_22], %add3A_21 {strides = array<i32>} : memref<640x16xf32, #tpu.memory_space<vmem>>, vector<640x16xf32>,
    return
  }
  func.func @transform_0(%arg0: i32) -> (i32, i32) {
    %c0_i32 = arith.constant 0 : i32
    %c0_i32_0 = arith.constant 0 : i32
    return %arg0, %c0_i32 : i32, i32
  }
  func.func @transform_1(%arg0: i32) -> (i32, i32) {
    %c0_i32 = arith.constant 0 : i32
    %c0_i32_0 = arith.constant 0 : i32
    %c0_i32_1 = arith.constant 0 : i32
    return %c0_i32, %c0_i32_0 : i32, i32
  }
  func.func @transform_2(%arg0: i32) -> (i32, i32) {
    %c0_i32 = arith.constant 0 : i32
    %c0_i32_0 = arith.constant 0 : i32
    %c0_i32_1 = arith.constant 0 : i32
    return %c0_i32, %c0_i32_0 : i32, i32
  }
  func.func @transform_3(%arg0: i32) -> (i32, i32) {
    %c0_i32 = arith.constant 0 : i32
    %c0_i32_0 = arith.constant 0 : i32
    %c0_i32_1 = arith.constant 0 : i32
    return %c0_i32, %c0_i32_0 : i32, i32
  }
  func.func @transform_4(%arg0: i32) -> (i32, i32) {
    %c0_i32 = arith.constant 0 : i32
    %c0_i32_0 = arith.constant 0 : i32
    %c0_i32_1 = arith.constant 0 : i32
    return %c0_i32, %c0_i32_0 : i32, i32
  }
  func.func @transform_5(%arg0: i32) -> (i32, i32) {
    %c0_i32 = arith.constant 0 : i32
    %c0_i32_0 = arith.constant 0 : i32
    return %arg0, %c0_i32 : i32, i32
  }
}

module attributes {stable_mosaic.version = 14 : i64} {
  func.func @out_kernel(%arg0: memref<10240x16xf32, #tpu.memory_space<vmem>>, %arg1: memref<10240x1xf32, #tpu.memory_space<vmem>>, %arg2: memref<10240x16xf32, #tpu.memory_space<vmem>>) attributes {dimension_semantics = [], scalar_prefetch = 0 : i64, scratch_operands = 0 : i64, tpu.core_type = #tpu.core_type<tc>} {
    %get3A = arith.constant 0 : index
    %get3A_0 = arith.constant 0 : index
    %get3A_1 = vector.load %arg0[%get3A, %get3A_0] : memref<10240x16xf32, #tpu.memory_space<vmem>>, vector<10240x16xf32>
    %get3A_2 = arith.constant 0 : index
    %get3A_3 = arith.constant 0 : index
    %get3A_4 = vector.load %arg1[%get3A_2, %get3A_3] : memref<10240x1xf32, #tpu.memory_space<vmem>>, vector<10240x1xf32>
    %sqrt3A = math.sqrt %get3A_4 : vector<10240x1xf32>
    %mul3A = vector.broadcast %sqrt3A : vector<10240x1xf32> to vector<10240x16xf32>
    %mul3A_5 = arith.mulf %get3A_1, %mul3A : vector<10240x16xf32>
    %reduce_max3A = arith.constant dense<0xFF800000> : vector<10240xf32>
    %reduce_max3A_6 = vector.multi_reduction <maximumf>, %mul3A_5, %reduce_max3A [1] : vector<10240x16xf32> to vector<10240xf32>
    %broadcast_in_dim3A = vector.shape_cast %reduce_max3A_6 : vector<10240xf32> to vector<10240x1xf32>
    %sub3A = vector.broadcast %broadcast_in_dim3A : vector<10240x1xf32> to vector<10240x16xf32>
    %sub3A_7 = arith.subf %mul3A_5, %sub3A : vector<10240x16xf32>
    %exp3A = math.exp %sub3A_7 : vector<10240x16xf32>
    %reduce_sum3A = arith.constant dense<0.000000e+00> : vector<10240xf32>
    %reduce_sum3A_8 = vector.multi_reduction <add>, %exp3A, %reduce_sum3A [1] : vector<10240x16xf32> to vector<10240xf32>
    %broadcast_in_dim3A_9 = vector.shape_cast %reduce_sum3A_8 : vector<10240xf32> to vector<10240x1xf32>
    %log3A = math.log %broadcast_in_dim3A_9 : vector<10240x1xf32>
    %add3A = arith.addf %log3A, %broadcast_in_dim3A : vector<10240x1xf32>
    %sub3A_10 = vector.broadcast %add3A : vector<10240x1xf32> to vector<10240x16xf32>
    %sub3A_11 = arith.subf %mul3A_5, %sub3A_10 : vector<10240x16xf32>
    %swap3A = arith.constant 0 : index
    %swap3A_12 = arith.constant 0 : index
    %swap3A_13 = vector.load %arg2[%swap3A, %swap3A_12] : memref<10240x16xf32, #tpu.memory_space<vmem>>, vector<10240x16xf32>
    tpu.vector_store %arg2[%swap3A, %swap3A_12], %sub3A_11 {strides = array<i32>} : memref<10240x16xf32, #tpu.memory_space<vmem>>, vector<10240x16xf32>,
    return
  }
}

</mosaic_0001>

<sc_bundles>
// kernel: kernel.6.cloned.1.call-start
scs
__scs_entry_jumppad:
0x0: {  	(pc) =	sbr.rel $0x88, $3  }
0x1: {  	(tag) =	ssettag $0x0;
	lr =	simm.s32 $0x1  }
0x2: {  	[smem:$0x3F9B] =	sst lr;
	_ =	strace $0xD0000000  }
0x3: {  	_ = 	snop  }
0x4: {  	_ = 	snop  }
0x5: {  	_ = 	snop  }
0x6: {  	_ = 	snop  }
0x7: {  	_ = 	snop  }
__scs_overlays_trampoline_lowered:
0x8: {  	[smem:$0x3FAA] =	sst s0  }
0x9: {  	[smem:$0x3FAB] =	sst s1  }
0xa: {  	[smem:$0x3FAC] =	sst s2  }
0xb: {  	[smem:$0x3FAD] =	sst s3  }
0xc: {  	[smem:$0x3FAE] =	sst s4  }
0xd: {  	[smem:$0x3FAF] =	sst s5  }
0xe: {  	[smem:$0x3FB0] =	sst s6  }
0xf: {  	[smem:$0x3FB1] =	sst s7  }
0x10: {  	[smem:$0x3FB2] =	sst s8  }
0x11: {  	[smem:$0x3FB3] =	sst s9;
	s0 =	simm.s32 @!p0 $0x0  }
0x12: {  	s1 =	sld [smem:$0x3F99];
	s0 =	simm.s32 @p0 $0x1  }
0x13: {  	[smem:$0x3FB4] =	sst s0;
	s0 =	simm.s32 @!p1 $0x0  }
0x14: {  	s2 =	sld [smem:$0x3F98];
	s0 =	simm.s32 @p1 $0x1  }
0x15: {  	[smem:$0x3FB5] =	sst s0;
	s0 =	simm.s32 @!p2 $0x0  }
0x16: {  	s3 =	sld [smem:$0x3FDB];
	s0 =	simm.s32 @p2 $0x1  }
0x17: {  	s4 =	simm.s32 $0x1BF5;
	[smem:$0x3FB7] =	sst s0  }
0x18: {  	s0 =	sld [smem:$0x3F9A];
	_ =	swait.ge [sflag:s4], $0x0  }
0x19: {  	s7 =	sld [smem:$0x3F9B]  }
0x1a: {  	s8 =	sadd.s32 $0xFFFFE003, lr  }
0x1b: {  	s9 =	sadd.s32 $0xFFFFFEF7, lr;
	s5 =	simm.s32 $0xFFFFFFFF;
	p2 =	slt.u32 s8, $0xFFFFF086  }
0x1c: {  	p1 =	slt.u32 s9, $0xF7A;
	s5 =	simm.s32 @!p2 $0x0  }
0x1d: {  	s5 =	simm.s32 @p1 $0x1;
	p0 =	seq.s32 s7, s2  }
0x1e: {  	s7 =	smul.u32 @!p0 $0xF7A, s2;
	p2 =	seq.s32 @!p0 s5, $0x0  }
0x1f: {  	s9 =	smul.u32 $0xF7A, s1;
	s8 =	simm.s32 @!p0 $0x1BF5;
	p2 =	por !p2, p0  }
0x20: {  	[sflag:s8] =	ssyncset.s32 @!p0 $0xFFFFF086;
	s6 =	sadd.s32 @!p0 s3, s7;
	s7 =	simm.s32 @!p0 $0x108  }
0x21: {  	s3 =	sadd.s32 s3, s9;
	s6 =	sadd.s32 @!p0 $0x88, s6;
	s7 =	simm.s32 @p2 $0x1082  }
0x22: {  	[simem:s7], [sflag:s8] =	dma.local @!p0 [hbm:s6], $0xF7A  }
0x23: {  	s9 =	sor.u32 $0xD0000000, s2;
	s6 =	simm.s32 $0x108;
	_ =	swait.ge @!p0 [sflag:s8], $0x0  }
0x24: {  	s3 =	sadd.s32 $0x88, s3;
	s6 =	simm.s32 @!p1 $0x1082;
	[sflag:s4] =	ssyncset.s32 $0xFFFFF086  }
0x25: {  	[simem:s6], [sflag:s4] =	dma.local [hbm:s3], $0xF7A  }
0x26: {  	[smem:$0x3F9B] =	sst s1;
	(tag) =	ssettag s2;
	_ =	strace s9  }
0x27: {  	s1 =	sld [smem:$0x3FAB]  }
0x28: {  	s2 =	sld [smem:$0x3FAC]  }
0x29: {  	s4 =	sld [smem:$0x3FAE]  }
0x2a: {  	p0 =	seq.s32 s5, $0x0;
	s5 =	sld [smem:$0x3FAF]  }
0x2b: {  	s6 =	sld [smem:$0x3FB0]  }
0x2c: {  	s7 =	sld [smem:$0x3FB1]  }
0x2d: {  	s3 =	simm.s32 $0x108;
	s8 =	sld [smem:$0x3FB2]  }
0x2e: {  	s3 =	simm.s32 @!p0 $0x1082;
	s9 =	sld [smem:$0x3FB3]  }
0x2f: {  	lr =	sadd.s32 s0, s3;
	s0 =	sld [smem:$0x3FAA]  }
0x30: {  	s3 =	sld [smem:$0x3FAD]  }
0x31: {  	[smem:$0x3FB6] =	sst s10  }
0x32: {  	s10 =	sld [smem:$0x3FB4];
	_ =	sdelay $0x3  }
0x33: {  	p0 =	seq.s32 s10, $0x1;
	s10 =	sld [smem:$0x3FB6];
	_ =	sdelay $0x3  }
0x34: {  	[smem:$0x3FB6] =	sst s10  }
0x35: {  	s10 =	sld [smem:$0x3FB5];
	_ =	sdelay $0x3  }
0x36: {  	p1 =	seq.s32 s10, $0x1;
	s10 =	sld [smem:$0x3FB6];
	_ =	sdelay $0x3  }
0x37: {  	[smem:$0x3FB6] =	sst s10  }
0x38: {  	s10 =	sld [smem:$0x3FB7]  }
0x39: {  	_ = 	snop;
	(pc) =	sbr.ind lr, $3  }
0x3a: {  	_ = 	snop  }
0x3b: {  	_ = 	snop  }
0x3c: {  	p2 =	seq.s32 s10, $0x1;
	s10 =	sld [smem:$0x3FB6]  }
0x3d: {  	_ =	shalt  }
0x3e: {  	_ =	shalt  }
0x3f: {  	_ =	shalt  }
0x40: {  	_ =	shalt  }
0x41: {  	_ =	shalt  }
0x42: {  	_ =	shalt  }
0x43: {  	_ =	shalt  }
0x44: {  	_ =	shalt  }
0x45: {  	_ =	shalt  }
0x46: {  	_ =	shalt  }
0x47: {  	_ =	shalt  }
0x48: {  	_ =	shalt  }
0x49: {  	_ =	shalt  }
0x4a: {  	_ =	shalt  }
0x4b: {  	_ =	shalt  }
0x4c: {  	_ =	shalt  }
0x4d: {  	_ =	shalt  }
0x4e: {  	_ =	shalt  }
0x4f: {  	_ =	shalt  }
0x50: {  	_ =	shalt  }
0x51: {  	_ =	shalt  }
0x52: {  	_ =	shalt  }
0x53: {  	_ =	shalt  }
0x54: {  	_ =	shalt  }
0x55: {  	_ =	shalt  }
0x56: {  	_ =	shalt  }
0x57: {  	_ =	shalt  }
0x58: {  	_ =	shalt  }
0x59: {  	_ =	shalt  }
0x5a: {  	_ =	shalt  }
0x5b: {  	_ =	shalt  }
0x5c: {  	_ =	shalt  }
0x5d: {  	_ =	shalt  }
0x5e: {  	_ =	shalt  }
0x5f: {  	_ =	shalt  }
0x60: {  	_ =	shalt  }
0x61: {  	_ =	shalt  }
0x62: {  	_ =	shalt  }
0x63: {  	_ =	shalt  }
0x64: {  	_ =	shalt  }
0x65: {  	_ =	shalt  }
0x66: {  	_ =	shalt  }
0x67: {  	_ =	shalt  }
0x68: {  	_ =	shalt  }
0x69: {  	_ =	shalt  }
0x6a: {  	_ =	shalt  }
0x6b: {  	_ =	shalt  }
0x6c: {  	_ =	shalt  }
0x6d: {  	_ =	shalt  }
0x6e: {  	_ =	shalt  }
0x6f: {  	_ =	shalt  }
0x70: {  	_ =	shalt  }
0x71: {  	_ =	shalt  }
0x72: {  	_ =	shalt  }
0x73: {  	_ =	shalt  }
0x74: {  	_ =	shalt  }
0x75: {  	_ =	shalt  }
0x76: {  	_ =	shalt  }
0x77: {  	_ =	shalt  }
0x78: {  	_ =	shalt  }
0x79: {  	_ =	shalt  }
0x7a: {  	_ =	shalt  }
0x7b: {  	_ =	shalt  }
0x7c: {  	_ =	shalt  }
0x7d: {  	_ =	shalt  }
0x7e: {  	_ =	shalt  }
0x7f: {  	_ =	shalt  }
0x80: {  	_ =	shalt  }
0x81: {  	_ =	shalt  }
0x82: {  	_ =	shalt  }
0x83: {  	_ =	shalt  }
0x84: {  	_ =	shalt  }
0x85: {  	_ =	shalt  }
0x86: {  	_ =	shalt  }
0x87: {  	_ =	shalt  }
.Lfunc_end0:
.L_simem_size_0:
called_computation_lowered:
.L_overlay_start_0:
0x88: {  	s0 =	sld [smem:$0x3FD9]  }
0x89: {  	s1 =	sld [smem:$0x3FFE];
	_ =	sdelay $0x3  }
0x8a: {  	s0 =	sadd.s32 s1, s0  }
0x8b: {  	[smem:$0x3FC2] =	sst s0  }
0x8c: {  	_ = 	snop  }
0x8d: {  	s0 =	sld [smem:$0x3FD0];
	(tm) =	ssettm $0x1  }
0x8e: {  	s16 =	sld [smem:$0x3FFB];
	_ =	sdelay $0x3  }
0x8f: {  	_ =	strace s16  }
0x90: {  	s1 =	sld [smem:$0x3FFC];
	_ =	sdelay $0x3  }
0x91: {  	_ =	strace s1  }
0x92: {  	s1 =	sld [smem:$0x3FFD];
	_ =	sdelay $0x3  }
0x93: {  	_ =	strace s1  }
0x94: {  	_ =	strace $0x8FFFFFFF  }
0x95: {  	s17 =	sld [smem:$0x3FDB];
	_ =	sdelay $0x1  }
0x96: {  	s2 =	simm.s32 $_scs_section_size  }
0x97: {  	s3 =	simm.s32 $_size__tile_overlayer_lowered;
	s4 =	simm.s32 $_tile_overlayer_lowered  }
0x98: {  	s20 =	simm.s32 $0x1BFF;
	s19 =	sshll.u32 s4, $0x1;
	s1 =	sadd.s32 s2, s17  }
0x99: {  	s5 =	simm.s32 $0x0;
	s18 =	sshll.u32 s3, $0x1;
	s3 =	sadd.s32 s19, s1  }
0x9a: {  	[timem:s5], [sflag:s20] =	dma.local [hbm:s3], s18  }
0x9b: {  	_ =	swait.ge [sflag:s20], s18  }
0x9c: {  	s2 =	ssub.s32 $0x0, s18;
	[sflag:s20] =	ssyncset.done $0x0  }
0x9d: {  	[sflag:s20] =	ssyncadd.s32 s2;
	_ =	sdelay $0x1  }
0x9e: {  	s21 =	simm.s32 $0x1B8B  }
0x9f: {  	_ =	swait.ge [sflag:s21], $0x1  }
0xa0: {  	[sflag:s21] =	ssyncset.done $0x0  }
0xa1: {  	s23 =	simm.s32 $0x1B8E;
	s22 =	sld [smem:$0x3FFE];
	[sflag:s21] =	ssyncadd.s32 $0xFFFFFFFF  }
0xa2: {  	s24 =	simm.s32 $execute0_lowered;
	[smem:$0x3FD2] =	sst s23  }
0xa3: {  	s3 =	sshll.u32 s24, $0x1;
	_ =	strace $0x80000046;
	[dreg:$0x1] =	wrdreg $0xFFFFFFFF  }
0xa4: {  	s25 =	simm.s32 $_size_execute0_lowered;
	s1 =	sadd.s32 s1, s3;
	[dreg:$0x0] =	wrdreg $0x0  }
0xa5: {  	s3 =	sshll.u32 s25, $0x1;
	[dreg:$0x2] =	wrdreg s1  }
0xa6: {  	[dreg:$0x3] =	wrdreg s3  }
0xa7: {  	[dreg:$0x4] =	wrdreg $0xC0  }
0xa8: {  	_ =	task [dreg:s5], $0x5FFFF  }
0xa9: {  	[dreg:$0x1] =	wrdreg $0xFFFFFFFF  }
0xaa: {  	[dreg:$0x0] =	wrdreg $0x60  }
0xab: {  	[dreg:$0x2] =	wrdreg s22  }
0xac: {  	[dreg:$0x3] =	wrdreg s0  }
0xad: {  	[dreg:$0x4] =	wrdreg $0xA2800  }
0xae: {  	[dreg:$0x5] =	wrdreg $0x9  }
0xaf: {  	_ =	task.clear_ibuf [dreg:s5], $0x6FFFF;
	_ =	strace $0x90000046  }
0xb0: {  	s26 =	simm.s32 $0x9;
	_ =	strace $0x80000048  }
0xb1: {  	_ =	swait.ge [sflag:s26], $0x1  }
0xb2: {  	[sflag:s26] =	ssyncadd.s32 $0xFFFFFFFF  }
0xb3: {  	_ =	strace $0x90000048  }
0xb4: {  	_ =	sfence  }
0xb5: {  	s28 =	sld [smem:$0x0];
	_ =	sdelay $0x1  }
0xb6: {  	s29 =	srdreg.scid  }
0xb7: {  	s30 =	sshll.u32 s29, $0xD;
	s31 =	sshrl.u32 s29, $0x2  }
0xb8: {  	s2 =	sand.u32 $0x4000, s30;
	s1 =	sand.u32 $0x1, s29;
	s0 =	sadd.s32 s31, s28  }
0xb9: {  	s1 =	sor.u32 s2, s1;
	s0 =	sshll.u32 s0, $0x11  }
0xba: {  	s0 =	sor.u32 s0, s1  }
0xbb: {  	s0 =	sadd.s32 $0x8F2B, s0  }
0xbc: {  	[sflag:s0] =	ssyncadd.remote.s32 $0x1  }
0xbd: {  	_ =	sfence.sel $0xFFFF  }
0xbe: {  	[dreg:$0x0] =	wrdreg $0xFFFFFFFF;
	(pc) =	sbr.abs _section_cstart, $3  }
0xbf: {  	[dreg:$0x1] =	wrdreg $0xFFFFFFFF  }
0xc0: {  	_ =	task.clear_ibuf [dreg:s5], $0x2FFFF;
	_ =	strace $0x9FFFFFFF  }
0xc1: {  	(tm) =	ssettm $0x7FFFFFFF  }
tec
execute0_lowered:
.L_overlay_start_1:
0x0: {  	(tag) =	ssettag $0x1  }
0x1: {  	s3 =	rddreg [dreg:$0x0]  }
0x2: {  	s2 =	rddreg [dreg:$0x1];
	s0 =	stileid.u32  }
0x3: {  	s5 =	rddreg [dreg:$0x2];
	s4 =	smul.u32 $0xA00, s0  }
0x4: {  	s1 =	rddreg [dreg:$0x3];
	s6 =	simm.s32 $0x0  }
0x5: {  	[smem:$0x7FF] =	sst s6;
	s3 =	sadd.s32 s4, s3  }
0x6: {  	s31 =	simm.s32 $0x1;
	_ =	strace $0x80000047;
	s3 =	sadd.s32 $0x1200, s3  }
0x7: {  	[tilespmem:s6], [sflag:$0x1] =	stream.linear.gather [hbm4b:s3+s6], $0x5000, $0x38;
	[tilespmem:$0xCA80] =	vst v63  }
0x8: {  	_ =	swait.ge [sflag:s31], $0x5000  }
0x9: {  	[sflag:s31] =	ssyncset.done $0x0  }
0xa: {  	v0 =	vimm.f32 $0.0e+00;
	s4 =	simm.s32 $0x200;
	s3 =	simm.s32 $0x0;
	[sflag:s31] =	ssyncadd.s32 $0xFFFFB000  }
.LBB2_1:
0xb: {  	p0 =	sne.s32 s4, $0x9E00;
	[tilespmem:s3+$0x5070] =	vst v0  }
0xc: {  	[tilespmem:s3+$0x5000] =	vst v0  }
0xd: {  	[tilespmem:s3+$0x5010] =	vst v0  }
.Ltmp0:
0xe: {  	[tilespmem:s3+$0x5020] =	vst v0;
	(pc) =	sbr.rel @p0 .LBB2_1-.Ltmp0, $4  }
0xf: {  	[tilespmem:s3+$0x5030] =	vst v0  }
0x10: {  	[tilespmem:s3+$0x5040] =	vst v0  }
0x11: {  	[tilespmem:s3+$0x5050] =	vst v0  }
0x12: {  	[tilespmem:s3+$0x5060] =	vst v0;
	s3 =	sshra.s32 s4, $0x2;
	s4 =	sadd.s32 $0x200, s4  }
0x13: {  	[tilespmem:s3+$0x5070] =	vst v0  }
0x14: {  	[tilespmem:s3+$0x5000] =	vst v0  }
0x15: {  	[tilespmem:s3+$0x5010] =	vst v0  }
0x16: {  	[tilespmem:s3+$0x5020] =	vst v0  }
0x17: {  	[tilespmem:s3+$0x5030] =	vst v0  }
0x18: {  	[tilespmem:s3+$0x5040] =	vst v0  }
0x19: {  	[tilespmem:s3+$0x5050] =	vst v0  }
0x1a: {  	[tilespmem:s3+$0x5060] =	vst v0;
	s3 =	simm.s32 $0x0;
	v0 =	vimm.f32 $1.000000000e+00;
	s4 =	simm.s32 $0x5000  }
.LBB2_3:
0x1b: {  	s6 =	sshra.s32 s3, $0x2  }
0x1c: {  	v1 =	vld [tilespmem:s6+$0x0];
	_ =	sdelay $0x7  }
0x1d: {  	[tilespmem:v1+s4+$0x0] =	vst.idx.add.f32.msk $0xffff, v0  }
0x1e: {  	v1 =	vld [tilespmem:s6+$0x10];
	_ =	sdelay $0x7  }
0x1f: {  	[tilespmem:v1+s4+$0x0] =	vst.idx.add.f32.msk $0xffff, v0  }
0x20: {  	v1 =	vld [tilespmem:s6+$0x20];
	_ =	sdelay $0x7  }
0x21: {  	[tilespmem:v1+s4+$0x0] =	vst.idx.add.f32.msk $0xffff, v0  }
0x22: {  	v1 =	vld [tilespmem:s6+$0x30];
	_ =	sdelay $0x7  }
0x23: {  	[tilespmem:v1+s4+$0x0] =	vst.idx.add.f32.msk $0xffff, v0  }
0x24: {  	v1 =	vld [tilespmem:s6+$0x40];
	_ =	sdelay $0x7  }
0x25: {  	[tilespmem:v1+s4+$0x0] =	vst.idx.add.f32.msk $0xffff, v0  }
0x26: {  	v1 =	vld [tilespmem:s6+$0x50];
	_ =	sdelay $0x7  }
0x27: {  	[tilespmem:v1+s4+$0x0] =	vst.idx.add.f32.msk $0xffff, v0  }
0x28: {  	v1 =	vld [tilespmem:s6+$0x60];
	_ =	sdelay $0x7  }
0x29: {  	[tilespmem:v1+s4+$0x0] =	vst.idx.add.f32.msk $0xffff, v0  }
0x2a: {  	v1 =	vld [tilespmem:s6+$0x70];
	_ =	sdelay $0x2  }
0x2b: {  	p0 =	sne.s32 s3, $0x13E00  }
.Ltmp1:
0x2c: {  	_ = 	snop;
	(pc) =	sbr.rel @p0 .LBB2_3-.Ltmp1, $2  }
0x2d: {  	_ =	sdelay $0x2  }
0x2e: {  	s3 =	sadd.s32 $0x200, s3;
	[tilespmem:v1+s4+$0x0] =	vst.idx.add.f32.msk $0xffff, v0  }
0x2f: {  	s3 =	smul.u32 $0xA000, s0;
	_ =	sdelay $0x1  }
0x30: {  	s3 =	sshrl.u32 s3, $0x2  }
0x31: {  	s4 =	simm.s32 $0x5000;
	s3 =	sadd.s32 s3, s5  }
0x32: {  	[spmem:s3] =	stream.linear.scatter [tilespmem:s4], [sflag:$0x1], $0x2800, $0x38;
	[tilespmem:$0xCA80] =	vst v63  }
0x33: {  	s4 =	simm.s32 $0x1  }
0x34: {  	_ =	swait.ge [sflag:s4], $0x2800  }
0x35: {  	s3 =	smul.u32 $0x280, s0;
	[sflag:s4] =	ssyncset.done $0x0  }
0x36: {  	[sflag:s4] =	ssyncadd.s32 $0xFFFFD800  }
0x37: {  	s6 =	simm.s32 $0x7800;
	s5 =	sadd.s32 s3, s5;
	[bflag:$0x0] =	sbarrier.arrive $0xFFFF  }
0x38: {  	[tilespmem:s6], [sflag:$0x1] =	stream.linear.gather [spmem:s5], $0x280, $0x38;
	[tilespmem:$0xCA80] =	vst v63  }
0x39: {  	_ =	swait.ge [sflag:s4], $0x280  }
0x3a: {  	[sflag:s4] =	ssyncset.done $0x0  }
0x3b: {  	s7 =	simm.s32 $0x7A80;
	s26 =	sadd.s32 $0x2800, s5;
	[sflag:s4] =	ssyncadd.s32 $0xFFFFFD80  }
0x3c: {  	[tilespmem:s7], [sflag:$0x1] =	stream.linear.gather [spmem:s26], $0x280, $0x38;
	[tilespmem:$0xCA80] =	vst v63  }
0x3d: {  	_ =	swait.ge [sflag:s4], $0x280  }
0x3e: {  	[sflag:s4] =	ssyncset.done $0x0  }
0x3f: {  	s29 =	simm.s32 $0x7D00;
	s28 =	sadd.s32 $0x5000, s5;
	[sflag:s4] =	ssyncadd.s32 $0xFFFFFD80  }
0x40: {  	[tilespmem:s29], [sflag:$0x1] =	stream.linear.gather [spmem:s28], $0x280, $0x38;
	[tilespmem:$0xCA80] =	vst v63  }
0x41: {  	_ =	swait.ge [sflag:s4], $0x280  }
0x42: {  	[sflag:s4] =	ssyncset.done $0x0  }
0x43: {  	s31 =	simm.s32 $0x7F80;
	s30 =	sadd.s32 $0x7800, s5;
	[sflag:s4] =	ssyncadd.s32 $0xFFFFFD80  }
0x44: {  	[tilespmem:s31], [sflag:$0x1] =	stream.linear.gather [spmem:s30], $0x280, $0x38;
	[tilespmem:$0xCA80] =	vst v63  }
0x45: {  	_ =	swait.ge [sflag:s4], $0x280  }
0x46: {  	[sflag:s4] =	ssyncset.done $0x0  }
0x47: {  	s9 =	simm.s32 $0x8200;
	s8 =	sadd.s32 $0xA000, s5;
	[sflag:s4] =	ssyncadd.s32 $0xFFFFFD80  }
0x48: {  	[tilespmem:s9], [sflag:$0x1] =	stream.linear.gather [spmem:s8], $0x280, $0x38;
	[tilespmem:$0xCA80] =	vst v63  }
0x49: {  	_ =	swait.ge [sflag:s4], $0x280  }
0x4a: {  	[sflag:s4] =	ssyncset.done $0x0  }
0x4b: {  	s11 =	simm.s32 $0x8480;
	s10 =	sadd.s32 $0xC800, s5;
	[sflag:s4] =	ssyncadd.s32 $0xFFFFFD80  }
0x4c: {  	[tilespmem:s11], [sflag:$0x1] =	stream.linear.gather [spmem:s10], $0x280, $0x38;
	[tilespmem:$0xCA80] =	vst v63  }
0x4d: {  	_ =	swait.ge [sflag:s4], $0x280  }
0x4e: {  	[sflag:s4] =	ssyncset.done $0x0  }
0x4f: {  	s13 =	simm.s32 $0x8700;
	s12 =	sadd.s32 $0xF000, s5;
	[sflag:s4] =	ssyncadd.s32 $0xFFFFFD80  }
0x50: {  	[tilespmem:s13], [sflag:$0x1] =	stream.linear.gather [spmem:s12], $0x280, $0x38;
	[tilespmem:$0xCA80] =	vst v63  }
0x51: {  	_ =	swait.ge [sflag:s4], $0x280  }
0x52: {  	[sflag:s4] =	ssyncset.done $0x0  }
0x53: {  	s15 =	simm.s32 $0x8980;
	s14 =	sadd.s32 $0x11800, s5;
	[sflag:s4] =	ssyncadd.s32 $0xFFFFFD80  }
0x54: {  	[tilespmem:s15], [sflag:$0x1] =	stream.linear.gather [spmem:s14], $0x280, $0x38;
	[tilespmem:$0xCA80] =	vst v63  }
0x55: {  	_ =	swait.ge [sflag:s4], $0x280  }
0x56: {  	[sflag:s4] =	ssyncset.done $0x0  }
0x57: {  	s17 =	simm.s32 $0x8C00;
	s16 =	sadd.s32 $0x14000, s5;
	[sflag:s4] =	ssyncadd.s32 $0xFFFFFD80  }
0x58: {  	[tilespmem:s17], [sflag:$0x1] =	stream.linear.gather [spmem:s16], $0x280, $0x38;
	[tilespmem:$0xCA80] =	vst v63  }
0x59: {  	_ =	swait.ge [sflag:s4], $0x280  }
0x5a: {  	[sflag:s4] =	ssyncset.done $0x0  }
0x5b: {  	s19 =	simm.s32 $0x8E80;
	s18 =	sadd.s32 $0x16800, s5;
	[sflag:s4] =	ssyncadd.s32 $0xFFFFFD80  }
0x5c: {  	[tilespmem:s19], [sflag:$0x1] =	stream.linear.gather [spmem:s18], $0x280, $0x38;
	[tilespmem:$0xCA80] =	vst v63  }
0x5d: {  	_ =	swait.ge [sflag:s4], $0x280  }
0x5e: {  	[sflag:s4] =	ssyncset.done $0x0  }
0x5f: {  	s21 =	simm.s32 $0x9100;
	s20 =	sadd.s32 $0x19000, s5;
	[sflag:s4] =	ssyncadd.s32 $0xFFFFFD80  }
0x60: {  	[tilespmem:s21], [sflag:$0x1] =	stream.linear.gather [spmem:s20], $0x280, $0x38;
	[tilespmem:$0xCA80] =	vst v63  }
0x61: {  	_ =	swait.ge [sflag:s4], $0x280  }
0x62: {  	[sflag:s4] =	ssyncset.done $0x0  }
0x63: {  	s23 =	simm.s32 $0x9380;
	s22 =	sadd.s32 $0x1B800, s5;
	[sflag:s4] =	ssyncadd.s32 $0xFFFFFD80  }
0x64: {  	[tilespmem:s23], [sflag:$0x1] =	stream.linear.gather [spmem:s22], $0x280, $0x38;
	[tilespmem:$0xCA80] =	vst v63  }
0x65: {  	_ =	swait.ge [sflag:s4], $0x280  }
0x66: {  	[sflag:s4] =	ssyncset.done $0x0  }
0x67: {  	s25 =	simm.s32 $0x9600;
	s24 =	sadd.s32 $0x1E000, s5;
	[sflag:s4] =	ssyncadd.s32 $0xFFFFFD80  }
0x68: {  	[tilespmem:s25], [sflag:$0x1] =	stream.linear.gather [spmem:s24], $0x280, $0x38;
	[tilespmem:$0xCA80] =	vst v63  }
0x69: {  	_ =	swait.ge [sflag:s4], $0x280  }
0x6a: {  	[sflag:s4] =	ssyncset.done $0x0  }
0x6b: {  	s26 =	sadd.s32 $0x20800, s5;
	s28 =	simm.s32 $0x9880;
	[sflag:s4] =	ssyncadd.s32 $0xFFFFFD80  }
0x6c: {  	[tilespmem:s28], [sflag:$0x1] =	stream.linear.gather [spmem:s26], $0x280, $0x38;
	[tilespmem:$0xCA80] =	vst v63  }
0x6d: {  	_ =	swait.ge [sflag:s4], $0x280  }
0x6e: {  	[sflag:s4] =	ssyncset.done $0x0  }
0x6f: {  	s29 =	sadd.s32 $0x23000, s5;
	s30 =	simm.s32 $0x9B00;
	[sflag:s4] =	ssyncadd.s32 $0xFFFFFD80  }
0x70: {  	[tilespmem:s30], [sflag:$0x1] =	stream.linear.gather [spmem:s29], $0x280, $0x38;
	[tilespmem:$0xCA80] =	vst v63  }
0x71: {  	_ =	swait.ge [sflag:s4], $0x280  }
0x72: {  	[sflag:s4] =	ssyncset.done $0x0  }
0x73: {  	s5 =	sadd.s32 $0x25800, s5;
	s31 =	simm.s32 $0x9D80;
	[sflag:s4] =	ssyncadd.s32 $0xFFFFFD80  }
0x74: {  	[tilespmem:s31], [sflag:$0x1] =	stream.linear.gather [spmem:s5], $0x280, $0x38;
	[tilespmem:$0xCA80] =	vst v63  }
0x75: {  	_ =	swait.ge [sflag:s4], $0x280  }
0x76: {  	[sflag:s4] =	ssyncset.done $0x0  }
0x77: {  	s5 =	simm.s32 $0x0;
	[sflag:s4] =	ssyncadd.s32 $0xFFFFFD80  }
0x78: {  	v0 =	vld [tilespmem:s5+$0x7800]  }
0x79: {  	v1 =	vld [tilespmem:s5+$0x7A80];
	_ =	sdelay $0x1  }
0x7a: {  	v2 =	vld [tilespmem:s5+$0x7D00];
	_ =	sdelay $0x1  }
0x7b: {  	v3 =	vld [tilespmem:s5+$0x7F80]  }
0x7c: {  	v0 =	vadd.f32 v1, v0  }
0x7d: {  	v1 =	vld [tilespmem:s5+$0x8200]  }
0x7e: {  	v0 =	vadd.f32 v2, v0  }
0x7f: {  	v2 =	vld [tilespmem:s5+$0x8480]  }
0x80: {  	v0 =	vadd.f32 v3, v0  }
0x81: {  	v3 =	vld [tilespmem:s5+$0x8700]  }
0x82: {  	v0 =	vadd.f32 v1, v0  }
0x83: {  	v1 =	vld [tilespmem:s5+$0x8980]  }
0x84: {  	s4 =	simm.s32 $0x10;
	v4 =	vld [tilespmem:s5+$0x8C00];
	v0 =	vadd.f32 v2, v0  }
0x85: {  	v5 =	vld [tilespmem:s4+$0x7800]  }
0x86: {  	v2 =	vld [tilespmem:s5+$0x8E80];
	v0 =	vadd.f32 v3, v0  }
0x87: {  	v3 =	vld [tilespmem:s4+$0x7A80]  }
0x88: {  	v6 =	vld [tilespmem:s4+$0x7D00];
	v0 =	vadd.f32 v1, v0  }
0x89: {  	v1 =	vld [tilespmem:s5+$0x9100]  }
0x8a: {  	v7 =	vld [tilespmem:s4+$0x7F80];
	v0 =	vadd.f32 v4, v0  }
0x8b: {  	v4 =	vld [tilespmem:s5+$0x9380]  }
0x8c: {  	v3 =	vadd.f32 v3, v5;
	v5 =	vld [tilespmem:s4+$0x8200];
	v0 =	vadd.f32 v2, v0  }
0x8d: {  	v2 =	vld [tilespmem:s5+$0x9600]  }
0x8e: {  	v8 =	vld [tilespmem:s4+$0x8480];
	v3 =	vadd.f32 v6, v3;
	v0 =	vadd.f32 v1, v0  }
0x8f: {  	v6 =	vld [tilespmem:s5+$0x9880]  }
0x90: {  	v9 =	vld [tilespmem:s4+$0x8700];
	v1 =	vadd.f32 v7, v3;
	v0 =	vadd.f32 v4, v0  }
0x91: {  	v7 =	vld [tilespmem:s5+$0x9B00]  }
0x92: {  	v3 =	vld [tilespmem:s4+$0x8980];
	v4 =	vadd.f32 v5, v1;
	v2 =	vadd.f32 v2, v0  }
0x93: {  	v1 =	vld [tilespmem:s5+$0x9D80]  }
0x94: {  	v0 =	vld [tilespmem:s4+$0x8E80];
	v5 =	vadd.f32 v8, v4;
	v6 =	vadd.f32 v6, v2  }
0x95: {  	s6 =	simm.s32 $0x20;
	v4 =	vld [tilespmem:s4+$0x8C00]  }
0x96: {  	s7 =	simm.s32 $0xC0;
	v2 =	vld [tilespmem:s6+$0x7800];
	v5 =	vadd.f32 v9, v5;
	v6 =	vadd.f32 v7, v6  }
.LBB2_5:
0x97: {  	p0 =	sne.s32 s7, $0x9C0;
	v7 =	vld [tilespmem:s6+$0x7A80]  }
0x98: {  	v3 =	vadd.f32 v3, v5;
	v5 =	vld [tilespmem:s4+$0x9100];
	v1 =	vadd.f32 v1, v6  }
0x99: {  	v6 =	vld [tilespmem:s6+$0x7D00]  }
0x9a: {  	v3 =	vadd.f32 v4, v3;
	v4 =	vld [tilespmem:s4+$0x9380];
	v1 =	vadd.f32 $1.000000000e+00, v1  }
0x9b: {  	v8 =	vld [tilespmem:s6+$0x7F80]  }
0x9c: {  	v2 =	vadd.f32 v7, v2;
	v0 =	vadd.f32 v0, v3;
	v3 =	vld [tilespmem:s4+$0x9600];
	[tilespmem:s5+$0xA000] =	vst v1;
	s5 =	smov.u32 s4;
	s4 =	smov.u32 s6  }
0x9d: {  	v1 =	vld [tilespmem:s4+$0x8200]  }
0x9e: {  	v2 =	vadd.f32 v6, v2;
	v0 =	vadd.f32 v5, v0;
	v5 =	vld [tilespmem:s5+$0x9880]  }
0x9f: {  	v6 =	vld [tilespmem:s4+$0x8480]  }
0xa0: {  	v2 =	vadd.f32 v8, v2;
	v0 =	vadd.f32 v4, v0;
	v7 =	vld [tilespmem:s5+$0x9B00]  }
0xa1: {  	v8 =	vld [tilespmem:s4+$0x8700]  }
.Ltmp2:
0xa2: {  	v2 =	vadd.f32 v1, v2;
	v4 =	vadd.f32 v3, v0;
	v1 =	vld [tilespmem:s5+$0x9D80];
	(pc) =	sbr.rel @p0 .LBB2_5-.Ltmp2, $4  }
0xa3: {  	v3 =	vld [tilespmem:s4+$0x8980]  }
0xa4: {  	v6 =	vadd.f32 v6, v2;
	v0 =	vld [tilespmem:s4+$0x8E80];
	v9 =	vadd.f32 v5, v4  }
0xa5: {  	s6 =	sshra.s32 s7, $0x2;
	v4 =	vld [tilespmem:s4+$0x8C00]  }
0xa6: {  	s7 =	sadd.s32 $0x40, s7;
	v2 =	vld [tilespmem:s6+$0x7800];
	v5 =	vadd.f32 v8, v6;
	v6 =	vadd.f32 v7, v9  }
0xa7: {  	v7 =	vld [tilespmem:s6+$0x7A80]  }
0xa8: {  	v8 =	vld [tilespmem:s4+$0x9100];
	v1 =	vadd.f32 v1, v6  }
0xa9: {  	v47 =	vld [tilespmem:s6+$0x7D00]  }
0xaa: {  	v9 =	vld [tilespmem:s4+$0x9380];
	v3 =	vadd.f32 v3, v5;
	v1 =	vadd.f32 $1.000000000e+00, v1  }
0xab: {  	v48 =	vld [tilespmem:s6+$0x7F80]  }
0xac: {  	v10 =	vld [tilespmem:s4+$0x9600];
	v3 =	vadd.f32 v4, v3;
	v2 =	vadd.f32 v7, v2;
	[tilespmem:s5+$0xA000] =	vst v1  }
0xad: {  	v1 =	vld [tilespmem:s6+$0x8200]  }
0xae: {  	v0 =	vadd.f32 v0, v3;
	v2 =	vadd.f32 v47, v2  }
0xaf: {  	v49 =	vld [tilespmem:s6+$0x8480]  }
0xb0: {  	v50 =	vld [tilespmem:s4+$0x9880];
	v0 =	vadd.f32 v8, v0;
	v2 =	vadd.f32 v48, v2  }
0xb1: {  	v51 =	vld [tilespmem:s6+$0x8700]  }
0xb2: {  	v52 =	vld [tilespmem:s4+$0x9B00];
	v0 =	vadd.f32 v9, v0;
	v1 =	vadd.f32 v1, v2  }
0xb3: {  	v53 =	vld [tilespmem:s6+$0x8980]  }
0xb4: {  	v54 =	vld [tilespmem:s4+$0x9D80];
	v0 =	vadd.f32 v10, v0;
	v1 =	vadd.f32 v49, v1  }
0xb5: {  	v55 =	vld [tilespmem:s6+$0x8C00]  }
0xb6: {  	v0 =	vadd.f32 v50, v0;
	v1 =	vadd.f32 v51, v1  }
0xb7: {  	v56 =	vld [tilespmem:s6+$0x8E80]  }
0xb8: {  	v0 =	vadd.f32 v52, v0;
	v1 =	vadd.f32 v53, v1  }
0xb9: {  	v57 =	vld [tilespmem:s6+$0x9100]  }
0xba: {  	v0 =	vadd.f32 v54, v0;
	v1 =	vadd.f32 v55, v1  }
0xbb: {  	v58 =	vld [tilespmem:s6+$0x9380]  }
0xbc: {  	v0 =	vadd.f32 $1.000000000e+00, v0;
	v1 =	vadd.f32 v56, v1  }
0xbd: {  	v59 =	vld [tilespmem:s6+$0x9600]  }
0xbe: {  	[tilespmem:s4+$0xA000] =	vst v0;
	v60 =	vadd.f32 v57, v1  }
0xbf: {  	v61 =	vld [tilespmem:s6+$0x9880]  }
0xc0: {  	v0 =	vadd.f32 v58, v60  }
0xc1: {  	v62 =	vld [tilespmem:s6+$0x9B00]  }
0xc2: {  	v0 =	vadd.f32 v59, v0  }
0xc3: {  	v63 =	vld [tilespmem:s6+$0x9D80]  }
0xc4: {  	v0 =	vadd.f32 v61, v0;
	_ =	sdelay $0x1  }
0xc5: {  	v0 =	vadd.f32 v62, v0;
	_ =	sdelay $0x1  }
0xc6: {  	v0 =	vadd.f32 v63, v0;
	_ =	sdelay $0x1  }
0xc7: {  	v0 =	vadd.f32 $1.000000000e+00, v0  }
0xc8: {  	s3 =	sshrl.u32 s3, $0x3;
	s29 =	simm.s32 $0x0  }
0xc9: {  	s30 =	simm.s32 $0xA000;
	s31 =	simm.s32 $0x1;
	s2 =	sadd.s32 s2, s3;
	[tilespmem:s6+$0xA000] =	vst v0  }
0xca: {  	[hbm4b:s2+s29] =	stream.linear.scatter [tilespmem:s30], [sflag:$0x1], $0x280, $0x38;
	[tilespmem:$0xCA80] =	vst v63  }
0xcb: {  	_ =	swait.ge [sflag:s31], $0x280  }
0xcc: {  	[sflag:s31] =	ssyncset.done $0x0  }
0xcd: {  	[sflag:s31] =	ssyncadd.s32 $0xFFFFFD80  }
0xce: {  	_ =	sfence.sel $0x180000  }
0xcf: {  	[bflag:$0x0] =	sbarrier.arrive $0xFFFF  }
0xd0: {  	p0 =	sne.s32 s0, $0x0;
	_ =	strace $0x90000047  }
0xd1: {  	s0 =	sadd.s32 @!p0 $0x100000, s1;
	[bflag:$0x2] =	sbarrier.arrive $0xFFFF  }
0xd2: {  	[sflag:s0] =	ssyncadd.tile.s32 @!p0 $0x1;
	_ =	shalt  }
.Lfunc_end2:
_tile_overlayer_lowered:
.L_overlay_start_2:
0xd3: {  	(tag) =	ssettag $0x2  }
0xd4: {  	s0 =	rddreg [dreg:$0x0];
	s2 =	stileid.u32  }
0xd5: {  	s1 =	rddreg [dreg:$0x1];
	p0 =	sne.s32 s2, $0x0  }
0xd6: {  	s3 =	rddreg [dreg:$0x2];
	[bflag:$0x3] =	sbarrier.arrive $0xFFFF;
	s2 =	simm.s32 @!p0 $0x1C01  }
0xd7: {  	[timem:s3], [sflag:s2] =	dma.local @!p0 [hbm:s0], s1  }
0xd8: {  	s0 =	simm.s32 @!p0 $0x1  }
0xd9: {  	_ =	swait.ge @!p0 [sflag:s0], s1  }
0xda: {  	s1 =	ssub.s32 @!p0 $0x0, s1;
	[sflag:s0] =	ssyncset.done @!p0 $0x0  }
0xdb: {  	[sflag:s0] =	ssyncadd.s32 @!p0 s1  }
0xdc: {  	[bflag:$0x3] =	sbarrier.arrive $0xFFFF  }
0xdd: {  	_ =	shalt  }

// kernel: kernel.9.cloned.1.call-start
scs
__scs_entry_jumppad:
0x0: {  	(pc) =	sbr.rel $0x88, $3  }
0x1: {  	(tag) =	ssettag $0x0;
	lr =	simm.s32 $0x1  }
0x2: {  	[smem:$0x3F9B] =	sst lr;
	_ =	strace $0xD0000000  }
0x3: {  	_ = 	snop  }
0x4: {  	_ = 	snop  }
0x5: {  	_ = 	snop  }
0x6: {  	_ = 	snop  }
0x7: {  	_ = 	snop  }
__scs_overlays_trampoline_lowered:
0x8: {  	[smem:$0x3FAA] =	sst s0  }
0x9: {  	[smem:$0x3FAB] =	sst s1  }
0xa: {  	[smem:$0x3FAC] =	sst s2  }
0xb: {  	[smem:$0x3FAD] =	sst s3  }
0xc: {  	[smem:$0x3FAE] =	sst s4  }
0xd: {  	[smem:$0x3FAF] =	sst s5  }
0xe: {  	[smem:$0x3FB0] =	sst s6  }
0xf: {  	[smem:$0x3FB1] =	sst s7  }
0x10: {  	[smem:$0x3FB2] =	sst s8  }
0x11: {  	[smem:$0x3FB3] =	sst s9;
	s0 =	simm.s32 @!p0 $0x0  }
0x12: {  	s1 =	sld [smem:$0x3F99];
	s0 =	simm.s32 @p0 $0x1  }
0x13: {  	[smem:$0x3FB4] =	sst s0;
	s0 =	simm.s32 @!p1 $0x0  }
0x14: {  	s2 =	sld [smem:$0x3F98];
	s0 =	simm.s32 @p1 $0x1  }
0x15: {  	[smem:$0x3FB5] =	sst s0;
	s0 =	simm.s32 @!p2 $0x0  }
0x16: {  	s3 =	sld [smem:$0x3FDB];
	s0 =	simm.s32 @p2 $0x1  }
0x17: {  	s4 =	simm.s32 $0x1BF5;
	[smem:$0x3FB7] =	sst s0  }
0x18: {  	s0 =	sld [smem:$0x3F9A];
	_ =	swait.ge [sflag:s4], $0x0  }
0x19: {  	s7 =	sld [smem:$0x3F9B]  }
0x1a: {  	s8 =	sadd.s32 $0xFFFFE003, lr  }
0x1b: {  	s9 =	sadd.s32 $0xFFFFFEF7, lr;
	s5 =	simm.s32 $0xFFFFFFFF;
	p2 =	slt.u32 s8, $0xFFFFF086  }
0x1c: {  	p1 =	slt.u32 s9, $0xF7A;
	s5 =	simm.s32 @!p2 $0x0  }
0x1d: {  	s5 =	simm.s32 @p1 $0x1;
	p0 =	seq.s32 s7, s2  }
0x1e: {  	s7 =	smul.u32 @!p0 $0xF7A, s2;
	p2 =	seq.s32 @!p0 s5, $0x0  }
0x1f: {  	s9 =	smul.u32 $0xF7A, s1;
	s8 =	simm.s32 @!p0 $0x1BF5;
	p2 =	por !p2, p0  }
0x20: {  	[sflag:s8] =	ssyncset.s32 @!p0 $0xFFFFF086;
	s6 =	sadd.s32 @!p0 s3, s7;
	s7 =	simm.s32 @!p0 $0x108  }
0x21: {  	s3 =	sadd.s32 s3, s9;
	s6 =	sadd.s32 @!p0 $0x88, s6;
	s7 =	simm.s32 @p2 $0x1082  }
0x22: {  	[simem:s7], [sflag:s8] =	dma.local @!p0 [hbm:s6], $0xF7A  }
0x23: {  	s9 =	sor.u32 $0xD0000000, s2;
	s6 =	simm.s32 $0x108;
	_ =	swait.ge @!p0 [sflag:s8], $0x0  }
0x24: {  	s3 =	sadd.s32 $0x88, s3;
	s6 =	simm.s32 @!p1 $0x1082;
	[sflag:s4] =	ssyncset.s32 $0xFFFFF086  }
0x25: {  	[simem:s6], [sflag:s4] =	dma.local [hbm:s3], $0xF7A  }
0x26: {  	[smem:$0x3F9B] =	sst s1;
	(tag) =	ssettag s2;
	_ =	strace s9  }
0x27: {  	s1 =	sld [smem:$0x3FAB]  }
0x28: {  	s2 =	sld [smem:$0x3FAC]  }
0x29: {  	s4 =	sld [smem:$0x3FAE]  }
0x2a: {  	p0 =	seq.s32 s5, $0x0;
	s5 =	sld [smem:$0x3FAF]  }
0x2b: {  	s6 =	sld [smem:$0x3FB0]  }
0x2c: {  	s7 =	sld [smem:$0x3FB1]  }
0x2d: {  	s3 =	simm.s32 $0x108;
	s8 =	sld [smem:$0x3FB2]  }
0x2e: {  	s3 =	simm.s32 @!p0 $0x1082;
	s9 =	sld [smem:$0x3FB3]  }
0x2f: {  	lr =	sadd.s32 s0, s3;
	s0 =	sld [smem:$0x3FAA]  }
0x30: {  	s3 =	sld [smem:$0x3FAD]  }
0x31: {  	[smem:$0x3FB6] =	sst s10  }
0x32: {  	s10 =	sld [smem:$0x3FB4];
	_ =	sdelay $0x3  }
0x33: {  	p0 =	seq.s32 s10, $0x1;
	s10 =	sld [smem:$0x3FB6];
	_ =	sdelay $0x3  }
0x34: {  	[smem:$0x3FB6] =	sst s10  }
0x35: {  	s10 =	sld [smem:$0x3FB5];
	_ =	sdelay $0x3  }
0x36: {  	p1 =	seq.s32 s10, $0x1;
	s10 =	sld [smem:$0x3FB6];
	_ =	sdelay $0x3  }
0x37: {  	[smem:$0x3FB6] =	sst s10  }
0x38: {  	s10 =	sld [smem:$0x3FB7]  }
0x39: {  	_ = 	snop;
	(pc) =	sbr.ind lr, $3  }
0x3a: {  	_ = 	snop  }
0x3b: {  	_ = 	snop  }
0x3c: {  	p2 =	seq.s32 s10, $0x1;
	s10 =	sld [smem:$0x3FB6]  }
0x3d: {  	_ =	shalt  }
0x3e: {  	_ =	shalt  }
0x3f: {  	_ =	shalt  }
0x40: {  	_ =	shalt  }
0x41: {  	_ =	shalt  }
0x42: {  	_ =	shalt  }
0x43: {  	_ =	shalt  }
0x44: {  	_ =	shalt  }
0x45: {  	_ =	shalt  }
0x46: {  	_ =	shalt  }
0x47: {  	_ =	shalt  }
0x48: {  	_ =	shalt  }
0x49: {  	_ =	shalt  }
0x4a: {  	_ =	shalt  }
0x4b: {  	_ =	shalt  }
0x4c: {  	_ =	shalt  }
0x4d: {  	_ =	shalt  }
0x4e: {  	_ =	shalt  }
0x4f: {  	_ =	shalt  }
0x50: {  	_ =	shalt  }
0x51: {  	_ =	shalt  }
0x52: {  	_ =	shalt  }
0x53: {  	_ =	shalt  }
0x54: {  	_ =	shalt  }
0x55: {  	_ =	shalt  }
0x56: {  	_ =	shalt  }
0x57: {  	_ =	shalt  }
0x58: {  	_ =	shalt  }
0x59: {  	_ =	shalt  }
0x5a: {  	_ =	shalt  }
0x5b: {  	_ =	shalt  }
0x5c: {  	_ =	shalt  }
0x5d: {  	_ =	shalt  }
0x5e: {  	_ =	shalt  }
0x5f: {  	_ =	shalt  }
0x60: {  	_ =	shalt  }
0x61: {  	_ =	shalt  }
0x62: {  	_ =	shalt  }
0x63: {  	_ =	shalt  }
0x64: {  	_ =	shalt  }
0x65: {  	_ =	shalt  }
0x66: {  	_ =	shalt  }
0x67: {  	_ =	shalt  }
0x68: {  	_ =	shalt  }
0x69: {  	_ =	shalt  }
0x6a: {  	_ =	shalt  }
0x6b: {  	_ =	shalt  }
0x6c: {  	_ =	shalt  }
0x6d: {  	_ =	shalt  }
0x6e: {  	_ =	shalt  }
0x6f: {  	_ =	shalt  }
0x70: {  	_ =	shalt  }
0x71: {  	_ =	shalt  }
0x72: {  	_ =	shalt  }
0x73: {  	_ =	shalt  }
0x74: {  	_ =	shalt  }
0x75: {  	_ =	shalt  }
0x76: {  	_ =	shalt  }
0x77: {  	_ =	shalt  }
0x78: {  	_ =	shalt  }
0x79: {  	_ =	shalt  }
0x7a: {  	_ =	shalt  }
0x7b: {  	_ =	shalt  }
0x7c: {  	_ =	shalt  }
0x7d: {  	_ =	shalt  }
0x7e: {  	_ =	shalt  }
0x7f: {  	_ =	shalt  }
0x80: {  	_ =	shalt  }
0x81: {  	_ =	shalt  }
0x82: {  	_ =	shalt  }
0x83: {  	_ =	shalt  }
0x84: {  	_ =	shalt  }
0x85: {  	_ =	shalt  }
0x86: {  	_ =	shalt  }
0x87: {  	_ =	shalt  }
.Lfunc_end0:
.L_simem_size_0:
called_computation.1_lowered:
.L_overlay_start_0:
0x88: {  	s0 =	sld [smem:$0x3FD9]  }
0x89: {  	s1 =	sld [smem:$0x3FFE];
	_ =	sdelay $0x3  }
0x8a: {  	s0 =	sadd.s32 s1, s0  }
0x8b: {  	[smem:$0x3FC2] =	sst s0  }
0x8c: {  	_ = 	snop  }
0x8d: {  	s0 =	sld [smem:$0x3FD0];
	(tm) =	ssettm $0x1  }
0x8e: {  	s16 =	sld [smem:$0x3FFB];
	_ =	sdelay $0x3  }
0x8f: {  	_ =	strace s16  }
0x90: {  	s1 =	sld [smem:$0x3FFC];
	_ =	sdelay $0x3  }
0x91: {  	_ =	strace s1  }
0x92: {  	s1 =	sld [smem:$0x3FFD];
	_ =	sdelay $0x3  }
0x93: {  	_ =	strace s1  }
0x94: {  	_ =	strace $0x8FFFFFFF  }
0x95: {  	s17 =	sld [smem:$0x3FDB];
	_ =	sdelay $0x1  }
0x96: {  	s2 =	simm.s32 $_scs_section_size  }
0x97: {  	s3 =	simm.s32 $_size__tile_overlayer_lowered;
	s4 =	simm.s32 $_tile_overlayer_lowered  }
0x98: {  	s20 =	simm.s32 $0x1BFF;
	s19 =	sshll.u32 s4, $0x1;
	s1 =	sadd.s32 s2, s17  }
0x99: {  	s5 =	simm.s32 $0x0;
	s18 =	sshll.u32 s3, $0x1;
	s3 =	sadd.s32 s19, s1  }
0x9a: {  	[timem:s5], [sflag:s20] =	dma.local [hbm:s3], s18  }
0x9b: {  	_ =	swait.ge [sflag:s20], s18  }
0x9c: {  	s2 =	ssub.s32 $0x0, s18;
	[sflag:s20] =	ssyncset.done $0x0  }
0x9d: {  	[sflag:s20] =	ssyncadd.s32 s2;
	_ =	sdelay $0x1  }
0x9e: {  	s21 =	simm.s32 $0x1B8B  }
0x9f: {  	_ =	swait.ge [sflag:s21], $0x1  }
0xa0: {  	[sflag:s21] =	ssyncset.done $0x0  }
0xa1: {  	s23 =	simm.s32 $0x1B8E;
	s22 =	sld [smem:$0x3FFE];
	[sflag:s21] =	ssyncadd.s32 $0xFFFFFFFF  }
0xa2: {  	s24 =	simm.s32 $execute0_lowered;
	[smem:$0x3FD2] =	sst s23  }
0xa3: {  	s3 =	sshll.u32 s24, $0x1;
	_ =	strace $0x80000049;
	[dreg:$0x1] =	wrdreg $0xFFFFFFFF  }
0xa4: {  	s25 =	simm.s32 $_size_execute0_lowered;
	s1 =	sadd.s32 s1, s3;
	[dreg:$0x0] =	wrdreg $0x0  }
0xa5: {  	s3 =	sshll.u32 s25, $0x1;
	[dreg:$0x2] =	wrdreg s1  }
0xa6: {  	[dreg:$0x3] =	wrdreg s3  }
0xa7: {  	[dreg:$0x4] =	wrdreg $0xC0  }
0xa8: {  	_ =	task [dreg:s5], $0x5FFFF  }
0xa9: {  	[dreg:$0x1] =	wrdreg $0xFFFFFFFF  }
0xaa: {  	[dreg:$0x0] =	wrdreg $0x60  }
0xab: {  	[dreg:$0x2] =	wrdreg s22  }
0xac: {  	[dreg:$0x3] =	wrdreg s0  }
0xad: {  	[dreg:$0x4] =	wrdreg $0x190800  }
0xae: {  	[dreg:$0x5] =	wrdreg $0x168800  }
0xaf: {  	[dreg:$0x6] =	wrdreg $0x9  }
0xb0: {  	_ =	task.clear_ibuf [dreg:s5], $0x7FFFF;
	_ =	strace $0x90000049  }
0xb1: {  	s26 =	simm.s32 $0x9;
	_ =	strace $0x8000004B  }
0xb2: {  	_ =	swait.ge [sflag:s26], $0x1  }
0xb3: {  	[sflag:s26] =	ssyncadd.s32 $0xFFFFFFFF  }
0xb4: {  	_ =	strace $0x9000004B  }
0xb5: {  	_ =	sfence  }
0xb6: {  	s28 =	sld [smem:$0x0];
	_ =	sdelay $0x1  }
0xb7: {  	s29 =	srdreg.scid  }
0xb8: {  	s30 =	sshll.u32 s29, $0xD;
	s31 =	sshrl.u32 s29, $0x2  }
0xb9: {  	s2 =	sand.u32 $0x4000, s30;
	s1 =	sand.u32 $0x1, s29;
	s0 =	sadd.s32 s31, s28  }
0xba: {  	s1 =	sor.u32 s2, s1;
	s0 =	sshll.u32 s0, $0x11  }
0xbb: {  	s0 =	sor.u32 s0, s1  }
0xbc: {  	s0 =	sadd.s32 $0x8F2B, s0  }
0xbd: {  	[sflag:s0] =	ssyncadd.remote.s32 $0x1  }
0xbe: {  	_ =	sfence.sel $0xFFFF  }
0xbf: {  	[dreg:$0x0] =	wrdreg $0xFFFFFFFF;
	(pc) =	sbr.abs _section_cstart, $3  }
0xc0: {  	[dreg:$0x1] =	wrdreg $0xFFFFFFFF  }
0xc1: {  	_ =	task.clear_ibuf [dreg:s5], $0x2FFFF;
	_ =	strace $0x9FFFFFFF  }
0xc2: {  	(tm) =	ssettm $0x7FFFFFFF  }
0xc3: {  	_ =	shalt  }
tec
execute0_lowered:
.L_overlay_start_1:
0x0: {  	(tag) =	ssettag $0x1  }
0x1: {  	s5 =	rddreg [dreg:$0x0]  }
0x2: {  	s7 =	rddreg [dreg:$0x1]  }
0x3: {  	s2 =	rddreg [dreg:$0x2];
	s0 =	stileid.u32  }
0x4: {  	s3 =	rddreg [dreg:$0x3];
	s4 =	smul.u32 $0xA20, s0  }
0x5: {  	s1 =	rddreg [dreg:$0x4];
	s8 =	simm.s32 $0x0  }
0x6: {  	s9 =	simm.s32 $0x2;
	[smem:$0x7FF] =	sst s8;
	s4 =	sadd.s32 s4, s5  }
0x7: {  	s28 =	smul.u32 $0xA00, s0;
	_ =	strace $0x8000004A;
	s4 =	sadd.s32 $0xB200, s4  }
0x8: {  	[tilespmem:s8], [sflag:$0x2] =	stream.linear.gather [hbm4b:s4+s8], $0x5100, $0x38;
	[tilespmem:$0x1B880] =	vst v63  }
0x9: {  	_ =	swait.ge [sflag:s9], $0x5100  }
0xa: {  	s10 =	simm.s32 $0x5100;
	s4 =	sadd.s32 s28, s5;
	[sflag:s9] =	ssyncset.done $0x0  }
0xb: {  	s6 =	smul.u32 $0x2800, s0;
	s4 =	sadd.s32 $0x1200, s4;
	[sflag:s9] =	ssyncadd.s32 $0xFFFFAF00  }
0xc: {  	[tilespmem:s10], [sflag:$0x2] =	stream.linear.gather [hbm4b:s4+s8], $0x5000, $0x38;
	[tilespmem:$0x1B880] =	vst v63  }
0xd: {  	s4 =	sshrl.u32 s6, $0x3;
	_ =	swait.ge [sflag:s9], $0x5000  }
0xe: {  	s29 =	sadd.s32 s4, s5;
	[sflag:s9] =	ssyncset.done $0x0  }
0xf: {  	s11 =	simm.s32 $0xC900;
	s10 =	sadd.s32 $0x15400, s29;
	[sflag:s9] =	ssyncadd.s32 $0xFFFFB000  }
0x10: {  	[tilespmem:s11], [sflag:$0x2] =	stream.linear.gather [hbm4b:s10+s8], $0x2800, $0x38;
	[tilespmem:$0x1B880] =	vst v63  }
0x11: {  	s30 =	smul.u32 $0x50, s0;
	_ =	swait.ge [sflag:s9], $0x2800  }
0x12: {  	[sflag:s9] =	ssyncset.done $0x0  }
0x13: {  	s31 =	simm.s32 $0x16100;
	s7 =	sadd.s32 s7, s30;
	[sflag:s9] =	ssyncadd.s32 $0xFFFFD800  }
0x14: {  	[tilespmem:s31], [sflag:$0x2] =	stream.linear.gather [hbm4b:s7+s8], $0x280, $0x38;
	[tilespmem:$0x1B880] =	vst v63  }
0x15: {  	_ =	swait.ge [sflag:s9], $0x280  }
0x16: {  	[sflag:s9] =	ssyncset.done $0x0  }
0x17: {  	[sflag:s9] =	ssyncadd.s32 $0xFFFFFD80;
	s9 =	simm.s32 $0x0  }
0x18: {  	v1 =	vld [tilespmem:s9+$0x16100];
	_ =	sdelay $0x4  }
0x19: {  	v0 =	vshrl.u32 v1, $0x1;
	v4 =	vmul.f32 $5.000000000e-01, v1  }
0x1a: {  	s7 =	simm.s32 $0x10;
	v2 =	vsub.s32 $0x5F3759DF, v0  }
0x1b: {  	v3 =	vld [tilespmem:s7+$0x16100];
	v0 =	vmul.f32 v2, v4;
	_ =	sdelay $0x1  }
0x1c: {  	v0 =	vmul.f32 v2, v0;
	_ =	sdelay $0x1  }
0x1d: {  	v5 =	vsub.f32 $1.500000000e+00, v0  }
0x1e: {  	s8 =	simm.s32 $0x20;
	v6 =	vshrl.u32 v3, $0x1;
	v0 =	vmul.f32 $5.000000000e-01, v3  }
0x1f: {  	v7 =	vld [tilespmem:s8+$0x16100];
	v6 =	vsub.s32 $0x5F3759DF, v6;
	v5 =	vmul.f32 v2, v5  }
0x20: {  	v2 =	vmul.f32 v6, v0  }
0x21: {  	(erf) = vrcp.f32 v1;
	v1 =	vmul.f32 v5, v4  }
0x22: {  	v2 =	vmul.f32 v6, v2  }
0x23: {  	(erf) = vrcp.f32 v3;
	v8 =	vmul.f32 v1, v5  }
0x24: {  	v3 =	vshrl.u32 v7, $0x1;
	v2 =	vsub.f32 $1.500000000e+00, v2;
	v1 =	vmul.f32 $5.000000000e-01, v7  }
0x25: {  	v9 =	vsub.s32 $0x5F3759DF, v3;
	v8 =	vsub.f32 $1.500000000e+00, v8  }
0x26: {  	s10 =	simm.s32 $0x30;
	v2 =	vmul.f32 v6, v2;
	v10 =	vmul.f32 v9, v1  }
0x27: {  	v6 =	vld [tilespmem:s10+$0x16100];
	v3 =	vmul.f32 v8, v5  }
0x28: {  	v5 =	vmul.f32 v2, v0  }
0x29: {  	v8 =	vmul.f32 v9, v10;
	v4 =	vmul.f32 v3, v4  }
0x2a: {  	v10 =	vpop (erf);
	(erf) = vrcp.f32 v7;
	v7 =	vmul.f32 v5, v2  }
0x2b: {  	v11 =	vsub.f32 $1.500000000e+00, v8;
	v13 =	vmul.f32 $8.999999760e-01, v10;
	v12 =	vmul.f32 v4, v3  }
0x2c: {  	v10 =	vshrl.u32 v6, $0x1;
	v5 =	vmul.f32 $5.000000000e-01, v6;
	v8 =	vsub.f32 $1.500000000e+00, v7  }
0x2d: {  	s12 =	simm.s32 $0x140;
	s5 =	sadd.s32 $0x1A400, s5;
	s11 =	simm.s32 $0x40;
	v7 =	vsub.s32 $0x5F3759DF, v10;
	v9 =	vmul.f32 v9, v11;
	[tilespmem:s9+$0x16600] =	vst v13;
	v4 =	vpop (erf);
	v10 =	vsub.f32 $1.500000000e+00, v12  }
.LBB2_1:
0x2e: {  	p0 =	sne.s32 s12, $0x9C0;
	v11 =	vld [tilespmem:s11+$0x16100];
	v12 =	vmul.f32 v7, v5;
	v8 =	vmul.f32 v8, v2  }
0x2f: {  	v13 =	vmul.f32 v9, v1;
	v10 =	vmul.f32 v10, v3;
	v2 =	vmov v9  }
.Ltmp0:
0x30: {  	v9 =	vmul.f32 v7, v12;
	v12 =	vmul.f32 v8, v0;
	v3 =	vmovc v8;
	v0 =	vmovc v1;
	v1 =	vmov v5;
	(pc) =	sbr.rel @p0 .LBB2_1-.Ltmp0, $4  }
0x31: {  	(erf) = vrcp.f32 v6;
	v14 =	vmul.f32 v13, v2;
	[tilespmem:s9+$0x16380] =	vst v10;
	s9 =	smov.u32 s7;
	s7 =	smov.u32 s8;
	s8 =	smov.u32 s10  }
0x32: {  	s10 =	smov.u32 s11;
	v9 =	vsub.f32 $1.500000000e+00, v9;
	v10 =	vmul.f32 v12, v3;
	v12 =	vmul.f32 $8.999999760e-01, v4  }
0x33: {  	v13 =	vshrl.u32 v11, $0x1;
	v5 =	vmul.f32 $5.000000000e-01, v11;
	v8 =	vsub.f32 $1.500000000e+00, v14;
	v4 =	vpop (erf)  }
0x34: {  	s11 =	sshra.s32 s12, $0x2;
	s12 =	sadd.s32 $0x40, s12;
	v6 =	vmovc v11;
	v9 =	vmul.f32 v7, v9;
	v7 =	vsub.s32 $0x5F3759DF, v13;
	v10 =	vsub.f32 $1.500000000e+00, v10;
	[tilespmem:s9+$0x16600] =	vst v12  }
0x35: {  	v11 =	vld [tilespmem:s11+$0x16100];
	_ =	sdelay $0x4  }
0x36: {  	v12 =	vmul.f32 v7, v5;
	v13 =	vshrl.u32 v11, $0x1;
	v14 =	vmul.f32 $5.000000000e-01, v11  }
0x37: {  	v13 =	vsub.s32 $0x5F3759DF, v13  }
0x38: {  	v12 =	vmul.f32 v7, v12;
	v15 =	vmul.f32 v13, v14;
	_ =	sdelay $0x1  }
0x39: {  	v12 =	vsub.f32 $1.500000000e+00, v12;
	v15 =	vmul.f32 v13, v15  }
0x3a: {  	v16 =	vmul.f32 v9, v1  }
0x3b: {  	v43 =	vmul.f32 v7, v12;
	v44 =	vsub.f32 $1.500000000e+00, v15  }
0x3c: {  	v2 =	vmul.f32 v8, v2;
	v45 =	vmul.f32 v16, v9  }
0x3d: {  	v46 =	vmul.f32 v43, v5;
	v12 =	vmul.f32 v13, v44  }
0x3e: {  	(erf) = vrcp.f32 v6;
	v0 =	vmul.f32 v2, v0;
	v47 =	vsub.f32 $1.500000000e+00, v45  }
0x3f: {  	v48 =	vmul.f32 v46, v43;
	v49 =	vmul.f32 v12, v14  }
0x40: {  	v0 =	vmul.f32 v0, v2;
	v8 =	vmul.f32 v47, v9  }
0x41: {  	v4 =	vmul.f32 $8.999999760e-01, v4;
	v50 =	vsub.f32 $1.500000000e+00, v48;
	v51 =	vmul.f32 v49, v12  }
0x42: {  	(erf) = vrcp.f32 v11;
	v0 =	vsub.f32 $1.500000000e+00, v0;
	v1 =	vmul.f32 v8, v1  }
0x43: {  	v3 =	vmul.f32 v10, v3;
	v6 =	vmul.f32 v50, v43;
	v52 =	vsub.f32 $1.500000000e+00, v51  }
0x44: {  	v2 =	vmul.f32 v0, v2;
	v1 =	vmul.f32 v1, v8  }
0x45: {  	s12 =	simm.s32 $0x0;
	vm0 =	vcmask $0x300;
	v53 =	vpop (erf);
	v54 =	vmul.f32 v6, v5;
	v7 =	vmul.f32 v52, v12  }
0x46: {  	v56 =	vmov s12;
	v9 =	vmul.f32 $8.999999760e-01, v53;
	v0 =	vsub.f32 $1.500000000e+00, v1  }
0x47: {  	[tilespmem:s9+$0x16380] =	vst v3;
	v3 =	vimm.s32 $0x0;
	v1 =	vmul.f32 v54, v6;
	v55 =	vmul.f32 v7, v14  }
0x48: {  	[tilespmem:s7+$0x16600] =	vst v4;
	v57 =	vmul.f32 v0, v8;
	v0 =	vsel vm0, $0x3, v3;
	v3 =	vshrl.u32 v56, $0x3  }
0x49: {  	[tilespmem:s7+$0x16380] =	vst v2;
	v2 =	vpop (erf);
	v3 =	vshll.u32 v3, v0;
	v1 =	vsub.f32 $1.500000000e+00, v1;
	v5 =	vmul.f32 v55, v7  }
0x4a: {  	[tilespmem:s8+$0x16600] =	vst v9;
	v2 =	vmul.f32 $8.999999760e-01, v2;
	v3 =	vbroadcast v3, $0x0  }
0x4b: {  	v58 =	vpop (erf);
	[tilespmem:s8+$0x16380] =	vst v57;
	v1 =	vmul.f32 v1, v6;
	v5 =	vsub.f32 $1.500000000e+00, v5  }
0x4c: {  	[tilespmem:s10+$0x16600] =	vst v2;
	v2 =	vmul.f32 $8.999999760e-01, v58  }
0x4d: {  	[tilespmem:s10+$0x16380] =	vst v1;
	v1 =	vmul.f32 v5, v7  }
0x4e: {  	[tilespmem:s11+$0x16600] =	vst v2  }
0x4f: {  	s7 =	simm.s32 $0x16380;
	[tilespmem:s11+$0x16380] =	vst v1  }
0x50: {  	s22 =	simm.s32 $0xC940;
	s23 =	simm.s32 $0x1;
	v1 =	vld.idx.msk [tilespmem:v3+s7+$0x0], $0xffff  }
0x51: {  	v59 =	vmov s23;
	v2 =	vld [tilespmem:s22+$0xFFFFFFC0]  }
0x52: {  	v4 =	vshrl.u32 v59, $0x3  }
0x53: {  	v4 =	vshll.u32 v4, v0;
	s8 =	simm.s32 $0x16600  }
0x54: {  	v4 =	vadd.s32 $0x1, v4;
	v3 =	vld.idx.msk [tilespmem:v3+s8+$0x0], $0xffff  }
0x55: {  	v4 =	vbroadcast v4, $0x0  }
0x56: {  	v1 =	vmul.f32 v2, v1;
	_ =	sdelay $0x1  }
0x57: {  	s10 =	simm.s32 $0xF140;
	[tilespmem:s22+$0xFFFFFFC0] =	vst v1  }
0x58: {  	s9 =	simm.s32 $0xA140;
	[tilespmem:s10+$0xFFFFFFC0] =	vst v3  }
0x59: {  	[tilespmem:s9+$0xFFFFFFC0] =	vst v1  }
0x5a: {  	s24 =	simm.s32 $0x2;
	v1 =	vld.idx.msk [tilespmem:v4+s7+$0x0], $0xffff  }
0x5b: {  	v3 =	vmov s24;
	v2 =	vld [tilespmem:s22+$0xFFFFFFD0]  }
0x5c: {  	v3 =	vshrl.u32 v3, $0x3  }
0x5d: {  	v3 =	vshll.u32 v3, v0  }
0x5e: {  	v4 =	vld.idx.msk [tilespmem:v4+s8+$0x0], $0xffff;
	v3 =	vadd.s32 $0x2, v3  }
0x5f: {  	v3 =	vbroadcast v3, $0x0  }
0x60: {  	v1 =	vmul.f32 v2, v1;
	_ =	sdelay $0x1  }
0x61: {  	[tilespmem:s22+$0xFFFFFFD0] =	vst v1  }
0x62: {  	[tilespmem:s10+$0xFFFFFFD0] =	vst v4  }
0x63: {  	[tilespmem:s9+$0xFFFFFFD0] =	vst v1  }
0x64: {  	s25 =	simm.s32 $0x3;
	v1 =	vld.idx.msk [tilespmem:v3+s7+$0x0], $0xffff  }
0x65: {  	v60 =	vmov s25;
	v2 =	vld [tilespmem:s22+$0xFFFFFFE0]  }
0x66: {  	v4 =	vshrl.u32 v60, $0x3  }
0x67: {  	v4 =	vshll.u32 v4, v0  }
0x68: {  	v3 =	vld.idx.msk [tilespmem:v3+s8+$0x0], $0xffff;
	v4 =	vadd.s32 $0x3, v4  }
0x69: {  	v4 =	vbroadcast v4, $0x0  }
0x6a: {  	v1 =	vmul.f32 v2, v1;
	_ =	sdelay $0x1  }
0x6b: {  	[tilespmem:s22+$0xFFFFFFE0] =	vst v1  }
0x6c: {  	[tilespmem:s10+$0xFFFFFFE0] =	vst v3  }
0x6d: {  	[tilespmem:s9+$0xFFFFFFE0] =	vst v1  }
0x6e: {  	s26 =	simm.s32 $0x4;
	v1 =	vld.idx.msk [tilespmem:v4+s7+$0x0], $0xffff  }
0x6f: {  	v3 =	vmov s26;
	v2 =	vld [tilespmem:s22+$0xFFFFFFF0]  }
0x70: {  	v3 =	vshrl.u32 v3, $0x3  }
0x71: {  	v3 =	vshll.u32 v3, v0  }
0x72: {  	v4 =	vld.idx.msk [tilespmem:v4+s8+$0x0], $0xffff;
	v3 =	vadd.s32 $0x4, v3  }
0x73: {  	v3 =	vbroadcast v3, $0x0  }
0x74: {  	v1 =	vmul.f32 v2, v1;
	_ =	sdelay $0x1  }
0x75: {  	[tilespmem:s22+$0xFFFFFFF0] =	vst v1  }
0x76: {  	[tilespmem:s10+$0xFFFFFFF0] =	vst v4  }
0x77: {  	[tilespmem:s9+$0xFFFFFFF0] =	vst v1  }
0x78: {  	s28 =	simm.s32 $0x5;
	v1 =	vld.idx.msk [tilespmem:v3+s7+$0x0], $0xffff  }
0x79: {  	v61 =	vmov s28;
	v2 =	vld [tilespmem:s22+$0x0]  }
0x7a: {  	v4 =	vshrl.u32 v61, $0x3  }
0x7b: {  	v4 =	vshll.u32 v4, v0  }
0x7c: {  	v3 =	vld.idx.msk [tilespmem:v3+s8+$0x0], $0xffff;
	v4 =	vadd.s32 $0x5, v4  }
0x7d: {  	v4 =	vbroadcast v4, $0x0  }
0x7e: {  	v1 =	vmul.f32 v2, v1;
	_ =	sdelay $0x1  }
0x7f: {  	[tilespmem:s22+$0x0] =	vst v1  }
0x80: {  	[tilespmem:s10+$0x0] =	vst v3  }
0x81: {  	[tilespmem:s9+$0x0] =	vst v1  }
0x82: {  	s29 =	simm.s32 $0x6;
	v1 =	vld.idx.msk [tilespmem:v4+s7+$0x0], $0xffff  }
0x83: {  	v3 =	vmov s29;
	v2 =	vld [tilespmem:s22+$0x10]  }
0x84: {  	v3 =	vshrl.u32 v3, $0x3  }
0x85: {  	v3 =	vshll.u32 v3, v0  }
0x86: {  	v4 =	vld.idx.msk [tilespmem:v4+s8+$0x0], $0xffff;
	v3 =	vadd.s32 $0x6, v3  }
0x87: {  	v3 =	vbroadcast v3, $0x0  }
0x88: {  	v1 =	vmul.f32 v2, v1;
	_ =	sdelay $0x1  }
0x89: {  	[tilespmem:s22+$0x10] =	vst v1  }
0x8a: {  	[tilespmem:s10+$0x10] =	vst v4  }
0x8b: {  	[tilespmem:s9+$0x10] =	vst v1  }
0x8c: {  	s30 =	simm.s32 $0x7;
	v1 =	vld.idx.msk [tilespmem:v3+s7+$0x0], $0xffff  }
0x8d: {  	v62 =	vmov s30;
	v2 =	vld [tilespmem:s22+$0x20]  }
0x8e: {  	v4 =	vshrl.u32 v62, $0x3  }
0x8f: {  	v4 =	vshll.u32 v4, v0  }
0x90: {  	v3 =	vld.idx.msk [tilespmem:v3+s8+$0x0], $0xffff;
	v4 =	vadd.s32 $0x7, v4  }
0x91: {  	v4 =	vbroadcast v4, $0x0  }
0x92: {  	v1 =	vmul.f32 v2, v1;
	_ =	sdelay $0x1  }
0x93: {  	[tilespmem:s22+$0x20] =	vst v1  }
0x94: {  	[tilespmem:s10+$0x20] =	vst v3  }
0x95: {  	[tilespmem:s9+$0x20] =	vst v1  }
0x96: {  	v1 =	vld.idx.msk [tilespmem:v4+s7+$0x0], $0xffff  }
0x97: {  	v2 =	vld [tilespmem:s22+$0x30];
	_ =	sdelay $0x2  }
0x98: {  	s31 =	simm.s32 $0x8  }
0x99: {  	v63 =	vmov s31  }
0x9a: {  	v3 =	vld.idx.msk [tilespmem:v4+s8+$0x0], $0xffff;
	v2 =	vmul.f32 v2, v1;
	v1 =	vshrl.u32 v63, $0x3  }
0x9b: {  	v1 =	vshll.u32 v1, v0  }
0x9c: {  	v1 =	vbroadcast v1, $0x0;
	_ =	sdelay $0x1  }
0x9d: {  	[tilespmem:s22+$0x30] =	vst v2  }
0x9e: {  	s15 =	simm.s32 $0x17;
	s12 =	simm.s32 $0xF;
	s11 =	simm.s32 $0xC9C0;
	[tilespmem:s10+$0x30] =	vst v3  }
.LBB2_3:
0x9f: {  	[tilespmem:s9+$0x30] =	vst v2;
	s9 =	sadd.s32 $0x80, s9  }
0xa0: {  	s10 =	sadd.s32 $0x80, s10;
	s14 =	smov.u32 s15;
	s13 =	sadd.s32 $0x8, s15  }
0xa1: {  	p0 =	sne.s32 s15, $0x27F;
	s15 =	sadd.s32 $0xFFFFFFFA, s12;
	v2 =	vld.idx.msk [tilespmem:v1+s7+$0x0], $0xffff  }
0xa2: {  	v4 =	vmov s15;
	v3 =	vld [tilespmem:s11+$0xFFFFFFC0]  }
0xa3: {  	v4 =	vshrl.u32 v4, $0x3  }
0xa4: {  	v4 =	vshll.u32 v4, v0;
	v1 =	vld.idx.msk [tilespmem:v1+s8+$0x0], $0xffff  }
0xa5: {  	v4 =	vadd.s32 $0x1, v4  }
0xa6: {  	v4 =	vbroadcast v4, $0x0  }
0xa7: {  	v2 =	vmul.f32 v3, v2;
	_ =	sdelay $0x1  }
0xa8: {  	[tilespmem:s11+$0xFFFFFFC0] =	vst v2  }
0xa9: {  	[tilespmem:s10+$0xFFFFFFC0] =	vst v1  }
0xaa: {  	[tilespmem:s9+$0xFFFFFFC0] =	vst v2  }
0xab: {  	s15 =	sadd.s32 $0xFFFFFFFB, s12;
	v1 =	vld.idx.msk [tilespmem:v4+s7+$0x0], $0xffff  }
0xac: {  	v3 =	vmov s15;
	v2 =	vld [tilespmem:s11+$0xFFFFFFD0]  }
0xad: {  	v3 =	vshrl.u32 v3, $0x3  }
0xae: {  	v3 =	vshll.u32 v3, v0;
	v4 =	vld.idx.msk [tilespmem:v4+s8+$0x0], $0xffff  }
0xaf: {  	v3 =	vadd.s32 $0x2, v3  }
0xb0: {  	v3 =	vbroadcast v3, $0x0  }
0xb1: {  	v1 =	vmul.f32 v2, v1;
	_ =	sdelay $0x1  }
0xb2: {  	[tilespmem:s11+$0xFFFFFFD0] =	vst v1  }
0xb3: {  	[tilespmem:s10+$0xFFFFFFD0] =	vst v4  }
0xb4: {  	[tilespmem:s9+$0xFFFFFFD0] =	vst v1  }
0xb5: {  	s15 =	sadd.s32 $0xFFFFFFFC, s12;
	v1 =	vld.idx.msk [tilespmem:v3+s7+$0x0], $0xffff  }
0xb6: {  	v4 =	vmov s15;
	v2 =	vld [tilespmem:s11+$0xFFFFFFE0]  }
0xb7: {  	v4 =	vshrl.u32 v4, $0x3  }
0xb8: {  	v4 =	vshll.u32 v4, v0;
	v3 =	vld.idx.msk [tilespmem:v3+s8+$0x0], $0xffff  }
0xb9: {  	v4 =	vadd.s32 $0x3, v4  }
0xba: {  	v4 =	vbroadcast v4, $0x0  }
0xbb: {  	v1 =	vmul.f32 v2, v1;
	_ =	sdelay $0x1  }
0xbc: {  	[tilespmem:s11+$0xFFFFFFE0] =	vst v1  }
0xbd: {  	[tilespmem:s10+$0xFFFFFFE0] =	vst v3  }
0xbe: {  	[tilespmem:s9+$0xFFFFFFE0] =	vst v1  }
0xbf: {  	s15 =	sadd.s32 $0xFFFFFFFD, s12;
	v1 =	vld.idx.msk [tilespmem:v4+s7+$0x0], $0xffff  }
0xc0: {  	v3 =	vmov s15;
	v2 =	vld [tilespmem:s11+$0xFFFFFFF0]  }
0xc1: {  	v3 =	vshrl.u32 v3, $0x3  }
0xc2: {  	v3 =	vshll.u32 v3, v0;
	v4 =	vld.idx.msk [tilespmem:v4+s8+$0x0], $0xffff  }
0xc3: {  	v3 =	vadd.s32 $0x4, v3  }
0xc4: {  	v3 =	vbroadcast v3, $0x0  }
0xc5: {  	v1 =	vmul.f32 v2, v1;
	_ =	sdelay $0x1  }
0xc6: {  	[tilespmem:s11+$0xFFFFFFF0] =	vst v1  }
0xc7: {  	[tilespmem:s10+$0xFFFFFFF0] =	vst v4  }
0xc8: {  	[tilespmem:s9+$0xFFFFFFF0] =	vst v1  }
0xc9: {  	s15 =	sadd.s32 $0xFFFFFFFE, s12;
	v1 =	vld.idx.msk [tilespmem:v3+s7+$0x0], $0xffff  }
0xca: {  	v4 =	vmov s15;
	v2 =	vld [tilespmem:s11+$0x0]  }
0xcb: {  	v4 =	vshrl.u32 v4, $0x3  }
0xcc: {  	v4 =	vshll.u32 v4, v0;
	v3 =	vld.idx.msk [tilespmem:v3+s8+$0x0], $0xffff  }
0xcd: {  	v4 =	vadd.s32 $0x5, v4  }
0xce: {  	v4 =	vbroadcast v4, $0x0  }
0xcf: {  	v1 =	vmul.f32 v2, v1;
	_ =	sdelay $0x1  }
0xd0: {  	[tilespmem:s11+$0x0] =	vst v1  }
0xd1: {  	[tilespmem:s10+$0x0] =	vst v3  }
0xd2: {  	[tilespmem:s9+$0x0] =	vst v1  }
0xd3: {  	s15 =	sadd.s32 $0xFFFFFFFF, s12;
	v1 =	vld.idx.msk [tilespmem:v4+s7+$0x0], $0xffff  }
0xd4: {  	v3 =	vmov s15;
	v2 =	vld [tilespmem:s11+$0x10]  }
0xd5: {  	v3 =	vshrl.u32 v3, $0x3;
	v4 =	vld.idx.msk [tilespmem:v4+s8+$0x0], $0xffff  }
0xd6: {  	v3 =	vshll.u32 v3, v0  }
0xd7: {  	v3 =	vadd.s32 $0x6, v3  }
0xd8: {  	v3 =	vbroadcast v3, $0x0  }
0xd9: {  	v1 =	vmul.f32 v2, v1;
	_ =	sdelay $0x1  }
0xda: {  	[tilespmem:s11+$0x10] =	vst v1  }
0xdb: {  	[tilespmem:s10+$0x10] =	vst v4  }
0xdc: {  	[tilespmem:s9+$0x10] =	vst v1  }
0xdd: {  	v1 =	vld.idx.msk [tilespmem:v3+s7+$0x0], $0xffff  }
0xde: {  	v4 =	vmov s12;
	s12 =	smov.u32 s14;
	v2 =	vld [tilespmem:s11+$0x20]  }
0xdf: {  	v4 =	vshrl.u32 v4, $0x3;
	v3 =	vld.idx.msk [tilespmem:v3+s8+$0x0], $0xffff  }
0xe0: {  	v4 =	vshll.u32 v4, v0  }
0xe1: {  	v4 =	vadd.s32 $0x7, v4  }
0xe2: {  	v4 =	vbroadcast v4, $0x0  }
0xe3: {  	v1 =	vmul.f32 v2, v1;
	_ =	sdelay $0x1  }
0xe4: {  	[tilespmem:s11+$0x20] =	vst v1  }
0xe5: {  	[tilespmem:s10+$0x20] =	vst v3  }
0xe6: {  	[tilespmem:s9+$0x20] =	vst v1  }
0xe7: {  	v2 =	vld.idx.msk [tilespmem:v4+s7+$0x0], $0xffff  }
0xe8: {  	s14 =	sadd.s32 $0xFFFFFFF9, s12;
	v3 =	vld [tilespmem:s11+$0x30]  }
0xe9: {  	v1 =	vmov s14;
	v4 =	vld.idx.msk [tilespmem:v4+s8+$0x0], $0xffff  }
0xea: {  	v1 =	vshrl.u32 v1, $0x3  }
0xeb: {  	v1 =	vshll.u32 v1, v0  }
.Ltmp1:
0xec: {  	v1 =	vbroadcast v1, $0x0;
	(pc) =	sbr.rel @p0 .LBB2_3-.Ltmp1, $3  }
0xed: {  	v2 =	vmul.f32 v3, v2;
	_ =	sdelay $0x1  }
0xee: {  	[tilespmem:s11+$0x30] =	vst v2  }
0xef: {  	s15 =	smov.u32 s13;
	s11 =	sadd.s32 $0x80, s11;
	[tilespmem:s10+$0x30] =	vst v4  }
0xf0: {  	_ =	sdelay $0x2  }
0xf1: {  	[tilespmem:s9+$0x30] =	vst v2  }
0xf2: {  	s13 =	sadd.s32 $0xFFFFFFFA, s12;
	v2 =	vld.idx.msk [tilespmem:v1+s7+$0x0], $0xffff  }
0xf3: {  	v3 =	vld [tilespmem:s11+$0xFFFFFFC0];
	v4 =	vmov s13  }
0xf4: {  	v4 =	vshrl.u32 v4, $0x3  }
0xf5: {  	v4 =	vshll.u32 v4, v0  }
0xf6: {  	v50 =	vld.idx.msk [tilespmem:v1+s8+$0x0], $0xffff;
	v4 =	vadd.s32 $0x1, v4  }
0xf7: {  	v4 =	vbroadcast v4, $0x0  }
0xf8: {  	v2 =	vmul.f32 v3, v2;
	_ =	sdelay $0x1  }
0xf9: {  	s10 =	sadd.s32 $0x80, s10;
	[tilespmem:s11+$0xFFFFFFC0] =	vst v2  }
0xfa: {  	s25 =	sadd.s32 $0x80, s9;
	[tilespmem:s10+$0xFFFFFFC0] =	vst v50  }
0xfb: {  	[tilespmem:s25+$0xFFFFFFC0] =	vst v2  }
0xfc: {  	s26 =	sadd.s32 $0xFFFFFFFB, s12;
	v1 =	vld.idx.msk [tilespmem:v4+s7+$0x0], $0xffff  }
0xfd: {  	v51 =	vmov s26;
	v2 =	vld [tilespmem:s11+$0xFFFFFFD0]  }
0xfe: {  	v3 =	vshrl.u32 v51, $0x3  }
0xff: {  	v3 =	vshll.u32 v3, v0  }
0x100: {  	v3 =	vadd.s32 $0x2, v3;
	v4 =	vld.idx.msk [tilespmem:v4+s8+$0x0], $0xffff  }
0x101: {  	v3 =	vbroadcast v3, $0x0  }
0x102: {  	v1 =	vmul.f32 v2, v1;
	_ =	sdelay $0x1  }
0x103: {  	[tilespmem:s11+$0xFFFFFFD0] =	vst v1  }
0x104: {  	[tilespmem:s10+$0xFFFFFFD0] =	vst v4  }
0x105: {  	[tilespmem:s25+$0xFFFFFFD0] =	vst v1  }
0x106: {  	s28 =	sadd.s32 $0xFFFFFFFC, s12;
	v1 =	vld.idx.msk [tilespmem:v3+s7+$0x0], $0xffff  }
0x107: {  	v53 =	vmov s28;
	v52 =	vld [tilespmem:s11+$0xFFFFFFE0]  }
0x108: {  	v4 =	vshrl.u32 v53, $0x3  }
0x109: {  	v4 =	vshll.u32 v4, v0  }
0x10a: {  	v3 =	vld.idx.msk [tilespmem:v3+s8+$0x0], $0xffff;
	v4 =	vadd.s32 $0x3, v4  }
0x10b: {  	v4 =	vbroadcast v4, $0x0  }
0x10c: {  	v1 =	vmul.f32 v52, v1;
	_ =	sdelay $0x1  }
0x10d: {  	[tilespmem:s11+$0xFFFFFFE0] =	vst v1  }
0x10e: {  	[tilespmem:s10+$0xFFFFFFE0] =	vst v3  }
0x10f: {  	[tilespmem:s25+$0xFFFFFFE0] =	vst v1  }
0x110: {  	s29 =	sadd.s32 $0xFFFFFFFD, s12;
	v1 =	vld.idx.msk [tilespmem:v4+s7+$0x0], $0xffff  }
0x111: {  	v55 =	vmov s29;
	v54 =	vld [tilespmem:s11+$0xFFFFFFF0]  }
0x112: {  	v3 =	vshrl.u32 v55, $0x3  }
0x113: {  	v3 =	vshll.u32 v3, v0  }
0x114: {  	v4 =	vld.idx.msk [tilespmem:v4+s8+$0x0], $0xffff;
	v3 =	vadd.s32 $0x4, v3  }
0x115: {  	v3 =	vbroadcast v3, $0x0  }
0x116: {  	v1 =	vmul.f32 v54, v1;
	_ =	sdelay $0x1  }
0x117: {  	[tilespmem:s11+$0xFFFFFFF0] =	vst v1  }
0x118: {  	[tilespmem:s10+$0xFFFFFFF0] =	vst v4  }
0x119: {  	[tilespmem:s25+$0xFFFFFFF0] =	vst v1  }
0x11a: {  	s30 =	sadd.s32 $0xFFFFFFFE, s12;
	v1 =	vld.idx.msk [tilespmem:v3+s7+$0x0], $0xffff  }
0x11b: {  	v57 =	vmov s30;
	v56 =	vld [tilespmem:s11+$0x0]  }
0x11c: {  	v4 =	vshrl.u32 v57, $0x3  }
0x11d: {  	v4 =	vshll.u32 v4, v0  }
0x11e: {  	v3 =	vld.idx.msk [tilespmem:v3+s8+$0x0], $0xffff;
	v4 =	vadd.s32 $0x5, v4  }
0x11f: {  	v4 =	vbroadcast v4, $0x0  }
0x120: {  	v1 =	vmul.f32 v56, v1;
	_ =	sdelay $0x1  }
0x121: {  	[tilespmem:s11+$0x0] =	vst v1  }
0x122: {  	[tilespmem:s10+$0x0] =	vst v3  }
0x123: {  	[tilespmem:s25+$0x0] =	vst v1  }
0x124: {  	s31 =	sadd.s32 $0xFFFFFFFF, s12;
	v1 =	vld.idx.msk [tilespmem:v4+s7+$0x0], $0xffff  }
0x125: {  	v59 =	vmov s31;
	v58 =	vld [tilespmem:s11+$0x10]  }
0x126: {  	v3 =	vshrl.u32 v59, $0x3  }
0x127: {  	v3 =	vshll.u32 v3, v0  }
0x128: {  	v4 =	vld.idx.msk [tilespmem:v4+s8+$0x0], $0xffff;
	v3 =	vadd.s32 $0x6, v3  }
0x129: {  	v3 =	vbroadcast v3, $0x0  }
0x12a: {  	v1 =	vmul.f32 v58, v1;
	_ =	sdelay $0x1  }
0x12b: {  	[tilespmem:s11+$0x10] =	vst v1  }
0x12c: {  	[tilespmem:s10+$0x10] =	vst v4  }
0x12d: {  	[tilespmem:s25+$0x10] =	vst v1  }
0x12e: {  	v1 =	vld.idx.msk [tilespmem:v3+s7+$0x0], $0xffff  }
0x12f: {  	v61 =	vmov s12;
	v60 =	vld [tilespmem:s11+$0x20]  }
0x130: {  	v4 =	vshrl.u32 v61, $0x3  }
0x131: {  	v62 =	vshll.u32 v4, v0  }
0x132: {  	v3 =	vld.idx.msk [tilespmem:v3+s8+$0x0], $0xffff;
	v0 =	vadd.s32 $0x7, v62  }
0x133: {  	v0 =	vbroadcast v0, $0x0  }
0x134: {  	v1 =	vmul.f32 v60, v1;
	_ =	sdelay $0x1  }
0x135: {  	[tilespmem:s11+$0x20] =	vst v1  }
0x136: {  	[tilespmem:s10+$0x20] =	vst v3  }
0x137: {  	[tilespmem:s25+$0x20] =	vst v1  }
0x138: {  	v1 =	vld.idx.msk [tilespmem:v0+s7+$0x0], $0xffff  }
0x139: {  	v63 =	vld [tilespmem:s11+$0x30];
	_ =	sdelay $0x2  }
0x13a: {  	v0 =	vld.idx.msk [tilespmem:v0+s8+$0x0], $0xffff;
	_ =	sdelay $0x1  }
0x13b: {  	v1 =	vmul.f32 v63, v1;
	_ =	sdelay $0x1  }
0x13c: {  	[tilespmem:s11+$0x30] =	vst v1  }
0x13d: {  	[tilespmem:s10+$0x30] =	vst v0  }
0x13e: {  	s9 =	simm.s32 $0x2;
	s7 =	sadd.s32 s6, s2;
	s8 =	simm.s32 $0xA100;
	[tilespmem:s25+$0x30] =	vst v1  }
0x13f: {  	[spmem:s7] =	stream.linear.scatter [tilespmem:s8], [sflag:$0x2], $0x2800, $0x38;
	[tilespmem:$0x1B880] =	vst v63  }
0x140: {  	_ =	swait.ge [sflag:s9], $0x2800  }
0x141: {  	[sflag:s9] =	ssyncset.done $0x0  }
0x142: {  	s12 =	simm.s32 $0x14100;
	s6 =	sadd.s32 s6, s3;
	[sflag:s9] =	ssyncadd.s32 $0xFFFFD800  }
0x143: {  	[spmem:s6] =	stream.linear.scatter [tilespmem:s8], [sflag:$0x2], $0x2800, $0x38;
	[tilespmem:$0x1B880] =	vst v63  }
0x144: {  	s14 =	simm.s32 $0x15100;
	s15 =	simm.s32 $0x15900;
	_ =	swait.ge [sflag:s9], $0x2800  }
0x145: {  	s16 =	simm.s32 $0x1;
	s17 =	simm.s32 $0x11900;
	[sflag:s9] =	ssyncset.done $0x0  }
0x146: {  	s18 =	simm.s32 $0x0;
	s13 =	simm.s32 $0x14900;
	[sflag:s9] =	ssyncadd.s32 $0xFFFFD800  }
0x147: {  	s11 =	simm.s32 $0x80;
	s10 =	simm.s32 $0x0;
	[bflag:$0x0] =	sbarrier.arrive $0xFFFF  }
.LBB2_5:
0x148: {  	[tilespmem:s12], [sflag:$0x1] =	stream.indirect.gather [spmem:s2], $0x10, s10, s11, $0xb8;
	[tilespmem:$0x1B880] =	vst v63  }
0x149: {  	_ = 	snop  }
0x14a: {  	[tilespmem:s13], [sflag:$0x1] =	stream.indirect.gather [spmem:s2], $0x10, s11, s11, $0xb8;
	[tilespmem:$0x1B880] =	vst v63  }
0x14b: {  	s19 =	simm.s32 $0x100  }
0x14c: {  	[tilespmem:s14], [sflag:$0x1] =	stream.indirect.gather [spmem:s2], $0x10, s19, s11, $0xb8;
	[tilespmem:$0x1B880] =	vst v63  }
0x14d: {  	s24 =	simm.s32 $0x180  }
0x14e: {  	[tilespmem:s15], [sflag:$0x1] =	stream.indirect.gather [spmem:s2], $0x10, s24, s11, $0xb8;
	[tilespmem:$0x1B880] =	vst v63  }
0x14f: {  	_ =	swait.ge [sflag:s16], $0x800  }
0x150: {  	[sflag:s16] =	ssyncset.done $0x0  }
0x151: {  	s25 =	simm.s32 $0x5100;
	[sflag:s16] =	ssyncadd.s32 $0xFFFFF800  }
0x152: {  	[spmem:s3] =	stream.indirect.scatter.add.f32 [tilespmem:s12], [sflag:$0x2], $0x10, s25, s11, $0xb8;
	[tilespmem:$0x1B880] =	vst v63  }
0x153: {  	_ =	swait.ge [sflag:s9], $0x800  }
0x154: {  	[sflag:s9] =	ssyncset.done $0x0  }
0x155: {  	[sflag:s9] =	ssyncadd.s32 $0xFFFFF800  }
0x156: {  	_ =	swait.ge [sflag:s16], $0x800  }
0x157: {  	[sflag:s16] =	ssyncset.done $0x0  }
0x158: {  	s26 =	simm.s32 $0x5180;
	[sflag:s16] =	ssyncadd.s32 $0xFFFFF800  }
0x159: {  	[spmem:s3] =	stream.indirect.scatter.add.f32 [tilespmem:s13], [sflag:$0x2], $0x10, s26, s11, $0xb8;
	[tilespmem:$0x1B880] =	vst v63  }
0x15a: {  	_ =	swait.ge [sflag:s9], $0x800  }
0x15b: {  	[sflag:s9] =	ssyncset.done $0x0  }
0x15c: {  	s28 =	simm.s32 $0x200;
	[sflag:s9] =	ssyncadd.s32 $0xFFFFF800  }
0x15d: {  	[tilespmem:s12], [sflag:$0x1] =	stream.indirect.gather [spmem:s2], $0x10, s28, s11, $0xb8;
	[tilespmem:$0x1B880] =	vst v63  }
0x15e: {  	s29 =	simm.s32 $0x280  }
0x15f: {  	[tilespmem:s13], [sflag:$0x1] =	stream.indirect.gather [spmem:s2], $0x10, s29, s11, $0xb8;
	[tilespmem:$0x1B880] =	vst v63  }
0x160: {  	_ =	swait.ge [sflag:s16], $0x800  }
0x161: {  	[sflag:s16] =	ssyncset.done $0x0  }
0x162: {  	s30 =	simm.s32 $0x5200;
	[sflag:s16] =	ssyncadd.s32 $0xFFFFF800  }
0x163: {  	[spmem:s3] =	stream.indirect.scatter.add.f32 [tilespmem:s14], [sflag:$0x2], $0x10, s30, s11, $0xb8;
	[tilespmem:$0x1B880] =	vst v63  }
0x164: {  	_ =	swait.ge [sflag:s9], $0x800  }
0x165: {  	[sflag:s9] =	ssyncset.done $0x0  }
0x166: {  	[sflag:s9] =	ssyncadd.s32 $0xFFFFF800  }
0x167: {  	_ =	swait.ge [sflag:s16], $0x800  }
0x168: {  	[sflag:s16] =	ssyncset.done $0x0  }
0x169: {  	s31 =	simm.s32 $0x5280;
	[sflag:s16] =	ssyncadd.s32 $0xFFFFF800  }
0x16a: {  	[spmem:s3] =	stream.indirect.scatter.add.f32 [tilespmem:s15], [sflag:$0x2], $0x10, s31, s11, $0xb8;
	[tilespmem:$0x1B880] =	vst v63  }
0x16b: {  	_ =	swait.ge [sflag:s9], $0x800  }
0x16c: {  	s22 =	simm.s32 $0x1000;
	s19 =	simm.s32 $0x200;
	[sflag:s9] =	ssyncset.done $0x0  }
.LBB2_6:
0x16d: {  	s23 =	sadd.s32 $0x100, s19  }
0x16e: {  	[sflag:s9] =	ssyncadd.s32 $0xFFFFF800;
	s21 =	smov.u32 s22;
	s20 =	sadd.s32 $0x800, s22  }
0x16f: {  	[tilespmem:s14], [sflag:$0x1] =	stream.indirect.gather [spmem:s2], $0x10, s23, s11, $0xb8;
	[tilespmem:$0x1B880] =	vst v63  }
0x170: {  	p0 =	sne.s32 s22, $0x13800;
	s22 =	sadd.s32 $0x180, s19  }
0x171: {  	[tilespmem:s15], [sflag:$0x1] =	stream.indirect.gather [spmem:s2], $0x10, s22, s11, $0xb8;
	[tilespmem:$0x1B880] =	vst v63  }
0x172: {  	_ =	swait.ge [sflag:s16], $0x800  }
0x173: {  	[sflag:s16] =	ssyncset.done $0x0  }
0x174: {  	s22 =	sadd.s32 $0x5100, s19;
	[sflag:s16] =	ssyncadd.s32 $0xFFFFF800  }
0x175: {  	[spmem:s3] =	stream.indirect.scatter.add.f32 [tilespmem:s12], [sflag:$0x2], $0x10, s22, s11, $0xb8;
	[tilespmem:$0x1B880] =	vst v63  }
0x176: {  	_ =	swait.ge [sflag:s9], $0x800  }
0x177: {  	[sflag:s9] =	ssyncset.done $0x0  }
0x178: {  	[sflag:s9] =	ssyncadd.s32 $0xFFFFF800  }
0x179: {  	_ =	swait.ge [sflag:s16], $0x800  }
0x17a: {  	[sflag:s16] =	ssyncset.done $0x0  }
0x17b: {  	s22 =	sadd.s32 $0x5180, s19;
	[sflag:s16] =	ssyncadd.s32 $0xFFFFF800  }
0x17c: {  	[spmem:s3] =	stream.indirect.scatter.add.f32 [tilespmem:s13], [sflag:$0x2], $0x10, s22, s11, $0xb8;
	[tilespmem:$0x1B880] =	vst v63  }
0x17d: {  	_ =	swait.ge [sflag:s9], $0x800  }
0x17e: {  	[sflag:s9] =	ssyncset.done $0x0  }
0x17f: {  	s22 =	sadd.s32 $0x200, s19;
	[sflag:s9] =	ssyncadd.s32 $0xFFFFF800  }
0x180: {  	[tilespmem:s12], [sflag:$0x1] =	stream.indirect.gather [spmem:s2], $0x10, s22, s11, $0xb8;
	[tilespmem:$0x1B880] =	vst v63  }
0x181: {  	s22 =	sadd.s32 $0x280, s19  }
0x182: {  	[tilespmem:s13], [sflag:$0x1] =	stream.indirect.gather [spmem:s2], $0x10, s22, s11, $0xb8;
	[tilespmem:$0x1B880] =	vst v63  }
0x183: {  	_ =	swait.ge [sflag:s16], $0x800  }
0x184: {  	[sflag:s16] =	ssyncset.done $0x0  }
0x185: {  	s22 =	sadd.s32 $0x5200, s19;
	[sflag:s16] =	ssyncadd.s32 $0xFFFFF800  }
0x186: {  	[spmem:s3] =	stream.indirect.scatter.add.f32 [tilespmem:s14], [sflag:$0x2], $0x10, s22, s11, $0xb8;
	[tilespmem:$0x1B880] =	vst v63  }
0x187: {  	_ =	swait.ge [sflag:s9], $0x800  }
0x188: {  	[sflag:s9] =	ssyncset.done $0x0  }
0x189: {  	[sflag:s9] =	ssyncadd.s32 $0xFFFFF800  }
0x18a: {  	_ =	swait.ge [sflag:s16], $0x800  }
.Ltmp2:
0x18b: {  	[sflag:s16] =	ssyncset.done $0x0;
	(pc) =	sbr.rel @p0 .LBB2_6-.Ltmp2, $4  }
0x18c: {  	s19 =	sadd.s32 $0x5280, s19;
	[sflag:s16] =	ssyncadd.s32 $0xFFFFF800  }
0x18d: {  	[spmem:s3] =	stream.indirect.scatter.add.f32 [tilespmem:s15], [sflag:$0x2], $0x10, s19, s11, $0xb8;
	[tilespmem:$0x1B880] =	vst v63  }
0x18e: {  	_ =	swait.ge [sflag:s9], $0x800  }
0x18f: {  	s22 =	smov.u32 s20;
	s19 =	sshra.s32 s21, $0x2;
	[sflag:s9] =	ssyncset.done $0x0  }
0x190: {  	s20 =	sadd.s32 $0x100, s19;
	[sflag:s9] =	ssyncadd.s32 $0xFFFFF800  }
0x191: {  	[tilespmem:s14], [sflag:$0x1] =	stream.indirect.gather [spmem:s2], $0x10, s20, s11, $0xb8;
	[tilespmem:$0x1B880] =	vst v63  }
0x192: {  	s24 =	sadd.s32 $0x180, s19  }
0x193: {  	[tilespmem:s15], [sflag:$0x1] =	stream.indirect.gather [spmem:s2], $0x10, s24, s11, $0xb8;
	[tilespmem:$0x1B880] =	vst v63  }
0x194: {  	_ =	swait.ge [sflag:s16], $0x800  }
0x195: {  	[sflag:s16] =	ssyncset.done $0x0  }
0x196: {  	s25 =	sadd.s32 $0x5100, s19;
	[sflag:s16] =	ssyncadd.s32 $0xFFFFF800  }
0x197: {  	[spmem:s3] =	stream.indirect.scatter.add.f32 [tilespmem:s12], [sflag:$0x2], $0x10, s25, s11, $0xb8;
	[tilespmem:$0x1B880] =	vst v63  }
0x198: {  	_ =	swait.ge [sflag:s9], $0x800  }
0x199: {  	[sflag:s9] =	ssyncset.done $0x0  }
0x19a: {  	[sflag:s9] =	ssyncadd.s32 $0xFFFFF800  }
0x19b: {  	_ =	swait.ge [sflag:s16], $0x800  }
0x19c: {  	[sflag:s16] =	ssyncset.done $0x0  }
0x19d: {  	s26 =	sadd.s32 $0x5180, s19;
	[sflag:s16] =	ssyncadd.s32 $0xFFFFF800  }
0x19e: {  	[spmem:s3] =	stream.indirect.scatter.add.f32 [tilespmem:s13], [sflag:$0x2], $0x10, s26, s11, $0xb8;
	[tilespmem:$0x1B880] =	vst v63  }
0x19f: {  	_ =	swait.ge [sflag:s9], $0x800  }
0x1a0: {  	[sflag:s9] =	ssyncset.done $0x0  }
0x1a1: {  	s28 =	sadd.s32 $0x200, s19;
	[sflag:s9] =	ssyncadd.s32 $0xFFFFF800  }
0x1a2: {  	[tilespmem:s12], [sflag:$0x1] =	stream.indirect.gather [spmem:s2], $0x10, s28, s11, $0xb8;
	[tilespmem:$0x1B880] =	vst v63  }
0x1a3: {  	s29 =	sadd.s32 $0x280, s19  }
0x1a4: {  	[tilespmem:s13], [sflag:$0x1] =	stream.indirect.gather [spmem:s2], $0x10, s29, s11, $0xb8;
	[tilespmem:$0x1B880] =	vst v63  }
0x1a5: {  	_ =	swait.ge [sflag:s16], $0x800  }
0x1a6: {  	[sflag:s16] =	ssyncset.done $0x0  }
0x1a7: {  	s30 =	sadd.s32 $0x5200, s19;
	[sflag:s16] =	ssyncadd.s32 $0xFFFFF800  }
0x1a8: {  	[spmem:s3] =	stream.indirect.scatter.add.f32 [tilespmem:s14], [sflag:$0x2], $0x10, s30, s11, $0xb8;
	[tilespmem:$0x1B880] =	vst v63  }
0x1a9: {  	_ =	swait.ge [sflag:s9], $0x800  }
0x1aa: {  	[sflag:s9] =	ssyncset.done $0x0  }
0x1ab: {  	[sflag:s9] =	ssyncadd.s32 $0xFFFFF800  }
0x1ac: {  	_ =	swait.ge [sflag:s16], $0x800  }
0x1ad: {  	[sflag:s16] =	ssyncset.done $0x0  }
0x1ae: {  	s31 =	sadd.s32 $0x5280, s19;
	[sflag:s16] =	ssyncadd.s32 $0xFFFFF800  }
0x1af: {  	[spmem:s3] =	stream.indirect.scatter.add.f32 [tilespmem:s15], [sflag:$0x2], $0x10, s31, s11, $0xb8;
	[tilespmem:$0x1B880] =	vst v63  }
0x1b0: {  	_ =	swait.ge [sflag:s9], $0x800  }
0x1b1: {  	[sflag:s9] =	ssyncset.done $0x0  }
0x1b2: {  	[sflag:s9] =	ssyncadd.s32 $0xFFFFF800  }
0x1b3: {  	_ =	swait.ge [sflag:s16], $0x800  }
0x1b4: {  	[sflag:s16] =	ssyncset.done $0x0  }
0x1b5: {  	[sflag:s16] =	ssyncadd.s32 $0xFFFFF800  }
0x1b6: {  	_ =	swait.ge [sflag:s16], $0x800  }
0x1b7: {  	[sflag:s16] =	ssyncset.done $0x0  }
0x1b8: {  	[sflag:s16] =	ssyncadd.s32 $0xFFFFF800  }
0x1b9: {  	[bflag:$0x0] =	sbarrier.arrive $0xFFFF  }
0x1ba: {  	[tilespmem:s17], [sflag:$0x2] =	stream.linear.gather [spmem:s6], $0x2800, $0x38;
	[tilespmem:$0x1B880] =	vst v63  }
0x1bb: {  	_ =	swait.ge [sflag:s9], $0x2800  }
0x1bc: {  	[sflag:s9] =	ssyncset.done $0x0  }
0x1bd: {  	s19 =	simm.s32 $0x0;
	[sflag:s9] =	ssyncadd.s32 $0xFFFFD800  }
0x1be: {  	v0 =	vld [tilespmem:s19+$0xF170]  }
0x1bf: {  	v1 =	vld [tilespmem:s19+$0x11970]  }
0x1c0: {  	v2 =	vld [tilespmem:s19+$0xC970]  }
0x1c1: {  	v3 =	vld [tilespmem:s19+$0xF100]  }
0x1c2: {  	v4 =	vld [tilespmem:s19+$0x11900]  }
0x1c3: {  	v5 =	vld [tilespmem:s19+$0xC900]  }
0x1c4: {  	v6 =	vld [tilespmem:s19+$0xF110]  }
0x1c5: {  	v7 =	vld [tilespmem:s19+$0x11910]  }
0x1c6: {  	v8 =	vld [tilespmem:s19+$0xF120];
	v0 =	vmul.f32 v1, v0;
	v1 =	vmul.f32 $1.000000010e-01, v2  }
0x1c7: {  	v2 =	vld [tilespmem:s19+$0xC910]  }
0x1c8: {  	v3 =	vmul.f32 v4, v3;
	v4 =	vmul.f32 $1.000000010e-01, v5;
	v5 =	vld [tilespmem:s19+$0xC920];
	v0 =	vadd.f32 v1, v0  }
0x1c9: {  	v1 =	vld [tilespmem:s19+$0x11920]  }
0x1ca: {  	[tilespmem:s19+$0xA170] =	vst v0;
	v0 =	vadd.f32 v4, v3;
	v3 =	vld [tilespmem:s19+$0xF130]  }
0x1cb: {  	v4 =	vld [tilespmem:s19+$0x11930]  }
0x1cc: {  	v6 =	vmul.f32 v7, v6;
	v2 =	vmul.f32 $1.000000010e-01, v2;
	[tilespmem:s19+$0xA100] =	vst v0;
	v0 =	vld [tilespmem:s19+$0xC930]  }
0x1cd: {  	v7 =	vld [tilespmem:s19+$0x11940]  }
0x1ce: {  	v2 =	vadd.f32 v2, v6;
	v6 =	vld [tilespmem:s19+$0xF140]  }
0x1cf: {  	v5 =	vmul.f32 $1.000000010e-01, v5;
	v1 =	vmul.f32 v1, v8;
	v8 =	vld [tilespmem:s19+$0xC940]  }
0x1d0: {  	v9 =	vld [tilespmem:s19+$0x11950]  }
0x1d1: {  	v10 =	vld [tilespmem:s19+$0xC950];
	[tilespmem:s19+$0xA110] =	vst v2;
	v1 =	vadd.f32 v5, v1;
	v2 =	vmul.f32 v4, v3;
	v0 =	vmul.f32 $1.000000010e-01, v0  }
0x1d2: {  	v5 =	vld [tilespmem:s19+$0xF150]  }
0x1d3: {  	[tilespmem:s19+$0xA120] =	vst v1;
	v1 =	vld [tilespmem:s19+$0xF160];
	v0 =	vadd.f32 v0, v2  }
0x1d4: {  	v3 =	vmul.f32 v7, v6;
	v6 =	vmul.f32 $1.000000010e-01, v8;
	v2 =	vld [tilespmem:s19+$0x11960]  }
0x1d5: {  	s20 =	simm.s32 $0x80;
	v4 =	vld [tilespmem:s19+$0xC960];
	[tilespmem:s19+$0xA130] =	vst v0  }
0x1d6: {  	v6 =	vadd.f32 v6, v3;
	v0 =	vld [tilespmem:s20+$0xF170]  }
0x1d7: {  	s21 =	simm.s32 $0x400;
	v7 =	vmul.f32 $1.000000010e-01, v10;
	v5 =	vmul.f32 v9, v5;
	v3 =	vld [tilespmem:s20+$0x11970]  }
.LBB2_8:
0x1d8: {  	p0 =	sne.s32 s21, $0x9E00;
	v8 =	vld [tilespmem:s20+$0xC970];
	[tilespmem:s19+$0xA140] =	vst v6  }
0x1d9: {  	v6 =	vld [tilespmem:s20+$0xF100];
	v5 =	vadd.f32 v7, v5;
	v1 =	vmul.f32 v2, v1  }
0x1da: {  	v2 =	vld [tilespmem:s20+$0x11900];
	v4 =	vmul.f32 $1.000000010e-01, v4  }
0x1db: {  	v7 =	vld [tilespmem:s20+$0xC900];
	[tilespmem:s19+$0xA150] =	vst v5  }
0x1dc: {  	v5 =	vld [tilespmem:s20+$0xF110];
	v1 =	vadd.f32 v4, v1  }
0x1dd: {  	v0 =	vmul.f32 v3, v0;
	v4 =	vld [tilespmem:s20+$0x11910];
	v3 =	vmul.f32 $1.000000010e-01, v8  }
0x1de: {  	v8 =	vld [tilespmem:s20+$0xC910];
	[tilespmem:s19+$0xA160] =	vst v1;
	s19 =	smov.u32 s20  }
0x1df: {  	v1 =	vmul.f32 v2, v6;
	v2 =	vld [tilespmem:s19+$0xF120];
	v0 =	vadd.f32 v3, v0  }
0x1e0: {  	v3 =	vmul.f32 $1.000000010e-01, v7;
	v6 =	vld [tilespmem:s19+$0x11920]  }
0x1e1: {  	v7 =	vld [tilespmem:s19+$0xC920];
	[tilespmem:s19+$0xA170] =	vst v0  }
0x1e2: {  	v0 =	vadd.f32 v3, v1;
	v1 =	vmul.f32 v4, v5;
	v3 =	vld [tilespmem:s19+$0xF130]  }
0x1e3: {  	v4 =	vmul.f32 $1.000000010e-01, v8;
	v5 =	vld [tilespmem:s19+$0x11930]  }
0x1e4: {  	[tilespmem:s19+$0xA100] =	vst v0;
	v0 =	vld [tilespmem:s19+$0xC930]  }
0x1e5: {  	v1 =	vadd.f32 v4, v1;
	v2 =	vmul.f32 v6, v2;
	v4 =	vld [tilespmem:s19+$0xF140]  }
0x1e6: {  	v6 =	vmul.f32 $1.000000010e-01, v7;
	v7 =	vld [tilespmem:s19+$0x11940]  }
0x1e7: {  	[tilespmem:s19+$0xA110] =	vst v1;
	v8 =	vld [tilespmem:s19+$0xC940]  }
0x1e8: {  	v1 =	vadd.f32 v6, v2;
	v2 =	vmul.f32 v5, v3;
	v3 =	vld [tilespmem:s19+$0xF150]  }
0x1e9: {  	v0 =	vmul.f32 $1.000000010e-01, v0;
	v5 =	vld [tilespmem:s19+$0x11950]  }
0x1ea: {  	[tilespmem:s19+$0xA120] =	vst v1;
	v9 =	vld [tilespmem:s19+$0xC950]  }
.Ltmp3:
0x1eb: {  	v0 =	vadd.f32 v0, v2;
	v6 =	vmul.f32 v7, v4;
	v1 =	vld [tilespmem:s19+$0xF160];
	(pc) =	sbr.rel @p0 .LBB2_8-.Ltmp3, $4  }
0x1ec: {  	v7 =	vmul.f32 $1.000000010e-01, v8;
	v2 =	vld [tilespmem:s19+$0x11960]  }
0x1ed: {  	s20 =	sshra.s32 s21, $0x2;
	[tilespmem:s19+$0xA130] =	vst v0;
	v4 =	vld [tilespmem:s19+$0xC960]  }
0x1ee: {  	v0 =	vld [tilespmem:s20+$0xF170];
	v6 =	vadd.f32 v7, v6;
	v5 =	vmul.f32 v5, v3  }
0x1ef: {  	s21 =	sadd.s32 $0x200, s21;
	v3 =	vld [tilespmem:s20+$0x11970];
	v7 =	vmul.f32 $1.000000010e-01, v9  }
0x1f0: {  	v8 =	vld [tilespmem:s20+$0xC970];
	[tilespmem:s19+$0xA140] =	vst v6  }
0x1f1: {  	v6 =	vld [tilespmem:s20+$0xF100];
	v5 =	vadd.f32 v7, v5  }
0x1f2: {  	v40 =	vld [tilespmem:s20+$0x11900];
	v1 =	vmul.f32 v2, v1;
	v41 =	vmul.f32 $1.000000010e-01, v4  }
0x1f3: {  	v9 =	vld [tilespmem:s20+$0xC900];
	[tilespmem:s19+$0xA150] =	vst v5  }
0x1f4: {  	v42 =	vld [tilespmem:s20+$0xF110];
	v1 =	vadd.f32 v41, v1  }
0x1f5: {  	v43 =	vld [tilespmem:s20+$0x11910]  }
0x1f6: {  	v5 =	vld [tilespmem:s20+$0xC910];
	[tilespmem:s19+$0xA160] =	vst v1  }
0x1f7: {  	v1 =	vld [tilespmem:s20+$0xF120]  }
0x1f8: {  	v45 =	vld [tilespmem:s20+$0x11920]  }
0x1f9: {  	v47 =	vld [tilespmem:s20+$0xC920]  }
0x1fa: {  	v49 =	vld [tilespmem:s20+$0xF130]  }
0x1fb: {  	v50 =	vld [tilespmem:s20+$0x11930]  }
0x1fc: {  	v52 =	vld [tilespmem:s20+$0xC930]  }
0x1fd: {  	v53 =	vld [tilespmem:s20+$0xF140]  }
0x1fe: {  	v54 =	vld [tilespmem:s20+$0x11940]  }
0x1ff: {  	v56 =	vld [tilespmem:s20+$0xC940]  }
0x200: {  	v57 =	vld [tilespmem:s20+$0xF150]  }
0x201: {  	v58 =	vld [tilespmem:s20+$0x11950]  }
0x202: {  	v0 =	vmul.f32 v3, v0;
	v44 =	vmul.f32 $1.000000010e-01, v8;
	v59 =	vld [tilespmem:s20+$0xC950]  }
0x203: {  	v6 =	vmul.f32 v40, v6;
	v46 =	vmul.f32 $1.000000010e-01, v9;
	v60 =	vld [tilespmem:s20+$0xF160]  }
0x204: {  	v0 =	vadd.f32 v44, v0;
	v61 =	vld [tilespmem:s20+$0x11960];
	v2 =	vmul.f32 v43, v42;
	v51 =	vmul.f32 $1.000000010e-01, v5  }
0x205: {  	v62 =	vld [tilespmem:s20+$0xC960];
	v48 =	vadd.f32 v46, v6;
	v1 =	vmul.f32 v45, v1;
	v55 =	vmul.f32 $1.000000010e-01, v47  }
0x206: {  	[tilespmem:s20+$0xA170] =	vst v0;
	v2 =	vadd.f32 v51, v2;
	v6 =	vmul.f32 v50, v49;
	v0 =	vmul.f32 $1.000000010e-01, v52  }
0x207: {  	v1 =	vadd.f32 v55, v1  }
0x208: {  	v4 =	vmul.f32 v54, v53;
	[tilespmem:s20+$0xA110] =	vst v2;
	v2 =	vmul.f32 $1.000000010e-01, v56;
	v0 =	vadd.f32 v0, v6  }
0x209: {  	v3 =	vmul.f32 v58, v57;
	[tilespmem:s20+$0xA120] =	vst v1;
	v1 =	vmul.f32 $1.000000010e-01, v59  }
0x20a: {  	v63 =	vmul.f32 v61, v60;
	v2 =	vadd.f32 v2, v4;
	[tilespmem:s20+$0xA130] =	vst v0;
	v0 =	vmul.f32 $1.000000010e-01, v62  }
0x20b: {  	[tilespmem:s20+$0xA100] =	vst v48;
	v1 =	vadd.f32 v1, v3  }
0x20c: {  	[tilespmem:s20+$0xA140] =	vst v2;
	v0 =	vadd.f32 v0, v63  }
0x20d: {  	[tilespmem:s20+$0xA150] =	vst v1  }
0x20e: {  	[tilespmem:s20+$0xA160] =	vst v0  }
0x20f: {  	[spmem:s7] =	stream.linear.scatter [tilespmem:s8], [sflag:$0x2], $0x2800, $0x38;
	[tilespmem:$0x1B880] =	vst v63  }
0x210: {  	_ =	swait.ge [sflag:s9], $0x2800  }
0x211: {  	s18 =	sadd.s32 $0x1, s18;
	[sflag:s9] =	ssyncset.done $0x0  }
0x212: {  	p0 =	sne.s32 s18, $0xA;
	[sflag:s9] =	ssyncadd.s32 $0xFFFFD800  }
0x213: {  	[spmem:s6] =	stream.linear.scatter [tilespmem:s8], [sflag:$0x2], $0x2800, $0x38;
	[tilespmem:$0x1B880] =	vst v63  }
.Ltmp4:
0x214: {  	_ =	swait.ge [sflag:s9], $0x2800;
	(pc) =	sbr.rel @p0 .LBB2_5-.Ltmp4, $3  }
0x215: {  	[sflag:s9] =	ssyncset.done $0x0  }
0x216: {  	[sflag:s9] =	ssyncadd.s32 $0xFFFFD800  }
0x217: {  	[bflag:$0x0] =	sbarrier.arrive $0xFFFF;
	_ =	sdelay $0x1  }
0x218: {  	s2 =	sadd.s32 s5, s4  }
0x219: {  	s3 =	simm.s32 $0x0;
	s30 =	simm.s32 $0xA100;
	s31 =	simm.s32 $0x2  }
0x21a: {  	[hbm4b:s2+s3] =	stream.linear.scatter [tilespmem:s30], [sflag:$0x2], $0x2800, $0x38;
	[tilespmem:$0x1B880] =	vst v63  }
0x21b: {  	_ =	swait.ge [sflag:s31], $0x2800  }
0x21c: {  	[sflag:s31] =	ssyncset.done $0x0  }
0x21d: {  	[sflag:s31] =	ssyncadd.s32 $0xFFFFD800  }
0x21e: {  	_ =	sfence.sel $0x180000  }
0x21f: {  	[bflag:$0x0] =	sbarrier.arrive $0xFFFF  }
0x220: {  	p0 =	sne.s32 s0, $0x0;
	_ =	strace $0x9000004A  }
0x221: {  	s0 =	sadd.s32 @!p0 $0x100000, s1;
	[bflag:$0x2] =	sbarrier.arrive $0xFFFF  }
0x222: {  	[sflag:s0] =	ssyncadd.tile.s32 @!p0 $0x1;
	_ =	shalt  }
.Lfunc_end2:
_tile_overlayer_lowered:
.L_overlay_start_2:
0x223: {  	(tag) =	ssettag $0x2  }
0x224: {  	s0 =	rddreg [dreg:$0x0];
	s2 =	stileid.u32  }
0x225: {  	s1 =	rddreg [dreg:$0x1];
	p0 =	sne.s32 s2, $0x0  }
0x226: {  	s3 =	rddreg [dreg:$0x2];
	[bflag:$0x3] =	sbarrier.arrive $0xFFFF;
	s2 =	simm.s32 @!p0 $0x1C02  }
0x227: {  	[timem:s3], [sflag:s2] =	dma.local @!p0 [hbm:s0], s1  }
0x228: {  	s0 =	simm.s32 @!p0 $0x2  }
0x229: {  	_ =	swait.ge @!p0 [sflag:s0], s1  }
0x22a: {  	s1 =	ssub.s32 @!p0 $0x0, s1;
	[sflag:s0] =	ssyncset.done @!p0 $0x0  }
0x22b: {  	[sflag:s0] =	ssyncadd.s32 @!p0 s1  }
0x22c: {  	[bflag:$0x3] =	sbarrier.arrive $0xFFFF  }
0x22d: {  	_ =	shalt  }

</sc_bundles>
